<compile_context>
chip_gen: v7x
topology: tpu7x:2x2x1
jax: 0.10.2.dev20260603
libtpu: 0.0.44.dev20260713+nightly
codegen_flags: <defaults>
</compile_context>

<pallas_src>
import functools

import jax
import jax.numpy as jnp
from jax import lax
from jax.experimental import pallas as pl
from jax.experimental.pallas import tpu as pltpu
from jax.experimental.pallas import tpu_sc as plsc

NUM_NODES = 100000
NUM_EDGES = 1600000
NC = 2
NS = 16
NW = NC * NS
CHUNK = 128
STAGE = 8
TILE_CHUNKS = 392
OUTER = TILE_CHUNKS // STAGE
TOTAL_CHUNKS = TILE_CHUNKS * NW
EDGES_PAD = TOTAL_CHUNKS * CHUNK
NODES_PAD = 100352
SLICE = NODES_PAD // NS


@functools.lru_cache(maxsize=None)
def _make_sc_pass(feat, do_gather):
  mesh = plsc.VectorSubcoreMesh(core_axis_name="c", subcore_axis_name="s",
                                num_cores=NC, num_subcores=NS)
  frows = SLICE * feat // 128
  scratch = []
  if do_gather:
    scratch.append(pltpu.VMEM((STAGE, CHUNK), jnp.int32))
  scratch += [
      pltpu.VMEM((STAGE, CHUNK), jnp.int32),
      pltpu.VMEM((STAGE, CHUNK, feat), jnp.float32),
      pltpu.VMEM_SHARED((NODES_PAD, feat), jnp.float32),
      pltpu.SemaphoreType.DMA,
      pltpu.SemaphoreType.DMA,
  ]

  def body(*refs):
    if do_gather:
      (table, src2d, dst2d, zeros_blk, out,
       src_v, dst_v, rows_v, acc, sem_g, sem_s) = refs
    else:
      (table, dst2d, zeros_blk, out,
       dst_v, rows_v, acc, sem_g, sem_s) = refs
      src2d = src_v = None
    cid = lax.axis_index("c")
    sid = lax.axis_index("s")
    wid = sid * NC + cid
    pltpu.sync_copy(zeros_blk, acc.at[pl.ds(sid * SLICE, SLICE)])
    if not do_gather:
      for j in range(STAGE):
        pltpu.sync_copy(table, rows_v.at[j])
    plsc.subcore_barrier()

    row0 = wid * TILE_CHUNKS

    def outer(o, carry):
      base = row0 + o * STAGE
      pltpu.sync_copy(dst2d.at[pl.ds(base, STAGE)], dst_v)
      if do_gather:
        pltpu.sync_copy(src2d.at[pl.ds(base, STAGE)], src_v)
        gd = [pltpu.async_copy(table.at[src_v.at[j]], rows_v.at[j], sem_g)
              for j in range(STAGE)]
        for d in gd:
          d.wait()
      sd = [pltpu.async_copy(rows_v.at[j], acc.at[dst_v.at[j]], sem_s,
                             add=True)
            for j in range(STAGE)]
      for d in sd:
        d.wait()
      return carry

    lax.fori_loop(0, OUTER, outer, 0)
    plsc.subcore_barrier()
    pltpu.sync_copy(acc.at[pl.ds(sid * SLICE, SLICE)],
                    out.at[cid, pl.ds(sid * SLICE, SLICE)])

  return functools.partial(
      pl.kernel,
      out_type=jax.ShapeDtypeStruct((NC, NODES_PAD, feat), jnp.float32),
      mesh=mesh,
      scratch_types=scratch,
      compiler_params=pltpu.CompilerParams(use_tc_tiling_on_sc=False),
  )(body)


BLK = 2048
GRID = NODES_PAD // BLK
PR = 64


def _tc_prep_body(degp_ref, x_ref, g1_ref, dis_ref):
  deg = degp_ref[0] + degp_ref[1] + 1.0
  dis = lax.rsqrt(deg)
  dis_ref[...] = dis
  g1_ref[...] = x_ref[...] * dis


_tc_prep = pl.pallas_call(
    _tc_prep_body,
    grid=(GRID,),
    in_specs=[
        pl.BlockSpec((NC, BLK, 1), lambda i: (0, i, 0)),
        pl.BlockSpec((BLK, 4), lambda i: (i, 0)),
    ],
    out_specs=[
        pl.BlockSpec((BLK, 4), lambda i: (i, 0)),
        pl.BlockSpec((BLK, 1), lambda i: (i, 0)),
    ],
    out_shape=[
        jax.ShapeDtypeStruct((NODES_PAD, 4), jnp.float32),
        jax.ShapeDtypeStruct((NODES_PAD, 1), jnp.float32),
    ],
)


def _tc_mid_body(a1p_ref, x_ref, dis_ref, w1_ref, b1_ref, w2_ref,
                 g2_ref, sp2_ref):
  dis = dis_ref[...]
  dis2 = dis * dis
  a1 = a1p_ref[0] + a1p_ref[1]
  z = dis * a1 + dis2 * x_ref[...]
  h = jnp.dot(z, w1_ref[...], preferred_element_type=jnp.float32)
  h = jnp.maximum(h + b1_ref[...], 0.0)
  p = jnp.dot(h, w2_ref[...], preferred_element_type=jnp.float32)
  g2_ref[...] = dis * p
  sp2_ref[...] = dis2 * p


_tc_mid = pl.pallas_call(
    _tc_mid_body,
    grid=(GRID,),
    in_specs=[
        pl.BlockSpec((NC, BLK, 4), lambda i: (0, i, 0)),
        pl.BlockSpec((BLK, 4), lambda i: (i, 0)),
        pl.BlockSpec((BLK, 1), lambda i: (i, 0)),
        pl.BlockSpec((4, 64), lambda i: (0, 0)),
        pl.BlockSpec((1, 64), lambda i: (0, 0)),
        pl.BlockSpec((64, 2), lambda i: (0, 0)),
    ],
    out_specs=[
        pl.BlockSpec((BLK, 2), lambda i: (i, 0)),
        pl.BlockSpec((BLK, 2), lambda i: (i, 0)),
    ],
    out_shape=[
        jax.ShapeDtypeStruct((NODES_PAD, 2), jnp.float32),
        jax.ShapeDtypeStruct((NODES_PAD, 2), jnp.float32),
    ],
)


def _tc_final_body(a2p_ref, sp2_ref, dis_ref, b2_ref, out_ref):
  out_ref[...] = (dis_ref[...] * (a2p_ref[0] + a2p_ref[1])
                  + sp2_ref[...] + b2_ref[...])


_tc_final = pl.pallas_call(
    _tc_final_body,
    grid=(GRID,),
    in_specs=[
        pl.BlockSpec((NC, BLK, 2), lambda i: (0, i, 0)),
        pl.BlockSpec((BLK, 2), lambda i: (i, 0)),
        pl.BlockSpec((BLK, 1), lambda i: (i, 0)),
        pl.BlockSpec((1, 2), lambda i: (0, 0)),
    ],
    out_specs=pl.BlockSpec((BLK, 2), lambda i: (i, 0)),
    out_shape=jax.ShapeDtypeStruct((NODES_PAD, 2), jnp.float32),
)


def kernel(x, edge_index, W1, b1, W2, b2):
  pad = EDGES_PAD - NUM_EDGES
  ar = jnp.arange(pad, dtype=jnp.int32)
  src2d = jnp.concatenate([edge_index[0], ar % NUM_NODES]).reshape(
      TOTAL_CHUNKS, CHUNK)
  dst2d = jnp.concatenate([edge_index[1], NUM_NODES + (ar % CHUNK)]).reshape(
      TOTAL_CHUNKS, CHUNK)
  x_pad = jnp.zeros((NODES_PAD, 4), jnp.float32).at[:NUM_NODES].set(x)
  ones_rows = jnp.ones((CHUNK, 1), jnp.float32)
  z1 = jnp.zeros((SLICE, 1), jnp.float32)
  z4 = jnp.zeros((SLICE, 4), jnp.float32)
  z2 = jnp.zeros((SLICE, 2), jnp.float32)

  degp = _make_sc_pass(1, False)(ones_rows, dst2d, z1)
  g1, dis = _tc_prep(degp, x_pad)
  a1p = _make_sc_pass(4, True)(g1, src2d, dst2d, z4)
  g2, sp2 = _tc_mid(a1p, x_pad, dis, W1, b1.reshape(1, 64), W2)
  a2p = _make_sc_pass(2, True)(g2, src2d, dst2d, z2)
  out = _tc_final(a2p, sp2, dis, b2.reshape(1, 2))
  return out[:NUM_NODES]

# --- scband reference (transcript-rebuilt; emitter-appended) ---
"""Pipeline reference for scband-physics-gnn-54245436949070 (READ-ONLY COPY).

The authoritative reference and input builder live on the scoring server;
editing this copy changes nothing except your own understanding.
"""

import jax, jax.numpy as jnp
import numpy as np

N = 100000
E = 1600000


def gcn_conv(x, edge_index, W, b):
    # Faithful PyG GCNConv: add self-loops, symmetric normalization, linear (no lin bias), scatter-add, + bias param
    n = x.shape[0]
    loop = jnp.arange(n, dtype=edge_index.dtype)
    src = jnp.concatenate([edge_index[0], loop])
    dst = jnp.concatenate([edge_index[1], loop])
    h = x @ W
    ones = jnp.ones(src.shape[0], dtype=x.dtype)
    deg = jnp.zeros(n, dtype=x.dtype).at[dst].add(ones)
    deg_inv_sqrt = jnp.where(deg > 0, 1.0 / jnp.sqrt(deg), 0.0)
    norm = deg_inv_sqrt[src] * deg_inv_sqrt[dst]
    msgs = norm[:, None] * h[src]
    out = jnp.zeros((n, W.shape[1]), dtype=x.dtype).at[dst].add(msgs)
    return out + b


def setup_inputs(seed: int = 0) -> dict:
    key = jax.random.key(seed)
    k1, k2, k3, k4, k5, k6 = jax.random.split(key, 6)
    x = jax.random.normal(k1, (N, 4), dtype=jnp.float32)
    edge_index = jax.random.randint(k2, (2, E), 0, N, dtype=jnp.int32)
    # conv1: GCNConv(4, 64); conv2: GCNConv(64, 2)
    W1 = jax.random.normal(k3, (4, 64), dtype=jnp.float32) * (1.0 / np.sqrt(4.0))
    b1 = jnp.zeros((64,), dtype=jnp.float32)
    W2 = jax.random.normal(k4, (64, 2), dtype=jnp.float32) * (1.0 / np.sqrt(64.0))
    b2 = jnp.zeros((2,), dtype=jnp.float32)
    return {"x": x, "edge_index": edge_index, "W1": W1, "b1": b1, "W2": W2, "b2": b2}


def reference(x, edge_index, W1, b1, W2, b2):
    h = jax.nn.relu(gcn_conv(x, edge_index, W1, b1))
    out = gcn_conv(h, edge_index, W2, b2)
    return out

if __name__ == "__main__":
    import jax
    _d = setup_inputs()
    print(jax.jit(kernel)(*tuple(_d.values())))

</pallas_src>

<mosaic_0001>
#map = affine_map<(d0, d1) -> (0, 0)>
#map1 = affine_map<(d0, d1) -> (0, 0, 0)>
module attributes {stable_mosaic.version = 14 : i64} {
  func.func @body(%arg0: i32, %arg1: i32, %arg2: memref<128x1xf32, #tpu.memory_space<hbm>>, %arg3: memref<12544x128xi32, #tpu.memory_space<hbm>>, %arg4: memref<6272x1xf32, #tpu.memory_space<hbm>>, %arg5: memref<2x100352x1xf32, #tpu.memory_space<hbm>>, %arg6: memref<8x128xi32, #tpu.memory_space<vmem>>, %arg7: memref<8x128x1xf32, #tpu.memory_space<vmem>>, %arg8: memref<100352x1xf32, #tpu.memory_space<vmem_shared>>, %arg9: memref<!tpu.dma_semaphore, #tpu.memory_space<semaphore_mem>>, %arg10: memref<!tpu.dma_semaphore, #tpu.memory_space<semaphore_mem>>) attributes {dimension_semantics = [#tpu.dimension_semantics<core_parallel>, #tpu.dimension_semantics<subcore_parallel>], iteration_bounds = array<i64: 2, 16>, scalar_prefetch = 0 : i64, scratch_operands = 5 : i64, tpu.core_type = #tpu.core_type<sc_vector_subcore>, window_params = [{transform_indices = #map}, {transform_indices = #map}, {transform_indices = #map}, {transform_indices = #map1}]} {
    %mul3A = arith.constant 2 : i32
    %mul3A_0 = arith.muli %arg1, %mul3A : i32
    %add3A = arith.addi %mul3A_0, %arg0 : i32
    %mul3A_1 = arith.constant 6272 : i32
    %mul3A_2 = arith.muli %arg1, %mul3A_1 : i32
    "tpu.region"() ({
      %run_scoped3A_22 = tpu.sem_alloc : memref<!tpu.dma_semaphore, #tpu.memory_space<semaphore_mem>>
      %dma_start3A = arith.constant 0 : i32
      %dma_start3A_23 = tpu.memref_slice %arg8[%mul3A_2, %dma_start3A] : memref<100352x1xf32, #tpu.memory_space<vmem_shared>> -> memref<6272x1xf32, #tpu.memory_space<vmem_shared>>
      tpu.enqueue_dma source(%arg4 : memref<6272x1xf32, #tpu.memory_space<hbm>>) target(%dma_start3A_23 : memref<6272x1xf32, #tpu.memory_space<vmem_shared>>) target_semaphore(%run_scoped3A_22 : memref<!tpu.dma_semaphore, #tpu.memory_space<semaphore_mem>>)
      %dma_wait3A = arith.constant 0 : i32
      %dma_wait3A_24 = tpu.memref_slice %arg8[%mul3A_2, %dma_wait3A] : memref<100352x1xf32, #tpu.memory_space<vmem_shared>> -> memref<6272x1xf32, #tpu.memory_space<vmem_shared>>
      tpu.wait_dma2 semaphore(%run_scoped3A_22 : memref<!tpu.dma_semaphore, #tpu.memory_space<semaphore_mem>>) src(%arg4 : memref<6272x1xf32, #tpu.memory_space<hbm>>) dst(%dma_wait3A_24 : memref<6272x1xf32, #tpu.memory_space<vmem_shared>>)
      tpu.yield
    }) : () -> ()
    %run_scoped3A = arith.constant 0 : i32
    "tpu.region"() ({
      %run_scoped3A_22 = tpu.sem_alloc : memref<!tpu.dma_semaphore, #tpu.memory_space<semaphore_mem>>
      %dma_start3A = arith.constant 0 : i32
      %dma_start3A_23 = arith.constant 0 : i32
      %dma_start3A_24 = tpu.memref_slice %arg7[%run_scoped3A, %dma_start3A, %dma_start3A_23] : memref<8x128x1xf32, #tpu.memory_space<vmem>> -> memref<1x128x1xf32, #tpu.memory_space<vmem>>
      %dma_start3A_25 = tpu.memref_squeeze %dma_start3A_24 : memref<1x128x1xf32, #tpu.memory_space<vmem>> -> memref<128x1xf32, #tpu.memory_space<vmem>>
      %dma_start3A_26 = arith.constant 0 : i32
      %dma_start3A_27 = arith.constant 0 : i32
      %dma_start3A_28 = tpu.memref_slice %arg7[%run_scoped3A, %dma_start3A_26, %dma_start3A_27] : memref<8x128x1xf32, #tpu.memory_space<vmem>> -> memref<1x128x1xf32, #tpu.memory_space<vmem>>
      %dma_start3A_29 = tpu.memref_squeeze %dma_start3A_28 : memref<1x128x1xf32, #tpu.memory_space<vmem>> -> memref<128x1xf32, #tpu.memory_space<vmem>>
      tpu.enqueue_dma source(%arg2 : memref<128x1xf32, #tpu.memory_space<hbm>>) target(%dma_start3A_29 : memref<128x1xf32, #tpu.memory_space<vmem>>) target_semaphore(%run_scoped3A_22 : memref<!tpu.dma_semaphore, #tpu.memory_space<semaphore_mem>>)
      %dma_wait3A = arith.constant 0 : i32
      %dma_wait3A_30 = arith.constant 0 : i32
      %dma_wait3A_31 = tpu.memref_slice %arg7[%run_scoped3A, %dma_wait3A, %dma_wait3A_30] : memref<8x128x1xf32, #tpu.memory_space<vmem>> -> memref<1x128x1xf32, #tpu.memory_space<vmem>>
      %dma_wait3A_32 = tpu.memref_squeeze %dma_wait3A_31 : memref<1x128x1xf32, #tpu.memory_space<vmem>> -> memref<128x1xf32, #tpu.memory_space<vmem>>
      %dma_wait3A_33 = arith.constant 0 : i32
      %dma_wait3A_34 = arith.constant 0 : i32
      %dma_wait3A_35 = tpu.memref_slice %arg7[%run_scoped3A, %dma_wait3A_33, %dma_wait3A_34] : memref<8x128x1xf32, #tpu.memory_space<vmem>> -> memref<1x128x1xf32, #tpu.memory_space<vmem>>
      %dma_wait3A_36 = tpu.memref_squeeze %dma_wait3A_35 : memref<1x128x1xf32, #tpu.memory_space<vmem>> -> memref<128x1xf32, #tpu.memory_space<vmem>>
      tpu.wait_dma2 semaphore(%run_scoped3A_22 : memref<!tpu.dma_semaphore, #tpu.memory_space<semaphore_mem>>) src(%arg2 : memref<128x1xf32, #tpu.memory_space<hbm>>) dst(%dma_wait3A_36 : memref<128x1xf32, #tpu.memory_space<vmem>>)
      tpu.yield
    }) : () -> ()
    %run_scoped3A_3 = arith.constant 1 : i32
    "tpu.region"() ({
      %run_scoped3A_22 = tpu.sem_alloc : memref<!tpu.dma_semaphore, #tpu.memory_space<semaphore_mem>>
      %dma_start3A = arith.constant 0 : i32
      %dma_start3A_23 = arith.constant 0 : i32
      %dma_start3A_24 = tpu.memref_slice %arg7[%run_scoped3A_3, %dma_start3A, %dma_start3A_23] : memref<8x128x1xf32, #tpu.memory_space<vmem>> -> memref<1x128x1xf32, #tpu.memory_space<vmem>>
      %dma_start3A_25 = tpu.memref_squeeze %dma_start3A_24 : memref<1x128x1xf32, #tpu.memory_space<vmem>> -> memref<128x1xf32, #tpu.memory_space<vmem>>
      %dma_start3A_26 = arith.constant 0 : i32
      %dma_start3A_27 = arith.constant 0 : i32
      %dma_start3A_28 = tpu.memref_slice %arg7[%run_scoped3A_3, %dma_start3A_26, %dma_start3A_27] : memref<8x128x1xf32, #tpu.memory_space<vmem>> -> memref<1x128x1xf32, #tpu.memory_space<vmem>>
      %dma_start3A_29 = tpu.memref_squeeze %dma_start3A_28 : memref<1x128x1xf32, #tpu.memory_space<vmem>> -> memref<128x1xf32, #tpu.memory_space<vmem>>
      tpu.enqueue_dma source(%arg2 : memref<128x1xf32, #tpu.memory_space<hbm>>) target(%dma_start3A_29 : memref<128x1xf32, #tpu.memory_space<vmem>>) target_semaphore(%run_scoped3A_22 : memref<!tpu.dma_semaphore, #tpu.memory_space<semaphore_mem>>)
      %dma_wait3A = arith.constant 0 : i32
      %dma_wait3A_30 = arith.constant 0 : i32
      %dma_wait3A_31 = tpu.memref_slice %arg7[%run_scoped3A_3, %dma_wait3A, %dma_wait3A_30] : memref<8x128x1xf32, #tpu.memory_space<vmem>> -> memref<1x128x1xf32, #tpu.memory_space<vmem>>
      %dma_wait3A_32 = tpu.memref_squeeze %dma_wait3A_31 : memref<1x128x1xf32, #tpu.memory_space<vmem>> -> memref<128x1xf32, #tpu.memory_space<vmem>>
      %dma_wait3A_33 = arith.constant 0 : i32
      %dma_wait3A_34 = arith.constant 0 : i32
      %dma_wait3A_35 = tpu.memref_slice %arg7[%run_scoped3A_3, %dma_wait3A_33, %dma_wait3A_34] : memref<8x128x1xf32, #tpu.memory_space<vmem>> -> memref<1x128x1xf32, #tpu.memory_space<vmem>>
      %dma_wait3A_36 = tpu.memref_squeeze %dma_wait3A_35 : memref<1x128x1xf32, #tpu.memory_space<vmem>> -> memref<128x1xf32, #tpu.memory_space<vmem>>
      tpu.wait_dma2 semaphore(%run_scoped3A_22 : memref<!tpu.dma_semaphore, #tpu.memory_space<semaphore_mem>>) src(%arg2 : memref<128x1xf32, #tpu.memory_space<hbm>>) dst(%dma_wait3A_36 : memref<128x1xf32, #tpu.memory_space<vmem>>)
      tpu.yield
    }) : () -> ()
    %run_scoped3A_4 = arith.constant 2 : i32
    "tpu.region"() ({
      %run_scoped3A_22 = tpu.sem_alloc : memref<!tpu.dma_semaphore, #tpu.memory_space<semaphore_mem>>
      %dma_start3A = arith.constant 0 : i32
      %dma_start3A_23 = arith.constant 0 : i32
      %dma_start3A_24 = tpu.memref_slice %arg7[%run_scoped3A_4, %dma_start3A, %dma_start3A_23] : memref<8x128x1xf32, #tpu.memory_space<vmem>> -> memref<1x128x1xf32, #tpu.memory_space<vmem>>
      %dma_start3A_25 = tpu.memref_squeeze %dma_start3A_24 : memref<1x128x1xf32, #tpu.memory_space<vmem>> -> memref<128x1xf32, #tpu.memory_space<vmem>>
      %dma_start3A_26 = arith.constant 0 : i32
      %dma_start3A_27 = arith.constant 0 : i32
      %dma_start3A_28 = tpu.memref_slice %arg7[%run_scoped3A_4, %dma_start3A_26, %dma_start3A_27] : memref<8x128x1xf32, #tpu.memory_space<vmem>> -> memref<1x128x1xf32, #tpu.memory_space<vmem>>
      %dma_start3A_29 = tpu.memref_squeeze %dma_start3A_28 : memref<1x128x1xf32, #tpu.memory_space<vmem>> -> memref<128x1xf32, #tpu.memory_space<vmem>>
      tpu.enqueue_dma source(%arg2 : memref<128x1xf32, #tpu.memory_space<hbm>>) target(%dma_start3A_29 : memref<128x1xf32, #tpu.memory_space<vmem>>) target_semaphore(%run_scoped3A_22 : memref<!tpu.dma_semaphore, #tpu.memory_space<semaphore_mem>>)
      %dma_wait3A = arith.constant 0 : i32
      %dma_wait3A_30 = arith.constant 0 : i32
      %dma_wait3A_31 = tpu.memref_slice %arg7[%run_scoped3A_4, %dma_wait3A, %dma_wait3A_30] : memref<8x128x1xf32, #tpu.memory_space<vmem>> -> memref<1x128x1xf32, #tpu.memory_space<vmem>>
      %dma_wait3A_32 = tpu.memref_squeeze %dma_wait3A_31 : memref<1x128x1xf32, #tpu.memory_space<vmem>> -> memref<128x1xf32, #tpu.memory_space<vmem>>
      %dma_wait3A_33 = arith.constant 0 : i32
      %dma_wait3A_34 = arith.constant 0 : i32
      %dma_wait3A_35 = tpu.memref_slice %arg7[%run_scoped3A_4, %dma_wait3A_33, %dma_wait3A_34] : memref<8x128x1xf32, #tpu.memory_space<vmem>> -> memref<1x128x1xf32, #tpu.memory_space<vmem>>
      %dma_wait3A_36 = tpu.memref_squeeze %dma_wait3A_35 : memref<1x128x1xf32, #tpu.memory_space<vmem>> -> memref<128x1xf32, #tpu.memory_space<vmem>>
      tpu.wait_dma2 semaphore(%run_scoped3A_22 : memref<!tpu.dma_semaphore, #tpu.memory_space<semaphore_mem>>) src(%arg2 : memref<128x1xf32, #tpu.memory_space<hbm>>) dst(%dma_wait3A_36 : memref<128x1xf32, #tpu.memory_space<vmem>>)
      tpu.yield
    }) : () -> ()
    %run_scoped3A_5 = arith.constant 3 : i32
    "tpu.region"() ({
      %run_scoped3A_22 = tpu.sem_alloc : memref<!tpu.dma_semaphore, #tpu.memory_space<semaphore_mem>>
      %dma_start3A = arith.constant 0 : i32
      %dma_start3A_23 = arith.constant 0 : i32
      %dma_start3A_24 = tpu.memref_slice %arg7[%run_scoped3A_5, %dma_start3A, %dma_start3A_23] : memref<8x128x1xf32, #tpu.memory_space<vmem>> -> memref<1x128x1xf32, #tpu.memory_space<vmem>>
      %dma_start3A_25 = tpu.memref_squeeze %dma_start3A_24 : memref<1x128x1xf32, #tpu.memory_space<vmem>> -> memref<128x1xf32, #tpu.memory_space<vmem>>
      %dma_start3A_26 = arith.constant 0 : i32
      %dma_start3A_27 = arith.constant 0 : i32
      %dma_start3A_28 = tpu.memref_slice %arg7[%run_scoped3A_5, %dma_start3A_26, %dma_start3A_27] : memref<8x128x1xf32, #tpu.memory_space<vmem>> -> memref<1x128x1xf32, #tpu.memory_space<vmem>>
      %dma_start3A_29 = tpu.memref_squeeze %dma_start3A_28 : memref<1x128x1xf32, #tpu.memory_space<vmem>> -> memref<128x1xf32, #tpu.memory_space<vmem>>
      tpu.enqueue_dma source(%arg2 : memref<128x1xf32, #tpu.memory_space<hbm>>) target(%dma_start3A_29 : memref<128x1xf32, #tpu.memory_space<vmem>>) target_semaphore(%run_scoped3A_22 : memref<!tpu.dma_semaphore, #tpu.memory_space<semaphore_mem>>)
      %dma_wait3A = arith.constant 0 : i32
      %dma_wait3A_30 = arith.constant 0 : i32
      %dma_wait3A_31 = tpu.memref_slice %arg7[%run_scoped3A_5, %dma_wait3A, %dma_wait3A_30] : memref<8x128x1xf32, #tpu.memory_space<vmem>> -> memref<1x128x1xf32, #tpu.memory_space<vmem>>
      %dma_wait3A_32 = tpu.memref_squeeze %dma_wait3A_31 : memref<1x128x1xf32, #tpu.memory_space<vmem>> -> memref<128x1xf32, #tpu.memory_space<vmem>>
      %dma_wait3A_33 = arith.constant 0 : i32
      %dma_wait3A_34 = arith.constant 0 : i32
      %dma_wait3A_35 = tpu.memref_slice %arg7[%run_scoped3A_5, %dma_wait3A_33, %dma_wait3A_34] : memref<8x128x1xf32, #tpu.memory_space<vmem>> -> memref<1x128x1xf32, #tpu.memory_space<vmem>>
      %dma_wait3A_36 = tpu.memref_squeeze %dma_wait3A_35 : memref<1x128x1xf32, #tpu.memory_space<vmem>> -> memref<128x1xf32, #tpu.memory_space<vmem>>
      tpu.wait_dma2 semaphore(%run_scoped3A_22 : memref<!tpu.dma_semaphore, #tpu.memory_space<semaphore_mem>>) src(%arg2 : memref<128x1xf32, #tpu.memory_space<hbm>>) dst(%dma_wait3A_36 : memref<128x1xf32, #tpu.memory_space<vmem>>)
      tpu.yield
    }) : () -> ()
    %run_scoped3A_6 = arith.constant 4 : i32
    "tpu.region"() ({
      %run_scoped3A_22 = tpu.sem_alloc : memref<!tpu.dma_semaphore, #tpu.memory_space<semaphore_mem>>
      %dma_start3A = arith.constant 0 : i32
      %dma_start3A_23 = arith.constant 0 : i32
      %dma_start3A_24 = tpu.memref_slice %arg7[%run_scoped3A_6, %dma_start3A, %dma_start3A_23] : memref<8x128x1xf32, #tpu.memory_space<vmem>> -> memref<1x128x1xf32, #tpu.memory_space<vmem>>
      %dma_start3A_25 = tpu.memref_squeeze %dma_start3A_24 : memref<1x128x1xf32, #tpu.memory_space<vmem>> -> memref<128x1xf32, #tpu.memory_space<vmem>>
      %dma_start3A_26 = arith.constant 0 : i32
      %dma_start3A_27 = arith.constant 0 : i32
      %dma_start3A_28 = tpu.memref_slice %arg7[%run_scoped3A_6, %dma_start3A_26, %dma_start3A_27] : memref<8x128x1xf32, #tpu.memory_space<vmem>> -> memref<1x128x1xf32, #tpu.memory_space<vmem>>
      %dma_start3A_29 = tpu.memref_squeeze %dma_start3A_28 : memref<1x128x1xf32, #tpu.memory_space<vmem>> -> memref<128x1xf32, #tpu.memory_space<vmem>>
      tpu.enqueue_dma source(%arg2 : memref<128x1xf32, #tpu.memory_space<hbm>>) target(%dma_start3A_29 : memref<128x1xf32, #tpu.memory_space<vmem>>) target_semaphore(%run_scoped3A_22 : memref<!tpu.dma_semaphore, #tpu.memory_space<semaphore_mem>>)
      %dma_wait3A = arith.constant 0 : i32
      %dma_wait3A_30 = arith.constant 0 : i32
      %dma_wait3A_31 = tpu.memref_slice %arg7[%run_scoped3A_6, %dma_wait3A, %dma_wait3A_30] : memref<8x128x1xf32, #tpu.memory_space<vmem>> -> memref<1x128x1xf32, #tpu.memory_space<vmem>>
      %dma_wait3A_32 = tpu.memref_squeeze %dma_wait3A_31 : memref<1x128x1xf32, #tpu.memory_space<vmem>> -> memref<128x1xf32, #tpu.memory_space<vmem>>
      %dma_wait3A_33 = arith.constant 0 : i32
      %dma_wait3A_34 = arith.constant 0 : i32
      %dma_wait3A_35 = tpu.memref_slice %arg7[%run_scoped3A_6, %dma_wait3A_33, %dma_wait3A_34] : memref<8x128x1xf32, #tpu.memory_space<vmem>> -> memref<1x128x1xf32, #tpu.memory_space<vmem>>
      %dma_wait3A_36 = tpu.memref_squeeze %dma_wait3A_35 : memref<1x128x1xf32, #tpu.memory_space<vmem>> -> memref<128x1xf32, #tpu.memory_space<vmem>>
      tpu.wait_dma2 semaphore(%run_scoped3A_22 : memref<!tpu.dma_semaphore, #tpu.memory_space<semaphore_mem>>) src(%arg2 : memref<128x1xf32, #tpu.memory_space<hbm>>) dst(%dma_wait3A_36 : memref<128x1xf32, #tpu.memory_space<vmem>>)
      tpu.yield
    }) : () -> ()
    %run_scoped3A_7 = arith.constant 5 : i32
    "tpu.region"() ({
      %run_scoped3A_22 = tpu.sem_alloc : memref<!tpu.dma_semaphore, #tpu.memory_space<semaphore_mem>>
      %dma_start3A = arith.constant 0 : i32
      %dma_start3A_23 = arith.constant 0 : i32
      %dma_start3A_24 = tpu.memref_slice %arg7[%run_scoped3A_7, %dma_start3A, %dma_start3A_23] : memref<8x128x1xf32, #tpu.memory_space<vmem>> -> memref<1x128x1xf32, #tpu.memory_space<vmem>>
      %dma_start3A_25 = tpu.memref_squeeze %dma_start3A_24 : memref<1x128x1xf32, #tpu.memory_space<vmem>> -> memref<128x1xf32, #tpu.memory_space<vmem>>
      %dma_start3A_26 = arith.constant 0 : i32
      %dma_start3A_27 = arith.constant 0 : i32
      %dma_start3A_28 = tpu.memref_slice %arg7[%run_scoped3A_7, %dma_start3A_26, %dma_start3A_27] : memref<8x128x1xf32, #tpu.memory_space<vmem>> -> memref<1x128x1xf32, #tpu.memory_space<vmem>>
      %dma_start3A_29 = tpu.memref_squeeze %dma_start3A_28 : memref<1x128x1xf32, #tpu.memory_space<vmem>> -> memref<128x1xf32, #tpu.memory_space<vmem>>
      tpu.enqueue_dma source(%arg2 : memref<128x1xf32, #tpu.memory_space<hbm>>) target(%dma_start3A_29 : memref<128x1xf32, #tpu.memory_space<vmem>>) target_semaphore(%run_scoped3A_22 : memref<!tpu.dma_semaphore, #tpu.memory_space<semaphore_mem>>)
      %dma_wait3A = arith.constant 0 : i32
      %dma_wait3A_30 = arith.constant 0 : i32
      %dma_wait3A_31 = tpu.memref_slice %arg7[%run_scoped3A_7, %dma_wait3A, %dma_wait3A_30] : memref<8x128x1xf32, #tpu.memory_space<vmem>> -> memref<1x128x1xf32, #tpu.memory_space<vmem>>
      %dma_wait3A_32 = tpu.memref_squeeze %dma_wait3A_31 : memref<1x128x1xf32, #tpu.memory_space<vmem>> -> memref<128x1xf32, #tpu.memory_space<vmem>>
      %dma_wait3A_33 = arith.constant 0 : i32
      %dma_wait3A_34 = arith.constant 0 : i32
      %dma_wait3A_35 = tpu.memref_slice %arg7[%run_scoped3A_7, %dma_wait3A_33, %dma_wait3A_34] : memref<8x128x1xf32, #tpu.memory_space<vmem>> -> memref<1x128x1xf32, #tpu.memory_space<vmem>>
      %dma_wait3A_36 = tpu.memref_squeeze %dma_wait3A_35 : memref<1x128x1xf32, #tpu.memory_space<vmem>> -> memref<128x1xf32, #tpu.memory_space<vmem>>
      tpu.wait_dma2 semaphore(%run_scoped3A_22 : memref<!tpu.dma_semaphore, #tpu.memory_space<semaphore_mem>>) src(%arg2 : memref<128x1xf32, #tpu.memory_space<hbm>>) dst(%dma_wait3A_36 : memref<128x1xf32, #tpu.memory_space<vmem>>)
      tpu.yield
    }) : () -> ()
    %run_scoped3A_8 = arith.constant 6 : i32
    "tpu.region"() ({
      %run_scoped3A_22 = tpu.sem_alloc : memref<!tpu.dma_semaphore, #tpu.memory_space<semaphore_mem>>
      %dma_start3A = arith.constant 0 : i32
      %dma_start3A_23 = arith.constant 0 : i32
      %dma_start3A_24 = tpu.memref_slice %arg7[%run_scoped3A_8, %dma_start3A, %dma_start3A_23] : memref<8x128x1xf32, #tpu.memory_space<vmem>> -> memref<1x128x1xf32, #tpu.memory_space<vmem>>
      %dma_start3A_25 = tpu.memref_squeeze %dma_start3A_24 : memref<1x128x1xf32, #tpu.memory_space<vmem>> -> memref<128x1xf32, #tpu.memory_space<vmem>>
      %dma_start3A_26 = arith.constant 0 : i32
      %dma_start3A_27 = arith.constant 0 : i32
      %dma_start3A_28 = tpu.memref_slice %arg7[%run_scoped3A_8, %dma_start3A_26, %dma_start3A_27] : memref<8x128x1xf32, #tpu.memory_space<vmem>> -> memref<1x128x1xf32, #tpu.memory_space<vmem>>
      %dma_start3A_29 = tpu.memref_squeeze %dma_start3A_28 : memref<1x128x1xf32, #tpu.memory_space<vmem>> -> memref<128x1xf32, #tpu.memory_space<vmem>>
      tpu.enqueue_dma source(%arg2 : memref<128x1xf32, #tpu.memory_space<hbm>>) target(%dma_start3A_29 : memref<128x1xf32, #tpu.memory_space<vmem>>) target_semaphore(%run_scoped3A_22 : memref<!tpu.dma_semaphore, #tpu.memory_space<semaphore_mem>>)
      %dma_wait3A = arith.constant 0 : i32
      %dma_wait3A_30 = arith.constant 0 : i32
      %dma_wait3A_31 = tpu.memref_slice %arg7[%run_scoped3A_8, %dma_wait3A, %dma_wait3A_30] : memref<8x128x1xf32, #tpu.memory_space<vmem>> -> memref<1x128x1xf32, #tpu.memory_space<vmem>>
      %dma_wait3A_32 = tpu.memref_squeeze %dma_wait3A_31 : memref<1x128x1xf32, #tpu.memory_space<vmem>> -> memref<128x1xf32, #tpu.memory_space<vmem>>
      %dma_wait3A_33 = arith.constant 0 : i32
      %dma_wait3A_34 = arith.constant 0 : i32
      %dma_wait3A_35 = tpu.memref_slice %arg7[%run_scoped3A_8, %dma_wait3A_33, %dma_wait3A_34] : memref<8x128x1xf32, #tpu.memory_space<vmem>> -> memref<1x128x1xf32, #tpu.memory_space<vmem>>
      %dma_wait3A_36 = tpu.memref_squeeze %dma_wait3A_35 : memref<1x128x1xf32, #tpu.memory_space<vmem>> -> memref<128x1xf32, #tpu.memory_space<vmem>>
      tpu.wait_dma2 semaphore(%run_scoped3A_22 : memref<!tpu.dma_semaphore, #tpu.memory_space<semaphore_mem>>) src(%arg2 : memref<128x1xf32, #tpu.memory_space<hbm>>) dst(%dma_wait3A_36 : memref<128x1xf32, #tpu.memory_space<vmem>>)
      tpu.yield
    }) : () -> ()
    %run_scoped3A_9 = arith.constant 7 : i32
    "tpu.region"() ({
      %run_scoped3A_22 = tpu.sem_alloc : memref<!tpu.dma_semaphore, #tpu.memory_space<semaphore_mem>>
      %dma_start3A = arith.constant 0 : i32
      %dma_start3A_23 = arith.constant 0 : i32
      %dma_start3A_24 = tpu.memref_slice %arg7[%run_scoped3A_9, %dma_start3A, %dma_start3A_23] : memref<8x128x1xf32, #tpu.memory_space<vmem>> -> memref<1x128x1xf32, #tpu.memory_space<vmem>>
      %dma_start3A_25 = tpu.memref_squeeze %dma_start3A_24 : memref<1x128x1xf32, #tpu.memory_space<vmem>> -> memref<128x1xf32, #tpu.memory_space<vmem>>
      %dma_start3A_26 = arith.constant 0 : i32
      %dma_start3A_27 = arith.constant 0 : i32
      %dma_start3A_28 = tpu.memref_slice %arg7[%run_scoped3A_9, %dma_start3A_26, %dma_start3A_27] : memref<8x128x1xf32, #tpu.memory_space<vmem>> -> memref<1x128x1xf32, #tpu.memory_space<vmem>>
      %dma_start3A_29 = tpu.memref_squeeze %dma_start3A_28 : memref<1x128x1xf32, #tpu.memory_space<vmem>> -> memref<128x1xf32, #tpu.memory_space<vmem>>
      tpu.enqueue_dma source(%arg2 : memref<128x1xf32, #tpu.memory_space<hbm>>) target(%dma_start3A_29 : memref<128x1xf32, #tpu.memory_space<vmem>>) target_semaphore(%run_scoped3A_22 : memref<!tpu.dma_semaphore, #tpu.memory_space<semaphore_mem>>)
      %dma_wait3A = arith.constant 0 : i32
      %dma_wait3A_30 = arith.constant 0 : i32
      %dma_wait3A_31 = tpu.memref_slice %arg7[%run_scoped3A_9, %dma_wait3A, %dma_wait3A_30] : memref<8x128x1xf32, #tpu.memory_space<vmem>> -> memref<1x128x1xf32, #tpu.memory_space<vmem>>
      %dma_wait3A_32 = tpu.memref_squeeze %dma_wait3A_31 : memref<1x128x1xf32, #tpu.memory_space<vmem>> -> memref<128x1xf32, #tpu.memory_space<vmem>>
      %dma_wait3A_33 = arith.constant 0 : i32
      %dma_wait3A_34 = arith.constant 0 : i32
      %dma_wait3A_35 = tpu.memref_slice %arg7[%run_scoped3A_9, %dma_wait3A_33, %dma_wait3A_34] : memref<8x128x1xf32, #tpu.memory_space<vmem>> -> memref<1x128x1xf32, #tpu.memory_space<vmem>>
      %dma_wait3A_36 = tpu.memref_squeeze %dma_wait3A_35 : memref<1x128x1xf32, #tpu.memory_space<vmem>> -> memref<128x1xf32, #tpu.memory_space<vmem>>
      tpu.wait_dma2 semaphore(%run_scoped3A_22 : memref<!tpu.dma_semaphore, #tpu.memory_space<semaphore_mem>>) src(%arg2 : memref<128x1xf32, #tpu.memory_space<hbm>>) dst(%dma_wait3A_36 : memref<128x1xf32, #tpu.memory_space<vmem>>)
      tpu.yield
    }) : () -> ()
    %barrier3A = arith.constant 0 : index
    tpu.barrier barrier_id(%barrier3A)
    %mul3A_10 = arith.constant 392 : i32
    %mul3A_11 = arith.muli %add3A, %mul3A_10 : i32
    %scan3A = arith.constant 0 : i32
    %scan3A_12 = arith.constant 0 : i32
    %scan3A_13 = arith.constant 49 : i32
    %scan3A_14 = arith.addi %scan3A_12, %scan3A_13 : i32
    %scan3A_15 = arith.constant 1 : i32
    scf.for %scan3A_22 = %scan3A_12 to %scan3A_14 step %scan3A_15  : i32 {
      %mul3A_23 = arith.constant 8 : i32
      %mul3A_24 = arith.muli %scan3A_22, %mul3A_23 : i32
      %add3A_25 = arith.addi %mul3A_11, %mul3A_24 : i32
      "tpu.region"() ({
        %run_scoped3A_216 = tpu.sem_alloc : memref<!tpu.dma_semaphore, #tpu.memory_space<semaphore_mem>>
        %dma_start3A_217 = arith.constant 0 : i32
        %dma_start3A_218 = tpu.memref_slice %arg3[%add3A_25, %dma_start3A_217] : memref<12544x128xi32, #tpu.memory_space<hbm>> -> memref<8x128xi32, #tpu.memory_space<hbm>>
        %dma_start3A_219 = arith.constant 0 : i32
        %dma_start3A_220 = tpu.memref_slice %arg3[%add3A_25, %dma_start3A_219] : memref<12544x128xi32, #tpu.memory_space<hbm>> -> memref<8x128xi32, #tpu.memory_space<hbm>>
        tpu.enqueue_dma source(%dma_start3A_220 : memref<8x128xi32, #tpu.memory_space<hbm>>) target(%arg6 : memref<8x128xi32, #tpu.memory_space<vmem>>) target_semaphore(%run_scoped3A_216 : memref<!tpu.dma_semaphore, #tpu.memory_space<semaphore_mem>>)
        %dma_wait3A_221 = arith.constant 0 : i32
        %dma_wait3A_222 = tpu.memref_slice %arg3[%add3A_25, %dma_wait3A_221] : memref<12544x128xi32, #tpu.memory_space<hbm>> -> memref<8x128xi32, #tpu.memory_space<hbm>>
        %dma_wait3A_223 = arith.constant 0 : i32
        %dma_wait3A_224 = tpu.memref_slice %arg3[%add3A_25, %dma_wait3A_223] : memref<12544x128xi32, #tpu.memory_space<hbm>> -> memref<8x128xi32, #tpu.memory_space<hbm>>
        tpu.wait_dma2 semaphore(%run_scoped3A_216 : memref<!tpu.dma_semaphore, #tpu.memory_space<semaphore_mem>>) src(%dma_wait3A_224 : memref<8x128xi32, #tpu.memory_space<hbm>>) dst(%arg6 : memref<8x128xi32, #tpu.memory_space<vmem>>)
        tpu.yield
      }) : () -> ()
      %dma_start3A = arith.constant 0 : i32
      %dma_start3A_26 = arith.constant 0 : i32
      %dma_start3A_27 = arith.constant 0 : i32
      %dma_start3A_28 = arith.constant 0 : i32
      %dma_start3A_29 = tpu.memref_slice %arg7[%dma_start3A, %dma_start3A_27, %dma_start3A_28] : memref<8x128x1xf32, #tpu.memory_space<vmem>> -> memref<1x128x1xf32, #tpu.memory_space<vmem>>
      %dma_start3A_30 = tpu.memref_squeeze %dma_start3A_29 : memref<1x128x1xf32, #tpu.memory_space<vmem>> -> memref<128x1xf32, #tpu.memory_space<vmem>>
      %dma_start3A_31 = arith.constant 0 : i32
      %dma_start3A_32 = tpu.memref_slice %arg6[%dma_start3A_26, %dma_start3A_31] : memref<8x128xi32, #tpu.memory_space<vmem>> -> memref<1x128xi32, #tpu.memory_space<vmem>>
      %dma_start3A_33 = tpu.memref_squeeze %dma_start3A_32 : memref<1x128xi32, #tpu.memory_space<vmem>> -> memref<128xi32, #tpu.memory_space<vmem>>
      %dma_start3A_34 = arith.constant 0 : i32
      %dma_start3A_35 = arith.constant 0 : i32
      %dma_start3A_36 = tpu.memref_slice %arg8[%dma_start3A_34, %dma_start3A_35] : memref<100352x1xf32, #tpu.memory_space<vmem_shared>> -> memref<100352x1xf32, #tpu.memory_space<vmem_shared>>
      tpu.enqueue_indirect_dma source(%dma_start3A_30 : memref<128x1xf32, #tpu.memory_space<vmem>>) target(%dma_start3A_36 : memref<100352x1xf32, #tpu.memory_space<vmem_shared>>) offsets(%dma_start3A_33 : memref<128xi32, #tpu.memory_space<vmem>>) semaphore(%arg10 : memref<!tpu.dma_semaphore, #tpu.memory_space<semaphore_mem>>) {add = true}
      %dma_start3A_37 = arith.constant 1 : i32
      %dma_start3A_38 = arith.constant 1 : i32
      %dma_start3A_39 = arith.constant 0 : i32
      %dma_start3A_40 = arith.constant 0 : i32
      %dma_start3A_41 = tpu.memref_slice %arg7[%dma_start3A_37, %dma_start3A_39, %dma_start3A_40] : memref<8x128x1xf32, #tpu.memory_space<vmem>> -> memref<1x128x1xf32, #tpu.memory_space<vmem>>
      %dma_start3A_42 = tpu.memref_squeeze %dma_start3A_41 : memref<1x128x1xf32, #tpu.memory_space<vmem>> -> memref<128x1xf32, #tpu.memory_space<vmem>>
      %dma_start3A_43 = arith.constant 0 : i32
      %dma_start3A_44 = tpu.memref_slice %arg6[%dma_start3A_38, %dma_start3A_43] : memref<8x128xi32, #tpu.memory_space<vmem>> -> memref<1x128xi32, #tpu.memory_space<vmem>>
      %dma_start3A_45 = tpu.memref_squeeze %dma_start3A_44 : memref<1x128xi32, #tpu.memory_space<vmem>> -> memref<128xi32, #tpu.memory_space<vmem>>
      %dma_start3A_46 = arith.constant 0 : i32
      %dma_start3A_47 = arith.constant 0 : i32
      %dma_start3A_48 = tpu.memref_slice %arg8[%dma_start3A_46, %dma_start3A_47] : memref<100352x1xf32, #tpu.memory_space<vmem_shared>> -> memref<100352x1xf32, #tpu.memory_space<vmem_shared>>
      tpu.enqueue_indirect_dma source(%dma_start3A_42 : memref<128x1xf32, #tpu.memory_space<vmem>>) target(%dma_start3A_48 : memref<100352x1xf32, #tpu.memory_space<vmem_shared>>) offsets(%dma_start3A_45 : memref<128xi32, #tpu.memory_space<vmem>>) semaphore(%arg10 : memref<!tpu.dma_semaphore, #tpu.memory_space<semaphore_mem>>) {add = true}
      %dma_start3A_49 = arith.constant 2 : i32
      %dma_start3A_50 = arith.constant 2 : i32
      %dma_start3A_51 = arith.constant 0 : i32
      %dma_start3A_52 = arith.constant 0 : i32
      %dma_start3A_53 = tpu.memref_slice %arg7[%dma_start3A_49, %dma_start3A_51, %dma_start3A_52] : memref<8x128x1xf32, #tpu.memory_space<vmem>> -> memref<1x128x1xf32, #tpu.memory_space<vmem>>
      %dma_start3A_54 = tpu.memref_squeeze %dma_start3A_53 : memref<1x128x1xf32, #tpu.memory_space<vmem>> -> memref<128x1xf32, #tpu.memory_space<vmem>>
      %dma_start3A_55 = arith.constant 0 : i32
      %dma_start3A_56 = tpu.memref_slice %arg6[%dma_start3A_50, %dma_start3A_55] : memref<8x128xi32, #tpu.memory_space<vmem>> -> memref<1x128xi32, #tpu.memory_space<vmem>>
      %dma_start3A_57 = tpu.memref_squeeze %dma_start3A_56 : memref<1x128xi32, #tpu.memory_space<vmem>> -> memref<128xi32, #tpu.memory_space<vmem>>
      %dma_start3A_58 = arith.constant 0 : i32
      %dma_start3A_59 = arith.constant 0 : i32
      %dma_start3A_60 = tpu.memref_slice %arg8[%dma_start3A_58, %dma_start3A_59] : memref<100352x1xf32, #tpu.memory_space<vmem_shared>> -> memref<100352x1xf32, #tpu.memory_space<vmem_shared>>
      tpu.enqueue_indirect_dma source(%dma_start3A_54 : memref<128x1xf32, #tpu.memory_space<vmem>>) target(%dma_start3A_60 : memref<100352x1xf32, #tpu.memory_space<vmem_shared>>) offsets(%dma_start3A_57 : memref<128xi32, #tpu.memory_space<vmem>>) semaphore(%arg10 : memref<!tpu.dma_semaphore, #tpu.memory_space<semaphore_mem>>) {add = true}
      %dma_start3A_61 = arith.constant 3 : i32
      %dma_start3A_62 = arith.constant 3 : i32
      %dma_start3A_63 = arith.constant 0 : i32
      %dma_start3A_64 = arith.constant 0 : i32
      %dma_start3A_65 = tpu.memref_slice %arg7[%dma_start3A_61, %dma_start3A_63, %dma_start3A_64] : memref<8x128x1xf32, #tpu.memory_space<vmem>> -> memref<1x128x1xf32, #tpu.memory_space<vmem>>
      %dma_start3A_66 = tpu.memref_squeeze %dma_start3A_65 : memref<1x128x1xf32, #tpu.memory_space<vmem>> -> memref<128x1xf32, #tpu.memory_space<vmem>>
      %dma_start3A_67 = arith.constant 0 : i32
      %dma_start3A_68 = tpu.memref_slice %arg6[%dma_start3A_62, %dma_start3A_67] : memref<8x128xi32, #tpu.memory_space<vmem>> -> memref<1x128xi32, #tpu.memory_space<vmem>>
      %dma_start3A_69 = tpu.memref_squeeze %dma_start3A_68 : memref<1x128xi32, #tpu.memory_space<vmem>> -> memref<128xi32, #tpu.memory_space<vmem>>
      %dma_start3A_70 = arith.constant 0 : i32
      %dma_start3A_71 = arith.constant 0 : i32
      %dma_start3A_72 = tpu.memref_slice %arg8[%dma_start3A_70, %dma_start3A_71] : memref<100352x1xf32, #tpu.memory_space<vmem_shared>> -> memref<100352x1xf32, #tpu.memory_space<vmem_shared>>
      tpu.enqueue_indirect_dma source(%dma_start3A_66 : memref<128x1xf32, #tpu.memory_space<vmem>>) target(%dma_start3A_72 : memref<100352x1xf32, #tpu.memory_space<vmem_shared>>) offsets(%dma_start3A_69 : memref<128xi32, #tpu.memory_space<vmem>>) semaphore(%arg10 : memref<!tpu.dma_semaphore, #tpu.memory_space<semaphore_mem>>) {add = true}
      %dma_start3A_73 = arith.constant 4 : i32
      %dma_start3A_74 = arith.constant 4 : i32
      %dma_start3A_75 = arith.constant 0 : i32
      %dma_start3A_76 = arith.constant 0 : i32
      %dma_start3A_77 = tpu.memref_slice %arg7[%dma_start3A_73, %dma_start3A_75, %dma_start3A_76] : memref<8x128x1xf32, #tpu.memory_space<vmem>> -> memref<1x128x1xf32, #tpu.memory_space<vmem>>
      %dma_start3A_78 = tpu.memref_squeeze %dma_start3A_77 : memref<1x128x1xf32, #tpu.memory_space<vmem>> -> memref<128x1xf32, #tpu.memory_space<vmem>>
      %dma_start3A_79 = arith.constant 0 : i32
      %dma_start3A_80 = tpu.memref_slice %arg6[%dma_start3A_74, %dma_start3A_79] : memref<8x128xi32, #tpu.memory_space<vmem>> -> memref<1x128xi32, #tpu.memory_space<vmem>>
      %dma_start3A_81 = tpu.memref_squeeze %dma_start3A_80 : memref<1x128xi32, #tpu.memory_space<vmem>> -> memref<128xi32, #tpu.memory_space<vmem>>
      %dma_start3A_82 = arith.constant 0 : i32
      %dma_start3A_83 = arith.constant 0 : i32
      %dma_start3A_84 = tpu.memref_slice %arg8[%dma_start3A_82, %dma_start3A_83] : memref<100352x1xf32, #tpu.memory_space<vmem_shared>> -> memref<100352x1xf32, #tpu.memory_space<vmem_shared>>
      tpu.enqueue_indirect_dma source(%dma_start3A_78 : memref<128x1xf32, #tpu.memory_space<vmem>>) target(%dma_start3A_84 : memref<100352x1xf32, #tpu.memory_space<vmem_shared>>) offsets(%dma_start3A_81 : memref<128xi32, #tpu.memory_space<vmem>>) semaphore(%arg10 : memref<!tpu.dma_semaphore, #tpu.memory_space<semaphore_mem>>) {add = true}
      %dma_start3A_85 = arith.constant 5 : i32
      %dma_start3A_86 = arith.constant 5 : i32
      %dma_start3A_87 = arith.constant 0 : i32
      %dma_start3A_88 = arith.constant 0 : i32
      %dma_start3A_89 = tpu.memref_slice %arg7[%dma_start3A_85, %dma_start3A_87, %dma_start3A_88] : memref<8x128x1xf32, #tpu.memory_space<vmem>> -> memref<1x128x1xf32, #tpu.memory_space<vmem>>
      %dma_start3A_90 = tpu.memref_squeeze %dma_start3A_89 : memref<1x128x1xf32, #tpu.memory_space<vmem>> -> memref<128x1xf32, #tpu.memory_space<vmem>>
      %dma_start3A_91 = arith.constant 0 : i32
      %dma_start3A_92 = tpu.memref_slice %arg6[%dma_start3A_86, %dma_start3A_91] : memref<8x128xi32, #tpu.memory_space<vmem>> -> memref<1x128xi32, #tpu.memory_space<vmem>>
      %dma_start3A_93 = tpu.memref_squeeze %dma_start3A_92 : memref<1x128xi32, #tpu.memory_space<vmem>> -> memref<128xi32, #tpu.memory_space<vmem>>
      %dma_start3A_94 = arith.constant 0 : i32
      %dma_start3A_95 = arith.constant 0 : i32
      %dma_start3A_96 = tpu.memref_slice %arg8[%dma_start3A_94, %dma_start3A_95] : memref<100352x1xf32, #tpu.memory_space<vmem_shared>> -> memref<100352x1xf32, #tpu.memory_space<vmem_shared>>
      tpu.enqueue_indirect_dma source(%dma_start3A_90 : memref<128x1xf32, #tpu.memory_space<vmem>>) target(%dma_start3A_96 : memref<100352x1xf32, #tpu.memory_space<vmem_shared>>) offsets(%dma_start3A_93 : memref<128xi32, #tpu.memory_space<vmem>>) semaphore(%arg10 : memref<!tpu.dma_semaphore, #tpu.memory_space<semaphore_mem>>) {add = true}
      %dma_start3A_97 = arith.constant 6 : i32
      %dma_start3A_98 = arith.constant 6 : i32
      %dma_start3A_99 = arith.constant 0 : i32
      %dma_start3A_100 = arith.constant 0 : i32
      %dma_start3A_101 = tpu.memref_slice %arg7[%dma_start3A_97, %dma_start3A_99, %dma_start3A_100] : memref<8x128x1xf32, #tpu.memory_space<vmem>> -> memref<1x128x1xf32, #tpu.memory_space<vmem>>
      %dma_start3A_102 = tpu.memref_squeeze %dma_start3A_101 : memref<1x128x1xf32, #tpu.memory_space<vmem>> -> memref<128x1xf32, #tpu.memory_space<vmem>>
      %dma_start3A_103 = arith.constant 0 : i32
      %dma_start3A_104 = tpu.memref_slice %arg6[%dma_start3A_98, %dma_start3A_103] : memref<8x128xi32, #tpu.memory_space<vmem>> -> memref<1x128xi32, #tpu.memory_space<vmem>>
      %dma_start3A_105 = tpu.memref_squeeze %dma_start3A_104 : memref<1x128xi32, #tpu.memory_space<vmem>> -> memref<128xi32, #tpu.memory_space<vmem>>
      %dma_start3A_106 = arith.constant 0 : i32
      %dma_start3A_107 = arith.constant 0 : i32
      %dma_start3A_108 = tpu.memref_slice %arg8[%dma_start3A_106, %dma_start3A_107] : memref<100352x1xf32, #tpu.memory_space<vmem_shared>> -> memref<100352x1xf32, #tpu.memory_space<vmem_shared>>
      tpu.enqueue_indirect_dma source(%dma_start3A_102 : memref<128x1xf32, #tpu.memory_space<vmem>>) target(%dma_start3A_108 : memref<100352x1xf32, #tpu.memory_space<vmem_shared>>) offsets(%dma_start3A_105 : memref<128xi32, #tpu.memory_space<vmem>>) semaphore(%arg10 : memref<!tpu.dma_semaphore, #tpu.memory_space<semaphore_mem>>) {add = true}
      %dma_start3A_109 = arith.constant 7 : i32
      %dma_start3A_110 = arith.constant 7 : i32
      %dma_start3A_111 = arith.constant 0 : i32
      %dma_start3A_112 = arith.constant 0 : i32
      %dma_start3A_113 = tpu.memref_slice %arg7[%dma_start3A_109, %dma_start3A_111, %dma_start3A_112] : memref<8x128x1xf32, #tpu.memory_space<vmem>> -> memref<1x128x1xf32, #tpu.memory_space<vmem>>
      %dma_start3A_114 = tpu.memref_squeeze %dma_start3A_113 : memref<1x128x1xf32, #tpu.memory_space<vmem>> -> memref<128x1xf32, #tpu.memory_space<vmem>>
      %dma_start3A_115 = arith.constant 0 : i32
      %dma_start3A_116 = tpu.memref_slice %arg6[%dma_start3A_110, %dma_start3A_115] : memref<8x128xi32, #tpu.memory_space<vmem>> -> memref<1x128xi32, #tpu.memory_space<vmem>>
      %dma_start3A_117 = tpu.memref_squeeze %dma_start3A_116 : memref<1x128xi32, #tpu.memory_space<vmem>> -> memref<128xi32, #tpu.memory_space<vmem>>
      %dma_start3A_118 = arith.constant 0 : i32
      %dma_start3A_119 = arith.constant 0 : i32
      %dma_start3A_120 = tpu.memref_slice %arg8[%dma_start3A_118, %dma_start3A_119] : memref<100352x1xf32, #tpu.memory_space<vmem_shared>> -> memref<100352x1xf32, #tpu.memory_space<vmem_shared>>
      tpu.enqueue_indirect_dma source(%dma_start3A_114 : memref<128x1xf32, #tpu.memory_space<vmem>>) target(%dma_start3A_120 : memref<100352x1xf32, #tpu.memory_space<vmem_shared>>) offsets(%dma_start3A_117 : memref<128xi32, #tpu.memory_space<vmem>>) semaphore(%arg10 : memref<!tpu.dma_semaphore, #tpu.memory_space<semaphore_mem>>) {add = true}
      %dma_wait3A = arith.constant 0 : i32
      %dma_wait3A_121 = arith.constant 0 : i32
      %dma_wait3A_122 = arith.constant 0 : i32
      %dma_wait3A_123 = arith.constant 0 : i32
      %dma_wait3A_124 = tpu.memref_slice %arg7[%dma_wait3A, %dma_wait3A_122, %dma_wait3A_123] : memref<8x128x1xf32, #tpu.memory_space<vmem>> -> memref<1x128x1xf32, #tpu.memory_space<vmem>>
      %dma_wait3A_125 = tpu.memref_squeeze %dma_wait3A_124 : memref<1x128x1xf32, #tpu.memory_space<vmem>> -> memref<128x1xf32, #tpu.memory_space<vmem>>
      %dma_wait3A_126 = arith.constant 0 : i32
      %dma_wait3A_127 = tpu.memref_slice %arg6[%dma_wait3A_121, %dma_wait3A_126] : memref<8x128xi32, #tpu.memory_space<vmem>> -> memref<1x128xi32, #tpu.memory_space<vmem>>
      %dma_wait3A_128 = tpu.memref_squeeze %dma_wait3A_127 : memref<1x128xi32, #tpu.memory_space<vmem>> -> memref<128xi32, #tpu.memory_space<vmem>>
      %dma_wait3A_129 = arith.constant 0 : i32
      %dma_wait3A_130 = arith.constant 0 : i32
      %dma_wait3A_131 = tpu.memref_slice %arg8[%dma_wait3A_129, %dma_wait3A_130] : memref<100352x1xf32, #tpu.memory_space<vmem_shared>> -> memref<100352x1xf32, #tpu.memory_space<vmem_shared>>
      tpu.wait_indirect_dma semaphore(%arg10 : memref<!tpu.dma_semaphore, #tpu.memory_space<semaphore_mem>>) src(%dma_wait3A_125 : memref<128x1xf32, #tpu.memory_space<vmem>>) dst(%dma_wait3A_131 : memref<100352x1xf32, #tpu.memory_space<vmem_shared>>)
      %dma_wait3A_132 = arith.constant 1 : i32
      %dma_wait3A_133 = arith.constant 1 : i32
      %dma_wait3A_134 = arith.constant 0 : i32
      %dma_wait3A_135 = arith.constant 0 : i32
      %dma_wait3A_136 = tpu.memref_slice %arg7[%dma_wait3A_132, %dma_wait3A_134, %dma_wait3A_135] : memref<8x128x1xf32, #tpu.memory_space<vmem>> -> memref<1x128x1xf32, #tpu.memory_space<vmem>>
      %dma_wait3A_137 = tpu.memref_squeeze %dma_wait3A_136 : memref<1x128x1xf32, #tpu.memory_space<vmem>> -> memref<128x1xf32, #tpu.memory_space<vmem>>
      %dma_wait3A_138 = arith.constant 0 : i32
      %dma_wait3A_139 = tpu.memref_slice %arg6[%dma_wait3A_133, %dma_wait3A_138] : memref<8x128xi32, #tpu.memory_space<vmem>> -> memref<1x128xi32, #tpu.memory_space<vmem>>
      %dma_wait3A_140 = tpu.memref_squeeze %dma_wait3A_139 : memref<1x128xi32, #tpu.memory_space<vmem>> -> memref<128xi32, #tpu.memory_space<vmem>>
      %dma_wait3A_141 = arith.constant 0 : i32
      %dma_wait3A_142 = arith.constant 0 : i32
      %dma_wait3A_143 = tpu.memref_slice %arg8[%dma_wait3A_141, %dma_wait3A_142] : memref<100352x1xf32, #tpu.memory_space<vmem_shared>> -> memref<100352x1xf32, #tpu.memory_space<vmem_shared>>
      tpu.wait_indirect_dma semaphore(%arg10 : memref<!tpu.dma_semaphore, #tpu.memory_space<semaphore_mem>>) src(%dma_wait3A_137 : memref<128x1xf32, #tpu.memory_space<vmem>>) dst(%dma_wait3A_143 : memref<100352x1xf32, #tpu.memory_space<vmem_shared>>)
      %dma_wait3A_144 = arith.constant 2 : i32
      %dma_wait3A_145 = arith.constant 2 : i32
      %dma_wait3A_146 = arith.constant 0 : i32
      %dma_wait3A_147 = arith.constant 0 : i32
      %dma_wait3A_148 = tpu.memref_slice %arg7[%dma_wait3A_144, %dma_wait3A_146, %dma_wait3A_147] : memref<8x128x1xf32, #tpu.memory_space<vmem>> -> memref<1x128x1xf32, #tpu.memory_space<vmem>>
      %dma_wait3A_149 = tpu.memref_squeeze %dma_wait3A_148 : memref<1x128x1xf32, #tpu.memory_space<vmem>> -> memref<128x1xf32, #tpu.memory_space<vmem>>
      %dma_wait3A_150 = arith.constant 0 : i32
      %dma_wait3A_151 = tpu.memref_slice %arg6[%dma_wait3A_145, %dma_wait3A_150] : memref<8x128xi32, #tpu.memory_space<vmem>> -> memref<1x128xi32, #tpu.memory_space<vmem>>
      %dma_wait3A_152 = tpu.memref_squeeze %dma_wait3A_151 : memref<1x128xi32, #tpu.memory_space<vmem>> -> memref<128xi32, #tpu.memory_space<vmem>>
      %dma_wait3A_153 = arith.constant 0 : i32
      %dma_wait3A_154 = arith.constant 0 : i32
      %dma_wait3A_155 = tpu.memref_slice %arg8[%dma_wait3A_153, %dma_wait3A_154] : memref<100352x1xf32, #tpu.memory_space<vmem_shared>> -> memref<100352x1xf32, #tpu.memory_space<vmem_shared>>
      tpu.wait_indirect_dma semaphore(%arg10 : memref<!tpu.dma_semaphore, #tpu.memory_space<semaphore_mem>>) src(%dma_wait3A_149 : memref<128x1xf32, #tpu.memory_space<vmem>>) dst(%dma_wait3A_155 : memref<100352x1xf32, #tpu.memory_space<vmem_shared>>)
      %dma_wait3A_156 = arith.constant 3 : i32
      %dma_wait3A_157 = arith.constant 3 : i32
      %dma_wait3A_158 = arith.constant 0 : i32
      %dma_wait3A_159 = arith.constant 0 : i32
      %dma_wait3A_160 = tpu.memref_slice %arg7[%dma_wait3A_156, %dma_wait3A_158, %dma_wait3A_159] : memref<8x128x1xf32, #tpu.memory_space<vmem>> -> memref<1x128x1xf32, #tpu.memory_space<vmem>>
      %dma_wait3A_161 = tpu.memref_squeeze %dma_wait3A_160 : memref<1x128x1xf32, #tpu.memory_space<vmem>> -> memref<128x1xf32, #tpu.memory_space<vmem>>
      %dma_wait3A_162 = arith.constant 0 : i32
      %dma_wait3A_163 = tpu.memref_slice %arg6[%dma_wait3A_157, %dma_wait3A_162] : memref<8x128xi32, #tpu.memory_space<vmem>> -> memref<1x128xi32, #tpu.memory_space<vmem>>
      %dma_wait3A_164 = tpu.memref_squeeze %dma_wait3A_163 : memref<1x128xi32, #tpu.memory_space<vmem>> -> memref<128xi32, #tpu.memory_space<vmem>>
      %dma_wait3A_165 = arith.constant 0 : i32
      %dma_wait3A_166 = arith.constant 0 : i32
      %dma_wait3A_167 = tpu.memref_slice %arg8[%dma_wait3A_165, %dma_wait3A_166] : memref<100352x1xf32, #tpu.memory_space<vmem_shared>> -> memref<100352x1xf32, #tpu.memory_space<vmem_shared>>
      tpu.wait_indirect_dma semaphore(%arg10 : memref<!tpu.dma_semaphore, #tpu.memory_space<semaphore_mem>>) src(%dma_wait3A_161 : memref<128x1xf32, #tpu.memory_space<vmem>>) dst(%dma_wait3A_167 : memref<100352x1xf32, #tpu.memory_space<vmem_shared>>)
      %dma_wait3A_168 = arith.constant 4 : i32
      %dma_wait3A_169 = arith.constant 4 : i32
      %dma_wait3A_170 = arith.constant 0 : i32
      %dma_wait3A_171 = arith.constant 0 : i32
      %dma_wait3A_172 = tpu.memref_slice %arg7[%dma_wait3A_168, %dma_wait3A_170, %dma_wait3A_171] : memref<8x128x1xf32, #tpu.memory_space<vmem>> -> memref<1x128x1xf32, #tpu.memory_space<vmem>>
      %dma_wait3A_173 = tpu.memref_squeeze %dma_wait3A_172 : memref<1x128x1xf32, #tpu.memory_space<vmem>> -> memref<128x1xf32, #tpu.memory_space<vmem>>
      %dma_wait3A_174 = arith.constant 0 : i32
      %dma_wait3A_175 = tpu.memref_slice %arg6[%dma_wait3A_169, %dma_wait3A_174] : memref<8x128xi32, #tpu.memory_space<vmem>> -> memref<1x128xi32, #tpu.memory_space<vmem>>
      %dma_wait3A_176 = tpu.memref_squeeze %dma_wait3A_175 : memref<1x128xi32, #tpu.memory_space<vmem>> -> memref<128xi32, #tpu.memory_space<vmem>>
      %dma_wait3A_177 = arith.constant 0 : i32
      %dma_wait3A_178 = arith.constant 0 : i32
      %dma_wait3A_179 = tpu.memref_slice %arg8[%dma_wait3A_177, %dma_wait3A_178] : memref<100352x1xf32, #tpu.memory_space<vmem_shared>> -> memref<100352x1xf32, #tpu.memory_space<vmem_shared>>
      tpu.wait_indirect_dma semaphore(%arg10 : memref<!tpu.dma_semaphore, #tpu.memory_space<semaphore_mem>>) src(%dma_wait3A_173 : memref<128x1xf32, #tpu.memory_space<vmem>>) dst(%dma_wait3A_179 : memref<100352x1xf32, #tpu.memory_space<vmem_shared>>)
      %dma_wait3A_180 = arith.constant 5 : i32
      %dma_wait3A_181 = arith.constant 5 : i32
      %dma_wait3A_182 = arith.constant 0 : i32
      %dma_wait3A_183 = arith.constant 0 : i32
      %dma_wait3A_184 = tpu.memref_slice %arg7[%dma_wait3A_180, %dma_wait3A_182, %dma_wait3A_183] : memref<8x128x1xf32, #tpu.memory_space<vmem>> -> memref<1x128x1xf32, #tpu.memory_space<vmem>>
      %dma_wait3A_185 = tpu.memref_squeeze %dma_wait3A_184 : memref<1x128x1xf32, #tpu.memory_space<vmem>> -> memref<128x1xf32, #tpu.memory_space<vmem>>
      %dma_wait3A_186 = arith.constant 0 : i32
      %dma_wait3A_187 = tpu.memref_slice %arg6[%dma_wait3A_181, %dma_wait3A_186] : memref<8x128xi32, #tpu.memory_space<vmem>> -> memref<1x128xi32, #tpu.memory_space<vmem>>
      %dma_wait3A_188 = tpu.memref_squeeze %dma_wait3A_187 : memref<1x128xi32, #tpu.memory_space<vmem>> -> memref<128xi32, #tpu.memory_space<vmem>>
      %dma_wait3A_189 = arith.constant 0 : i32
      %dma_wait3A_190 = arith.constant 0 : i32
      %dma_wait3A_191 = tpu.memref_slice %arg8[%dma_wait3A_189, %dma_wait3A_190] : memref<100352x1xf32, #tpu.memory_space<vmem_shared>> -> memref<100352x1xf32, #tpu.memory_space<vmem_shared>>
      tpu.wait_indirect_dma semaphore(%arg10 : memref<!tpu.dma_semaphore, #tpu.memory_space<semaphore_mem>>) src(%dma_wait3A_185 : memref<128x1xf32, #tpu.memory_space<vmem>>) dst(%dma_wait3A_191 : memref<100352x1xf32, #tpu.memory_space<vmem_shared>>)
      %dma_wait3A_192 = arith.constant 6 : i32
      %dma_wait3A_193 = arith.constant 6 : i32
      %dma_wait3A_194 = arith.constant 0 : i32
      %dma_wait3A_195 = arith.constant 0 : i32
      %dma_wait3A_196 = tpu.memref_slice %arg7[%dma_wait3A_192, %dma_wait3A_194, %dma_wait3A_195] : memref<8x128x1xf32, #tpu.memory_space<vmem>> -> memref<1x128x1xf32, #tpu.memory_space<vmem>>
      %dma_wait3A_197 = tpu.memref_squeeze %dma_wait3A_196 : memref<1x128x1xf32, #tpu.memory_space<vmem>> -> memref<128x1xf32, #tpu.memory_space<vmem>>
      %dma_wait3A_198 = arith.constant 0 : i32
      %dma_wait3A_199 = tpu.memref_slice %arg6[%dma_wait3A_193, %dma_wait3A_198] : memref<8x128xi32, #tpu.memory_space<vmem>> -> memref<1x128xi32, #tpu.memory_space<vmem>>
      %dma_wait3A_200 = tpu.memref_squeeze %dma_wait3A_199 : memref<1x128xi32, #tpu.memory_space<vmem>> -> memref<128xi32, #tpu.memory_space<vmem>>
      %dma_wait3A_201 = arith.constant 0 : i32
      %dma_wait3A_202 = arith.constant 0 : i32
      %dma_wait3A_203 = tpu.memref_slice %arg8[%dma_wait3A_201, %dma_wait3A_202] : memref<100352x1xf32, #tpu.memory_space<vmem_shared>> -> memref<100352x1xf32, #tpu.memory_space<vmem_shared>>
      tpu.wait_indirect_dma semaphore(%arg10 : memref<!tpu.dma_semaphore, #tpu.memory_space<semaphore_mem>>) src(%dma_wait3A_197 : memref<128x1xf32, #tpu.memory_space<vmem>>) dst(%dma_wait3A_203 : memref<100352x1xf32, #tpu.memory_space<vmem_shared>>)
      %dma_wait3A_204 = arith.constant 7 : i32
      %dma_wait3A_205 = arith.constant 7 : i32
      %dma_wait3A_206 = arith.constant 0 : i32
      %dma_wait3A_207 = arith.constant 0 : i32
      %dma_wait3A_208 = tpu.memref_slice %arg7[%dma_wait3A_204, %dma_wait3A_206, %dma_wait3A_207] : memref<8x128x1xf32, #tpu.memory_space<vmem>> -> memref<1x128x1xf32, #tpu.memory_space<vmem>>
      %dma_wait3A_209 = tpu.memref_squeeze %dma_wait3A_208 : memref<1x128x1xf32, #tpu.memory_space<vmem>> -> memref<128x1xf32, #tpu.memory_space<vmem>>
      %dma_wait3A_210 = arith.constant 0 : i32
      %dma_wait3A_211 = tpu.memref_slice %arg6[%dma_wait3A_205, %dma_wait3A_210] : memref<8x128xi32, #tpu.memory_space<vmem>> -> memref<1x128xi32, #tpu.memory_space<vmem>>
      %dma_wait3A_212 = tpu.memref_squeeze %dma_wait3A_211 : memref<1x128xi32, #tpu.memory_space<vmem>> -> memref<128xi32, #tpu.memory_space<vmem>>
      %dma_wait3A_213 = arith.constant 0 : i32
      %dma_wait3A_214 = arith.constant 0 : i32
      %dma_wait3A_215 = tpu.memref_slice %arg8[%dma_wait3A_213, %dma_wait3A_214] : memref<100352x1xf32, #tpu.memory_space<vmem_shared>> -> memref<100352x1xf32, #tpu.memory_space<vmem_shared>>
      tpu.wait_indirect_dma semaphore(%arg10 : memref<!tpu.dma_semaphore, #tpu.memory_space<semaphore_mem>>) src(%dma_wait3A_209 : memref<128x1xf32, #tpu.memory_space<vmem>>) dst(%dma_wait3A_215 : memref<100352x1xf32, #tpu.memory_space<vmem_shared>>)
    }
    %scan3A_16 = arith.constant 49 : i32
    %barrier3A_17 = arith.constant 0 : index
    tpu.barrier barrier_id(%barrier3A_17)
    %mul3A_18 = arith.constant 6272 : i32
    %mul3A_19 = arith.muli %arg1, %mul3A_18 : i32
    %mul3A_20 = arith.constant 6272 : i32
    %mul3A_21 = arith.muli %arg1, %mul3A_20 : i32
    "tpu.region"() ({
      %run_scoped3A_22 = tpu.sem_alloc : memref<!tpu.dma_semaphore, #tpu.memory_space<semaphore_mem>>
      %dma_start3A = arith.constant 0 : i32
      %dma_start3A_23 = tpu.memref_slice %arg5[%arg0, %mul3A_21, %dma_start3A] : memref<2x100352x1xf32, #tpu.memory_space<hbm>> -> memref<1x6272x1xf32, #tpu.memory_space<hbm>>
      %dma_start3A_24 = tpu.memref_squeeze %dma_start3A_23 : memref<1x6272x1xf32, #tpu.memory_space<hbm>> -> memref<6272x1xf32, #tpu.memory_space<hbm>>
      %dma_start3A_25 = arith.constant 0 : i32
      %dma_start3A_26 = tpu.memref_slice %arg8[%mul3A_19, %dma_start3A_25] : memref<100352x1xf32, #tpu.memory_space<vmem_shared>> -> memref<6272x1xf32, #tpu.memory_space<vmem_shared>>
      tpu.enqueue_dma source(%dma_start3A_26 : memref<6272x1xf32, #tpu.memory_space<vmem_shared>>) target(%dma_start3A_24 : memref<6272x1xf32, #tpu.memory_space<hbm>>) target_semaphore(%run_scoped3A_22 : memref<!tpu.dma_semaphore, #tpu.memory_space<semaphore_mem>>)
      %dma_wait3A = arith.constant 0 : i32
      %dma_wait3A_27 = tpu.memref_slice %arg5[%arg0, %mul3A_21, %dma_wait3A] : memref<2x100352x1xf32, #tpu.memory_space<hbm>> -> memref<1x6272x1xf32, #tpu.memory_space<hbm>>
      %dma_wait3A_28 = tpu.memref_squeeze %dma_wait3A_27 : memref<1x6272x1xf32, #tpu.memory_space<hbm>> -> memref<6272x1xf32, #tpu.memory_space<hbm>>
      %dma_wait3A_29 = arith.constant 0 : i32
      %dma_wait3A_30 = tpu.memref_slice %arg8[%mul3A_19, %dma_wait3A_29] : memref<100352x1xf32, #tpu.memory_space<vmem_shared>> -> memref<6272x1xf32, #tpu.memory_space<vmem_shared>>
      tpu.wait_dma2 semaphore(%run_scoped3A_22 : memref<!tpu.dma_semaphore, #tpu.memory_space<semaphore_mem>>) src(%dma_wait3A_30 : memref<6272x1xf32, #tpu.memory_space<vmem_shared>>) dst(%dma_wait3A_28 : memref<6272x1xf32, #tpu.memory_space<hbm>>)
      tpu.yield
    }) : () -> ()
    return
  }
}

#map = affine_map<(d0, d1) -> (0, 0)>
#map1 = affine_map<(d0, d1) -> (0, 0, 0)>
module attributes {stable_mosaic.version = 14 : i64} {
  func.func @body(%arg0: i32, %arg1: i32, %arg2: memref<100352x2xf32, #tpu.memory_space<hbm>>, %arg3: memref<12544x128xi32, #tpu.memory_space<hbm>>, %arg4: memref<12544x128xi32, #tpu.memory_space<hbm>>, %arg5: memref<6272x2xf32, #tpu.memory_space<hbm>>, %arg6: memref<2x100352x2xf32, #tpu.memory_space<hbm>>, %arg7: memref<8x128xi32, #tpu.memory_space<vmem>>, %arg8: memref<8x128xi32, #tpu.memory_space<vmem>>, %arg9: memref<8x128x2xf32, #tpu.memory_space<vmem>>, %arg10: memref<100352x2xf32, #tpu.memory_space<vmem_shared>>, %arg11: memref<!tpu.dma_semaphore, #tpu.memory_space<semaphore_mem>>, %arg12: memref<!tpu.dma_semaphore, #tpu.memory_space<semaphore_mem>>) attributes {dimension_semantics = [#tpu.dimension_semantics<core_parallel>, #tpu.dimension_semantics<subcore_parallel>], iteration_bounds = array<i64: 2, 16>, scalar_prefetch = 0 : i64, scratch_operands = 6 : i64, tpu.core_type = #tpu.core_type<sc_vector_subcore>, window_params = [{transform_indices = #map}, {transform_indices = #map}, {transform_indices = #map}, {transform_indices = #map}, {transform_indices = #map1}]} {
    %mul3A = arith.constant 2 : i32
    %mul3A_0 = arith.muli %arg1, %mul3A : i32
    %add3A = arith.addi %mul3A_0, %arg0 : i32
    %mul3A_1 = arith.constant 6272 : i32
    %mul3A_2 = arith.muli %arg1, %mul3A_1 : i32
    "tpu.region"() ({
      %run_scoped3A = tpu.sem_alloc : memref<!tpu.dma_semaphore, #tpu.memory_space<semaphore_mem>>
      %dma_start3A = arith.constant 0 : i32
      %dma_start3A_15 = tpu.memref_slice %arg10[%mul3A_2, %dma_start3A] : memref<100352x2xf32, #tpu.memory_space<vmem_shared>> -> memref<6272x2xf32, #tpu.memory_space<vmem_shared>>
      tpu.enqueue_dma source(%arg5 : memref<6272x2xf32, #tpu.memory_space<hbm>>) target(%dma_start3A_15 : memref<6272x2xf32, #tpu.memory_space<vmem_shared>>) target_semaphore(%run_scoped3A : memref<!tpu.dma_semaphore, #tpu.memory_space<semaphore_mem>>)
      %dma_wait3A = arith.constant 0 : i32
      %dma_wait3A_16 = tpu.memref_slice %arg10[%mul3A_2, %dma_wait3A] : memref<100352x2xf32, #tpu.memory_space<vmem_shared>> -> memref<6272x2xf32, #tpu.memory_space<vmem_shared>>
      tpu.wait_dma2 semaphore(%run_scoped3A : memref<!tpu.dma_semaphore, #tpu.memory_space<semaphore_mem>>) src(%arg5 : memref<6272x2xf32, #tpu.memory_space<hbm>>) dst(%dma_wait3A_16 : memref<6272x2xf32, #tpu.memory_space<vmem_shared>>)
      tpu.yield
    }) : () -> ()
    %barrier3A = arith.constant 0 : index
    tpu.barrier barrier_id(%barrier3A)
    %mul3A_3 = arith.constant 392 : i32
    %mul3A_4 = arith.muli %add3A, %mul3A_3 : i32
    %scan3A = arith.constant 0 : i32
    %scan3A_5 = arith.constant 0 : i32
    %scan3A_6 = arith.constant 49 : i32
    %scan3A_7 = arith.addi %scan3A_5, %scan3A_6 : i32
    %scan3A_8 = arith.constant 1 : i32
    scf.for %scan3A_15 = %scan3A_5 to %scan3A_7 step %scan3A_8  : i32 {
      %mul3A_16 = arith.constant 8 : i32
      %mul3A_17 = arith.muli %scan3A_15, %mul3A_16 : i32
      %add3A_18 = arith.addi %mul3A_4, %mul3A_17 : i32
      "tpu.region"() ({
        %run_scoped3A = tpu.sem_alloc : memref<!tpu.dma_semaphore, #tpu.memory_space<semaphore_mem>>
        %dma_start3A_401 = arith.constant 0 : i32
        %dma_start3A_402 = tpu.memref_slice %arg4[%add3A_18, %dma_start3A_401] : memref<12544x128xi32, #tpu.memory_space<hbm>> -> memref<8x128xi32, #tpu.memory_space<hbm>>
        %dma_start3A_403 = arith.constant 0 : i32
        %dma_start3A_404 = tpu.memref_slice %arg4[%add3A_18, %dma_start3A_403] : memref<12544x128xi32, #tpu.memory_space<hbm>> -> memref<8x128xi32, #tpu.memory_space<hbm>>
        tpu.enqueue_dma source(%dma_start3A_404 : memref<8x128xi32, #tpu.memory_space<hbm>>) target(%arg8 : memref<8x128xi32, #tpu.memory_space<vmem>>) target_semaphore(%run_scoped3A : memref<!tpu.dma_semaphore, #tpu.memory_space<semaphore_mem>>)
        %dma_wait3A_405 = arith.constant 0 : i32
        %dma_wait3A_406 = tpu.memref_slice %arg4[%add3A_18, %dma_wait3A_405] : memref<12544x128xi32, #tpu.memory_space<hbm>> -> memref<8x128xi32, #tpu.memory_space<hbm>>
        %dma_wait3A_407 = arith.constant 0 : i32
        %dma_wait3A_408 = tpu.memref_slice %arg4[%add3A_18, %dma_wait3A_407] : memref<12544x128xi32, #tpu.memory_space<hbm>> -> memref<8x128xi32, #tpu.memory_space<hbm>>
        tpu.wait_dma2 semaphore(%run_scoped3A : memref<!tpu.dma_semaphore, #tpu.memory_space<semaphore_mem>>) src(%dma_wait3A_408 : memref<8x128xi32, #tpu.memory_space<hbm>>) dst(%arg8 : memref<8x128xi32, #tpu.memory_space<vmem>>)
        tpu.yield
      }) : () -> ()
      "tpu.region"() ({
        %run_scoped3A = tpu.sem_alloc : memref<!tpu.dma_semaphore, #tpu.memory_space<semaphore_mem>>
        %dma_start3A_401 = arith.constant 0 : i32
        %dma_start3A_402 = tpu.memref_slice %arg3[%add3A_18, %dma_start3A_401] : memref<12544x128xi32, #tpu.memory_space<hbm>> -> memref<8x128xi32, #tpu.memory_space<hbm>>
        %dma_start3A_403 = arith.constant 0 : i32
        %dma_start3A_404 = tpu.memref_slice %arg3[%add3A_18, %dma_start3A_403] : memref<12544x128xi32, #tpu.memory_space<hbm>> -> memref<8x128xi32, #tpu.memory_space<hbm>>
        tpu.enqueue_dma source(%dma_start3A_404 : memref<8x128xi32, #tpu.memory_space<hbm>>) target(%arg7 : memref<8x128xi32, #tpu.memory_space<vmem>>) target_semaphore(%run_scoped3A : memref<!tpu.dma_semaphore, #tpu.memory_space<semaphore_mem>>)
        %dma_wait3A_405 = arith.constant 0 : i32
        %dma_wait3A_406 = tpu.memref_slice %arg3[%add3A_18, %dma_wait3A_405] : memref<12544x128xi32, #tpu.memory_space<hbm>> -> memref<8x128xi32, #tpu.memory_space<hbm>>
        %dma_wait3A_407 = arith.constant 0 : i32
        %dma_wait3A_408 = tpu.memref_slice %arg3[%add3A_18, %dma_wait3A_407] : memref<12544x128xi32, #tpu.memory_space<hbm>> -> memref<8x128xi32, #tpu.memory_space<hbm>>
        tpu.wait_dma2 semaphore(%run_scoped3A : memref<!tpu.dma_semaphore, #tpu.memory_space<semaphore_mem>>) src(%dma_wait3A_408 : memref<8x128xi32, #tpu.memory_space<hbm>>) dst(%arg7 : memref<8x128xi32, #tpu.memory_space<vmem>>)
        tpu.yield
      }) : () -> ()
      %dma_start3A = arith.constant 0 : i32
      %dma_start3A_19 = arith.constant 0 : i32
      %dma_start3A_20 = arith.constant 0 : i32
      %dma_start3A_21 = arith.constant 0 : i32
      %dma_start3A_22 = tpu.memref_slice %arg9[%dma_start3A_19, %dma_start3A_20, %dma_start3A_21] : memref<8x128x2xf32, #tpu.memory_space<vmem>> -> memref<1x128x2xf32, #tpu.memory_space<vmem>>
      %dma_start3A_23 = tpu.memref_squeeze %dma_start3A_22 : memref<1x128x2xf32, #tpu.memory_space<vmem>> -> memref<128x2xf32, #tpu.memory_space<vmem>>
      %dma_start3A_24 = arith.constant 0 : i32
      %dma_start3A_25 = tpu.memref_slice %arg7[%dma_start3A, %dma_start3A_24] : memref<8x128xi32, #tpu.memory_space<vmem>> -> memref<1x128xi32, #tpu.memory_space<vmem>>
      %dma_start3A_26 = tpu.memref_squeeze %dma_start3A_25 : memref<1x128xi32, #tpu.memory_space<vmem>> -> memref<128xi32, #tpu.memory_space<vmem>>
      %dma_start3A_27 = arith.constant 0 : i32
      %dma_start3A_28 = arith.constant 0 : i32
      %dma_start3A_29 = tpu.memref_slice %arg2[%dma_start3A_27, %dma_start3A_28] : memref<100352x2xf32, #tpu.memory_space<hbm>> -> memref<100352x2xf32, #tpu.memory_space<hbm>>
      tpu.enqueue_indirect_dma source(%dma_start3A_29 : memref<100352x2xf32, #tpu.memory_space<hbm>>) target(%dma_start3A_23 : memref<128x2xf32, #tpu.memory_space<vmem>>) offsets(%dma_start3A_26 : memref<128xi32, #tpu.memory_space<vmem>>) semaphore(%arg11 : memref<!tpu.dma_semaphore, #tpu.memory_space<semaphore_mem>>)
      %dma_start3A_30 = arith.constant 1 : i32
      %dma_start3A_31 = arith.constant 1 : i32
      %dma_start3A_32 = arith.constant 0 : i32
      %dma_start3A_33 = arith.constant 0 : i32
      %dma_start3A_34 = tpu.memref_slice %arg9[%dma_start3A_31, %dma_start3A_32, %dma_start3A_33] : memref<8x128x2xf32, #tpu.memory_space<vmem>> -> memref<1x128x2xf32, #tpu.memory_space<vmem>>
      %dma_start3A_35 = tpu.memref_squeeze %dma_start3A_34 : memref<1x128x2xf32, #tpu.memory_space<vmem>> -> memref<128x2xf32, #tpu.memory_space<vmem>>
      %dma_start3A_36 = arith.constant 0 : i32
      %dma_start3A_37 = tpu.memref_slice %arg7[%dma_start3A_30, %dma_start3A_36] : memref<8x128xi32, #tpu.memory_space<vmem>> -> memref<1x128xi32, #tpu.memory_space<vmem>>
      %dma_start3A_38 = tpu.memref_squeeze %dma_start3A_37 : memref<1x128xi32, #tpu.memory_space<vmem>> -> memref<128xi32, #tpu.memory_space<vmem>>
      %dma_start3A_39 = arith.constant 0 : i32
      %dma_start3A_40 = arith.constant 0 : i32
      %dma_start3A_41 = tpu.memref_slice %arg2[%dma_start3A_39, %dma_start3A_40] : memref<100352x2xf32, #tpu.memory_space<hbm>> -> memref<100352x2xf32, #tpu.memory_space<hbm>>
      tpu.enqueue_indirect_dma source(%dma_start3A_41 : memref<100352x2xf32, #tpu.memory_space<hbm>>) target(%dma_start3A_35 : memref<128x2xf32, #tpu.memory_space<vmem>>) offsets(%dma_start3A_38 : memref<128xi32, #tpu.memory_space<vmem>>) semaphore(%arg11 : memref<!tpu.dma_semaphore, #tpu.memory_space<semaphore_mem>>)
      %dma_start3A_42 = arith.constant 2 : i32
      %dma_start3A_43 = arith.constant 2 : i32
      %dma_start3A_44 = arith.constant 0 : i32
      %dma_start3A_45 = arith.constant 0 : i32
      %dma_start3A_46 = tpu.memref_slice %arg9[%dma_start3A_43, %dma_start3A_44, %dma_start3A_45] : memref<8x128x2xf32, #tpu.memory_space<vmem>> -> memref<1x128x2xf32, #tpu.memory_space<vmem>>
      %dma_start3A_47 = tpu.memref_squeeze %dma_start3A_46 : memref<1x128x2xf32, #tpu.memory_space<vmem>> -> memref<128x2xf32, #tpu.memory_space<vmem>>
      %dma_start3A_48 = arith.constant 0 : i32
      %dma_start3A_49 = tpu.memref_slice %arg7[%dma_start3A_42, %dma_start3A_48] : memref<8x128xi32, #tpu.memory_space<vmem>> -> memref<1x128xi32, #tpu.memory_space<vmem>>
      %dma_start3A_50 = tpu.memref_squeeze %dma_start3A_49 : memref<1x128xi32, #tpu.memory_space<vmem>> -> memref<128xi32, #tpu.memory_space<vmem>>
      %dma_start3A_51 = arith.constant 0 : i32
      %dma_start3A_52 = arith.constant 0 : i32
      %dma_start3A_53 = tpu.memref_slice %arg2[%dma_start3A_51, %dma_start3A_52] : memref<100352x2xf32, #tpu.memory_space<hbm>> -> memref<100352x2xf32, #tpu.memory_space<hbm>>
      tpu.enqueue_indirect_dma source(%dma_start3A_53 : memref<100352x2xf32, #tpu.memory_space<hbm>>) target(%dma_start3A_47 : memref<128x2xf32, #tpu.memory_space<vmem>>) offsets(%dma_start3A_50 : memref<128xi32, #tpu.memory_space<vmem>>) semaphore(%arg11 : memref<!tpu.dma_semaphore, #tpu.memory_space<semaphore_mem>>)
      %dma_start3A_54 = arith.constant 3 : i32
      %dma_start3A_55 = arith.constant 3 : i32
      %dma_start3A_56 = arith.constant 0 : i32
      %dma_start3A_57 = arith.constant 0 : i32
      %dma_start3A_58 = tpu.memref_slice %arg9[%dma_start3A_55, %dma_start3A_56, %dma_start3A_57] : memref<8x128x2xf32, #tpu.memory_space<vmem>> -> memref<1x128x2xf32, #tpu.memory_space<vmem>>
      %dma_start3A_59 = tpu.memref_squeeze %dma_start3A_58 : memref<1x128x2xf32, #tpu.memory_space<vmem>> -> memref<128x2xf32, #tpu.memory_space<vmem>>
      %dma_start3A_60 = arith.constant 0 : i32
      %dma_start3A_61 = tpu.memref_slice %arg7[%dma_start3A_54, %dma_start3A_60] : memref<8x128xi32, #tpu.memory_space<vmem>> -> memref<1x128xi32, #tpu.memory_space<vmem>>
      %dma_start3A_62 = tpu.memref_squeeze %dma_start3A_61 : memref<1x128xi32, #tpu.memory_space<vmem>> -> memref<128xi32, #tpu.memory_space<vmem>>
      %dma_start3A_63 = arith.constant 0 : i32
      %dma_start3A_64 = arith.constant 0 : i32
      %dma_start3A_65 = tpu.memref_slice %arg2[%dma_start3A_63, %dma_start3A_64] : memref<100352x2xf32, #tpu.memory_space<hbm>> -> memref<100352x2xf32, #tpu.memory_space<hbm>>
      tpu.enqueue_indirect_dma source(%dma_start3A_65 : memref<100352x2xf32, #tpu.memory_space<hbm>>) target(%dma_start3A_59 : memref<128x2xf32, #tpu.memory_space<vmem>>) offsets(%dma_start3A_62 : memref<128xi32, #tpu.memory_space<vmem>>) semaphore(%arg11 : memref<!tpu.dma_semaphore, #tpu.memory_space<semaphore_mem>>)
      %dma_start3A_66 = arith.constant 4 : i32
      %dma_start3A_67 = arith.constant 4 : i32
      %dma_start3A_68 = arith.constant 0 : i32
      %dma_start3A_69 = arith.constant 0 : i32
      %dma_start3A_70 = tpu.memref_slice %arg9[%dma_start3A_67, %dma_start3A_68, %dma_start3A_69] : memref<8x128x2xf32, #tpu.memory_space<vmem>> -> memref<1x128x2xf32, #tpu.memory_space<vmem>>
      %dma_start3A_71 = tpu.memref_squeeze %dma_start3A_70 : memref<1x128x2xf32, #tpu.memory_space<vmem>> -> memref<128x2xf32, #tpu.memory_space<vmem>>
      %dma_start3A_72 = arith.constant 0 : i32
      %dma_start3A_73 = tpu.memref_slice %arg7[%dma_start3A_66, %dma_start3A_72] : memref<8x128xi32, #tpu.memory_space<vmem>> -> memref<1x128xi32, #tpu.memory_space<vmem>>
      %dma_start3A_74 = tpu.memref_squeeze %dma_start3A_73 : memref<1x128xi32, #tpu.memory_space<vmem>> -> memref<128xi32, #tpu.memory_space<vmem>>
      %dma_start3A_75 = arith.constant 0 : i32
      %dma_start3A_76 = arith.constant 0 : i32
      %dma_start3A_77 = tpu.memref_slice %arg2[%dma_start3A_75, %dma_start3A_76] : memref<100352x2xf32, #tpu.memory_space<hbm>> -> memref<100352x2xf32, #tpu.memory_space<hbm>>
      tpu.enqueue_indirect_dma source(%dma_start3A_77 : memref<100352x2xf32, #tpu.memory_space<hbm>>) target(%dma_start3A_71 : memref<128x2xf32, #tpu.memory_space<vmem>>) offsets(%dma_start3A_74 : memref<128xi32, #tpu.memory_space<vmem>>) semaphore(%arg11 : memref<!tpu.dma_semaphore, #tpu.memory_space<semaphore_mem>>)
      %dma_start3A_78 = arith.constant 5 : i32
      %dma_start3A_79 = arith.constant 5 : i32
      %dma_start3A_80 = arith.constant 0 : i32
      %dma_start3A_81 = arith.constant 0 : i32
      %dma_start3A_82 = tpu.memref_slice %arg9[%dma_start3A_79, %dma_start3A_80, %dma_start3A_81] : memref<8x128x2xf32, #tpu.memory_space<vmem>> -> memref<1x128x2xf32, #tpu.memory_space<vmem>>
      %dma_start3A_83 = tpu.memref_squeeze %dma_start3A_82 : memref<1x128x2xf32, #tpu.memory_space<vmem>> -> memref<128x2xf32, #tpu.memory_space<vmem>>
      %dma_start3A_84 = arith.constant 0 : i32
      %dma_start3A_85 = tpu.memref_slice %arg7[%dma_start3A_78, %dma_start3A_84] : memref<8x128xi32, #tpu.memory_space<vmem>> -> memref<1x128xi32, #tpu.memory_space<vmem>>
      %dma_start3A_86 = tpu.memref_squeeze %dma_start3A_85 : memref<1x128xi32, #tpu.memory_space<vmem>> -> memref<128xi32, #tpu.memory_space<vmem>>
      %dma_start3A_87 = arith.constant 0 : i32
      %dma_start3A_88 = arith.constant 0 : i32
      %dma_start3A_89 = tpu.memref_slice %arg2[%dma_start3A_87, %dma_start3A_88] : memref<100352x2xf32, #tpu.memory_space<hbm>> -> memref<100352x2xf32, #tpu.memory_space<hbm>>
      tpu.enqueue_indirect_dma source(%dma_start3A_89 : memref<100352x2xf32, #tpu.memory_space<hbm>>) target(%dma_start3A_83 : memref<128x2xf32, #tpu.memory_space<vmem>>) offsets(%dma_start3A_86 : memref<128xi32, #tpu.memory_space<vmem>>) semaphore(%arg11 : memref<!tpu.dma_semaphore, #tpu.memory_space<semaphore_mem>>)
      %dma_start3A_90 = arith.constant 6 : i32
      %dma_start3A_91 = arith.constant 6 : i32
      %dma_start3A_92 = arith.constant 0 : i32
      %dma_start3A_93 = arith.constant 0 : i32
      %dma_start3A_94 = tpu.memref_slice %arg9[%dma_start3A_91, %dma_start3A_92, %dma_start3A_93] : memref<8x128x2xf32, #tpu.memory_space<vmem>> -> memref<1x128x2xf32, #tpu.memory_space<vmem>>
      %dma_start3A_95 = tpu.memref_squeeze %dma_start3A_94 : memref<1x128x2xf32, #tpu.memory_space<vmem>> -> memref<128x2xf32, #tpu.memory_space<vmem>>
      %dma_start3A_96 = arith.constant 0 : i32
      %dma_start3A_97 = tpu.memref_slice %arg7[%dma_start3A_90, %dma_start3A_96] : memref<8x128xi32, #tpu.memory_space<vmem>> -> memref<1x128xi32, #tpu.memory_space<vmem>>
      %dma_start3A_98 = tpu.memref_squeeze %dma_start3A_97 : memref<1x128xi32, #tpu.memory_space<vmem>> -> memref<128xi32, #tpu.memory_space<vmem>>
      %dma_start3A_99 = arith.constant 0 : i32
      %dma_start3A_100 = arith.constant 0 : i32
      %dma_start3A_101 = tpu.memref_slice %arg2[%dma_start3A_99, %dma_start3A_100] : memref<100352x2xf32, #tpu.memory_space<hbm>> -> memref<100352x2xf32, #tpu.memory_space<hbm>>
      tpu.enqueue_indirect_dma source(%dma_start3A_101 : memref<100352x2xf32, #tpu.memory_space<hbm>>) target(%dma_start3A_95 : memref<128x2xf32, #tpu.memory_space<vmem>>) offsets(%dma_start3A_98 : memref<128xi32, #tpu.memory_space<vmem>>) semaphore(%arg11 : memref<!tpu.dma_semaphore, #tpu.memory_space<semaphore_mem>>)
      %dma_start3A_102 = arith.constant 7 : i32
      %dma_start3A_103 = arith.constant 7 : i32
      %dma_start3A_104 = arith.constant 0 : i32
      %dma_start3A_105 = arith.constant 0 : i32
      %dma_start3A_106 = tpu.memref_slice %arg9[%dma_start3A_103, %dma_start3A_104, %dma_start3A_105] : memref<8x128x2xf32, #tpu.memory_space<vmem>> -> memref<1x128x2xf32, #tpu.memory_space<vmem>>
      %dma_start3A_107 = tpu.memref_squeeze %dma_start3A_106 : memref<1x128x2xf32, #tpu.memory_space<vmem>> -> memref<128x2xf32, #tpu.memory_space<vmem>>
      %dma_start3A_108 = arith.constant 0 : i32
      %dma_start3A_109 = tpu.memref_slice %arg7[%dma_start3A_102, %dma_start3A_108] : memref<8x128xi32, #tpu.memory_space<vmem>> -> memref<1x128xi32, #tpu.memory_space<vmem>>
      %dma_start3A_110 = tpu.memref_squeeze %dma_start3A_109 : memref<1x128xi32, #tpu.memory_space<vmem>> -> memref<128xi32, #tpu.memory_space<vmem>>
      %dma_start3A_111 = arith.constant 0 : i32
      %dma_start3A_112 = arith.constant 0 : i32
      %dma_start3A_113 = tpu.memref_slice %arg2[%dma_start3A_111, %dma_start3A_112] : memref<100352x2xf32, #tpu.memory_space<hbm>> -> memref<100352x2xf32, #tpu.memory_space<hbm>>
      tpu.enqueue_indirect_dma source(%dma_start3A_113 : memref<100352x2xf32, #tpu.memory_space<hbm>>) target(%dma_start3A_107 : memref<128x2xf32, #tpu.memory_space<vmem>>) offsets(%dma_start3A_110 : memref<128xi32, #tpu.memory_space<vmem>>) semaphore(%arg11 : memref<!tpu.dma_semaphore, #tpu.memory_space<semaphore_mem>>)
      %dma_wait3A = arith.constant 0 : i32
      %dma_wait3A_114 = arith.constant 0 : i32
      %dma_wait3A_115 = arith.constant 0 : i32
      %dma_wait3A_116 = arith.constant 0 : i32
      %dma_wait3A_117 = tpu.memref_slice %arg9[%dma_wait3A_114, %dma_wait3A_115, %dma_wait3A_116] : memref<8x128x2xf32, #tpu.memory_space<vmem>> -> memref<1x128x2xf32, #tpu.memory_space<vmem>>
      %dma_wait3A_118 = tpu.memref_squeeze %dma_wait3A_117 : memref<1x128x2xf32, #tpu.memory_space<vmem>> -> memref<128x2xf32, #tpu.memory_space<vmem>>
      %dma_wait3A_119 = arith.constant 0 : i32
      %dma_wait3A_120 = tpu.memref_slice %arg7[%dma_wait3A, %dma_wait3A_119] : memref<8x128xi32, #tpu.memory_space<vmem>> -> memref<1x128xi32, #tpu.memory_space<vmem>>
      %dma_wait3A_121 = tpu.memref_squeeze %dma_wait3A_120 : memref<1x128xi32, #tpu.memory_space<vmem>> -> memref<128xi32, #tpu.memory_space<vmem>>
      %dma_wait3A_122 = arith.constant 0 : i32
      %dma_wait3A_123 = arith.constant 0 : i32
      %dma_wait3A_124 = tpu.memref_slice %arg2[%dma_wait3A_122, %dma_wait3A_123] : memref<100352x2xf32, #tpu.memory_space<hbm>> -> memref<100352x2xf32, #tpu.memory_space<hbm>>
      tpu.wait_indirect_dma semaphore(%arg11 : memref<!tpu.dma_semaphore, #tpu.memory_space<semaphore_mem>>) src(%dma_wait3A_124 : memref<100352x2xf32, #tpu.memory_space<hbm>>) dst(%dma_wait3A_118 : memref<128x2xf32, #tpu.memory_space<vmem>>)
      %dma_wait3A_125 = arith.constant 1 : i32
      %dma_wait3A_126 = arith.constant 1 : i32
      %dma_wait3A_127 = arith.constant 0 : i32
      %dma_wait3A_128 = arith.constant 0 : i32
      %dma_wait3A_129 = tpu.memref_slice %arg9[%dma_wait3A_126, %dma_wait3A_127, %dma_wait3A_128] : memref<8x128x2xf32, #tpu.memory_space<vmem>> -> memref<1x128x2xf32, #tpu.memory_space<vmem>>
      %dma_wait3A_130 = tpu.memref_squeeze %dma_wait3A_129 : memref<1x128x2xf32, #tpu.memory_space<vmem>> -> memref<128x2xf32, #tpu.memory_space<vmem>>
      %dma_wait3A_131 = arith.constant 0 : i32
      %dma_wait3A_132 = tpu.memref_slice %arg7[%dma_wait3A_125, %dma_wait3A_131] : memref<8x128xi32, #tpu.memory_space<vmem>> -> memref<1x128xi32, #tpu.memory_space<vmem>>
      %dma_wait3A_133 = tpu.memref_squeeze %dma_wait3A_132 : memref<1x128xi32, #tpu.memory_space<vmem>> -> memref<128xi32, #tpu.memory_space<vmem>>
      %dma_wait3A_134 = arith.constant 0 : i32
      %dma_wait3A_135 = arith.constant 0 : i32
      %dma_wait3A_136 = tpu.memref_slice %arg2[%dma_wait3A_134, %dma_wait3A_135] : memref<100352x2xf32, #tpu.memory_space<hbm>> -> memref<100352x2xf32, #tpu.memory_space<hbm>>
      tpu.wait_indirect_dma semaphore(%arg11 : memref<!tpu.dma_semaphore, #tpu.memory_space<semaphore_mem>>) src(%dma_wait3A_136 : memref<100352x2xf32, #tpu.memory_space<hbm>>) dst(%dma_wait3A_130 : memref<128x2xf32, #tpu.memory_space<vmem>>)
      %dma_wait3A_137 = arith.constant 2 : i32
      %dma_wait3A_138 = arith.constant 2 : i32
      %dma_wait3A_139 = arith.constant 0 : i32
      %dma_wait3A_140 = arith.constant 0 : i32
      %dma_wait3A_141 = tpu.memref_slice %arg9[%dma_wait3A_138, %dma_wait3A_139, %dma_wait3A_140] : memref<8x128x2xf32, #tpu.memory_space<vmem>> -> memref<1x128x2xf32, #tpu.memory_space<vmem>>
      %dma_wait3A_142 = tpu.memref_squeeze %dma_wait3A_141 : memref<1x128x2xf32, #tpu.memory_space<vmem>> -> memref<128x2xf32, #tpu.memory_space<vmem>>
      %dma_wait3A_143 = arith.constant 0 : i32
      %dma_wait3A_144 = tpu.memref_slice %arg7[%dma_wait3A_137, %dma_wait3A_143] : memref<8x128xi32, #tpu.memory_space<vmem>> -> memref<1x128xi32, #tpu.memory_space<vmem>>
      %dma_wait3A_145 = tpu.memref_squeeze %dma_wait3A_144 : memref<1x128xi32, #tpu.memory_space<vmem>> -> memref<128xi32, #tpu.memory_space<vmem>>
      %dma_wait3A_146 = arith.constant 0 : i32
      %dma_wait3A_147 = arith.constant 0 : i32
      %dma_wait3A_148 = tpu.memref_slice %arg2[%dma_wait3A_146, %dma_wait3A_147] : memref<100352x2xf32, #tpu.memory_space<hbm>> -> memref<100352x2xf32, #tpu.memory_space<hbm>>
      tpu.wait_indirect_dma semaphore(%arg11 : memref<!tpu.dma_semaphore, #tpu.memory_space<semaphore_mem>>) src(%dma_wait3A_148 : memref<100352x2xf32, #tpu.memory_space<hbm>>) dst(%dma_wait3A_142 : memref<128x2xf32, #tpu.memory_space<vmem>>)
      %dma_wait3A_149 = arith.constant 3 : i32
      %dma_wait3A_150 = arith.constant 3 : i32
      %dma_wait3A_151 = arith.constant 0 : i32
      %dma_wait3A_152 = arith.constant 0 : i32
      %dma_wait3A_153 = tpu.memref_slice %arg9[%dma_wait3A_150, %dma_wait3A_151, %dma_wait3A_152] : memref<8x128x2xf32, #tpu.memory_space<vmem>> -> memref<1x128x2xf32, #tpu.memory_space<vmem>>
      %dma_wait3A_154 = tpu.memref_squeeze %dma_wait3A_153 : memref<1x128x2xf32, #tpu.memory_space<vmem>> -> memref<128x2xf32, #tpu.memory_space<vmem>>
      %dma_wait3A_155 = arith.constant 0 : i32
      %dma_wait3A_156 = tpu.memref_slice %arg7[%dma_wait3A_149, %dma_wait3A_155] : memref<8x128xi32, #tpu.memory_space<vmem>> -> memref<1x128xi32, #tpu.memory_space<vmem>>
      %dma_wait3A_157 = tpu.memref_squeeze %dma_wait3A_156 : memref<1x128xi32, #tpu.memory_space<vmem>> -> memref<128xi32, #tpu.memory_space<vmem>>
      %dma_wait3A_158 = arith.constant 0 : i32
      %dma_wait3A_159 = arith.constant 0 : i32
      %dma_wait3A_160 = tpu.memref_slice %arg2[%dma_wait3A_158, %dma_wait3A_159] : memref<100352x2xf32, #tpu.memory_space<hbm>> -> memref<100352x2xf32, #tpu.memory_space<hbm>>
      tpu.wait_indirect_dma semaphore(%arg11 : memref<!tpu.dma_semaphore, #tpu.memory_space<semaphore_mem>>) src(%dma_wait3A_160 : memref<100352x2xf32, #tpu.memory_space<hbm>>) dst(%dma_wait3A_154 : memref<128x2xf32, #tpu.memory_space<vmem>>)
      %dma_wait3A_161 = arith.constant 4 : i32
      %dma_wait3A_162 = arith.constant 4 : i32
      %dma_wait3A_163 = arith.constant 0 : i32
      %dma_wait3A_164 = arith.constant 0 : i32
      %dma_wait3A_165 = tpu.memref_slice %arg9[%dma_wait3A_162, %dma_wait3A_163, %dma_wait3A_164] : memref<8x128x2xf32, #tpu.memory_space<vmem>> -> memref<1x128x2xf32, #tpu.memory_space<vmem>>
      %dma_wait3A_166 = tpu.memref_squeeze %dma_wait3A_165 : memref<1x128x2xf32, #tpu.memory_space<vmem>> -> memref<128x2xf32, #tpu.memory_space<vmem>>
      %dma_wait3A_167 = arith.constant 0 : i32
      %dma_wait3A_168 = tpu.memref_slice %arg7[%dma_wait3A_161, %dma_wait3A_167] : memref<8x128xi32, #tpu.memory_space<vmem>> -> memref<1x128xi32, #tpu.memory_space<vmem>>
      %dma_wait3A_169 = tpu.memref_squeeze %dma_wait3A_168 : memref<1x128xi32, #tpu.memory_space<vmem>> -> memref<128xi32, #tpu.memory_space<vmem>>
      %dma_wait3A_170 = arith.constant 0 : i32
      %dma_wait3A_171 = arith.constant 0 : i32
      %dma_wait3A_172 = tpu.memref_slice %arg2[%dma_wait3A_170, %dma_wait3A_171] : memref<100352x2xf32, #tpu.memory_space<hbm>> -> memref<100352x2xf32, #tpu.memory_space<hbm>>
      tpu.wait_indirect_dma semaphore(%arg11 : memref<!tpu.dma_semaphore, #tpu.memory_space<semaphore_mem>>) src(%dma_wait3A_172 : memref<100352x2xf32, #tpu.memory_space<hbm>>) dst(%dma_wait3A_166 : memref<128x2xf32, #tpu.memory_space<vmem>>)
      %dma_wait3A_173 = arith.constant 5 : i32
      %dma_wait3A_174 = arith.constant 5 : i32
      %dma_wait3A_175 = arith.constant 0 : i32
      %dma_wait3A_176 = arith.constant 0 : i32
      %dma_wait3A_177 = tpu.memref_slice %arg9[%dma_wait3A_174, %dma_wait3A_175, %dma_wait3A_176] : memref<8x128x2xf32, #tpu.memory_space<vmem>> -> memref<1x128x2xf32, #tpu.memory_space<vmem>>
      %dma_wait3A_178 = tpu.memref_squeeze %dma_wait3A_177 : memref<1x128x2xf32, #tpu.memory_space<vmem>> -> memref<128x2xf32, #tpu.memory_space<vmem>>
      %dma_wait3A_179 = arith.constant 0 : i32
      %dma_wait3A_180 = tpu.memref_slice %arg7[%dma_wait3A_173, %dma_wait3A_179] : memref<8x128xi32, #tpu.memory_space<vmem>> -> memref<1x128xi32, #tpu.memory_space<vmem>>
      %dma_wait3A_181 = tpu.memref_squeeze %dma_wait3A_180 : memref<1x128xi32, #tpu.memory_space<vmem>> -> memref<128xi32, #tpu.memory_space<vmem>>
      %dma_wait3A_182 = arith.constant 0 : i32
      %dma_wait3A_183 = arith.constant 0 : i32
      %dma_wait3A_184 = tpu.memref_slice %arg2[%dma_wait3A_182, %dma_wait3A_183] : memref<100352x2xf32, #tpu.memory_space<hbm>> -> memref<100352x2xf32, #tpu.memory_space<hbm>>
      tpu.wait_indirect_dma semaphore(%arg11 : memref<!tpu.dma_semaphore, #tpu.memory_space<semaphore_mem>>) src(%dma_wait3A_184 : memref<100352x2xf32, #tpu.memory_space<hbm>>) dst(%dma_wait3A_178 : memref<128x2xf32, #tpu.memory_space<vmem>>)
      %dma_wait3A_185 = arith.constant 6 : i32
      %dma_wait3A_186 = arith.constant 6 : i32
      %dma_wait3A_187 = arith.constant 0 : i32
      %dma_wait3A_188 = arith.constant 0 : i32
      %dma_wait3A_189 = tpu.memref_slice %arg9[%dma_wait3A_186, %dma_wait3A_187, %dma_wait3A_188] : memref<8x128x2xf32, #tpu.memory_space<vmem>> -> memref<1x128x2xf32, #tpu.memory_space<vmem>>
      %dma_wait3A_190 = tpu.memref_squeeze %dma_wait3A_189 : memref<1x128x2xf32, #tpu.memory_space<vmem>> -> memref<128x2xf32, #tpu.memory_space<vmem>>
      %dma_wait3A_191 = arith.constant 0 : i32
      %dma_wait3A_192 = tpu.memref_slice %arg7[%dma_wait3A_185, %dma_wait3A_191] : memref<8x128xi32, #tpu.memory_space<vmem>> -> memref<1x128xi32, #tpu.memory_space<vmem>>
      %dma_wait3A_193 = tpu.memref_squeeze %dma_wait3A_192 : memref<1x128xi32, #tpu.memory_space<vmem>> -> memref<128xi32, #tpu.memory_space<vmem>>
      %dma_wait3A_194 = arith.constant 0 : i32
      %dma_wait3A_195 = arith.constant 0 : i32
      %dma_wait3A_196 = tpu.memref_slice %arg2[%dma_wait3A_194, %dma_wait3A_195] : memref<100352x2xf32, #tpu.memory_space<hbm>> -> memref<100352x2xf32, #tpu.memory_space<hbm>>
      tpu.wait_indirect_dma semaphore(%arg11 : memref<!tpu.dma_semaphore, #tpu.memory_space<semaphore_mem>>) src(%dma_wait3A_196 : memref<100352x2xf32, #tpu.memory_space<hbm>>) dst(%dma_wait3A_190 : memref<128x2xf32, #tpu.memory_space<vmem>>)
      %dma_wait3A_197 = arith.constant 7 : i32
      %dma_wait3A_198 = arith.constant 7 : i32
      %dma_wait3A_199 = arith.constant 0 : i32
      %dma_wait3A_200 = arith.constant 0 : i32
      %dma_wait3A_201 = tpu.memref_slice %arg9[%dma_wait3A_198, %dma_wait3A_199, %dma_wait3A_200] : memref<8x128x2xf32, #tpu.memory_space<vmem>> -> memref<1x128x2xf32, #tpu.memory_space<vmem>>
      %dma_wait3A_202 = tpu.memref_squeeze %dma_wait3A_201 : memref<1x128x2xf32, #tpu.memory_space<vmem>> -> memref<128x2xf32, #tpu.memory_space<vmem>>
      %dma_wait3A_203 = arith.constant 0 : i32
      %dma_wait3A_204 = tpu.memref_slice %arg7[%dma_wait3A_197, %dma_wait3A_203] : memref<8x128xi32, #tpu.memory_space<vmem>> -> memref<1x128xi32, #tpu.memory_space<vmem>>
      %dma_wait3A_205 = tpu.memref_squeeze %dma_wait3A_204 : memref<1x128xi32, #tpu.memory_space<vmem>> -> memref<128xi32, #tpu.memory_space<vmem>>
      %dma_wait3A_206 = arith.constant 0 : i32
      %dma_wait3A_207 = arith.constant 0 : i32
      %dma_wait3A_208 = tpu.memref_slice %arg2[%dma_wait3A_206, %dma_wait3A_207] : memref<100352x2xf32, #tpu.memory_space<hbm>> -> memref<100352x2xf32, #tpu.memory_space<hbm>>
      tpu.wait_indirect_dma semaphore(%arg11 : memref<!tpu.dma_semaphore, #tpu.memory_space<semaphore_mem>>) src(%dma_wait3A_208 : memref<100352x2xf32, #tpu.memory_space<hbm>>) dst(%dma_wait3A_202 : memref<128x2xf32, #tpu.memory_space<vmem>>)
      %dma_start3A_209 = arith.constant 0 : i32
      %dma_start3A_210 = arith.constant 0 : i32
      %dma_start3A_211 = arith.constant 0 : i32
      %dma_start3A_212 = arith.constant 0 : i32
      %dma_start3A_213 = tpu.memref_slice %arg9[%dma_start3A_209, %dma_start3A_211, %dma_start3A_212] : memref<8x128x2xf32, #tpu.memory_space<vmem>> -> memref<1x128x2xf32, #tpu.memory_space<vmem>>
      %dma_start3A_214 = tpu.memref_squeeze %dma_start3A_213 : memref<1x128x2xf32, #tpu.memory_space<vmem>> -> memref<128x2xf32, #tpu.memory_space<vmem>>
      %dma_start3A_215 = arith.constant 0 : i32
      %dma_start3A_216 = tpu.memref_slice %arg8[%dma_start3A_210, %dma_start3A_215] : memref<8x128xi32, #tpu.memory_space<vmem>> -> memref<1x128xi32, #tpu.memory_space<vmem>>
      %dma_start3A_217 = tpu.memref_squeeze %dma_start3A_216 : memref<1x128xi32, #tpu.memory_space<vmem>> -> memref<128xi32, #tpu.memory_space<vmem>>
      %dma_start3A_218 = arith.constant 0 : i32
      %dma_start3A_219 = arith.constant 0 : i32
      %dma_start3A_220 = tpu.memref_slice %arg10[%dma_start3A_218, %dma_start3A_219] : memref<100352x2xf32, #tpu.memory_space<vmem_shared>> -> memref<100352x2xf32, #tpu.memory_space<vmem_shared>>
      tpu.enqueue_indirect_dma source(%dma_start3A_214 : memref<128x2xf32, #tpu.memory_space<vmem>>) target(%dma_start3A_220 : memref<100352x2xf32, #tpu.memory_space<vmem_shared>>) offsets(%dma_start3A_217 : memref<128xi32, #tpu.memory_space<vmem>>) semaphore(%arg12 : memref<!tpu.dma_semaphore, #tpu.memory_space<semaphore_mem>>) {add = true}
      %dma_start3A_221 = arith.constant 1 : i32
      %dma_start3A_222 = arith.constant 1 : i32
      %dma_start3A_223 = arith.constant 0 : i32
      %dma_start3A_224 = arith.constant 0 : i32
      %dma_start3A_225 = tpu.memref_slice %arg9[%dma_start3A_221, %dma_start3A_223, %dma_start3A_224] : memref<8x128x2xf32, #tpu.memory_space<vmem>> -> memref<1x128x2xf32, #tpu.memory_space<vmem>>
      %dma_start3A_226 = tpu.memref_squeeze %dma_start3A_225 : memref<1x128x2xf32, #tpu.memory_space<vmem>> -> memref<128x2xf32, #tpu.memory_space<vmem>>
      %dma_start3A_227 = arith.constant 0 : i32
      %dma_start3A_228 = tpu.memref_slice %arg8[%dma_start3A_222, %dma_start3A_227] : memref<8x128xi32, #tpu.memory_space<vmem>> -> memref<1x128xi32, #tpu.memory_space<vmem>>
      %dma_start3A_229 = tpu.memref_squeeze %dma_start3A_228 : memref<1x128xi32, #tpu.memory_space<vmem>> -> memref<128xi32, #tpu.memory_space<vmem>>
      %dma_start3A_230 = arith.constant 0 : i32
      %dma_start3A_231 = arith.constant 0 : i32
      %dma_start3A_232 = tpu.memref_slice %arg10[%dma_start3A_230, %dma_start3A_231] : memref<100352x2xf32, #tpu.memory_space<vmem_shared>> -> memref<100352x2xf32, #tpu.memory_space<vmem_shared>>
      tpu.enqueue_indirect_dma source(%dma_start3A_226 : memref<128x2xf32, #tpu.memory_space<vmem>>) target(%dma_start3A_232 : memref<100352x2xf32, #tpu.memory_space<vmem_shared>>) offsets(%dma_start3A_229 : memref<128xi32, #tpu.memory_space<vmem>>) semaphore(%arg12 : memref<!tpu.dma_semaphore, #tpu.memory_space<semaphore_mem>>) {add = true}
      %dma_start3A_233 = arith.constant 2 : i32
      %dma_start3A_234 = arith.constant 2 : i32
      %dma_start3A_235 = arith.constant 0 : i32
      %dma_start3A_236 = arith.constant 0 : i32
      %dma_start3A_237 = tpu.memref_slice %arg9[%dma_start3A_233, %dma_start3A_235, %dma_start3A_236] : memref<8x128x2xf32, #tpu.memory_space<vmem>> -> memref<1x128x2xf32, #tpu.memory_space<vmem>>
      %dma_start3A_238 = tpu.memref_squeeze %dma_start3A_237 : memref<1x128x2xf32, #tpu.memory_space<vmem>> -> memref<128x2xf32, #tpu.memory_space<vmem>>
      %dma_start3A_239 = arith.constant 0 : i32
      %dma_start3A_240 = tpu.memref_slice %arg8[%dma_start3A_234, %dma_start3A_239] : memref<8x128xi32, #tpu.memory_space<vmem>> -> memref<1x128xi32, #tpu.memory_space<vmem>>
      %dma_start3A_241 = tpu.memref_squeeze %dma_start3A_240 : memref<1x128xi32, #tpu.memory_space<vmem>> -> memref<128xi32, #tpu.memory_space<vmem>>
      %dma_start3A_242 = arith.constant 0 : i32
      %dma_start3A_243 = arith.constant 0 : i32
      %dma_start3A_244 = tpu.memref_slice %arg10[%dma_start3A_242, %dma_start3A_243] : memref<100352x2xf32, #tpu.memory_space<vmem_shared>> -> memref<100352x2xf32, #tpu.memory_space<vmem_shared>>
      tpu.enqueue_indirect_dma source(%dma_start3A_238 : memref<128x2xf32, #tpu.memory_space<vmem>>) target(%dma_start3A_244 : memref<100352x2xf32, #tpu.memory_space<vmem_shared>>) offsets(%dma_start3A_241 : memref<128xi32, #tpu.memory_space<vmem>>) semaphore(%arg12 : memref<!tpu.dma_semaphore, #tpu.memory_space<semaphore_mem>>) {add = true}
      %dma_start3A_245 = arith.constant 3 : i32
      %dma_start3A_246 = arith.constant 3 : i32
      %dma_start3A_247 = arith.constant 0 : i32
      %dma_start3A_248 = arith.constant 0 : i32
      %dma_start3A_249 = tpu.memref_slice %arg9[%dma_start3A_245, %dma_start3A_247, %dma_start3A_248] : memref<8x128x2xf32, #tpu.memory_space<vmem>> -> memref<1x128x2xf32, #tpu.memory_space<vmem>>
      %dma_start3A_250 = tpu.memref_squeeze %dma_start3A_249 : memref<1x128x2xf32, #tpu.memory_space<vmem>> -> memref<128x2xf32, #tpu.memory_space<vmem>>
      %dma_start3A_251 = arith.constant 0 : i32
      %dma_start3A_252 = tpu.memref_slice %arg8[%dma_start3A_246, %dma_start3A_251] : memref<8x128xi32, #tpu.memory_space<vmem>> -> memref<1x128xi32, #tpu.memory_space<vmem>>
      %dma_start3A_253 = tpu.memref_squeeze %dma_start3A_252 : memref<1x128xi32, #tpu.memory_space<vmem>> -> memref<128xi32, #tpu.memory_space<vmem>>
      %dma_start3A_254 = arith.constant 0 : i32
      %dma_start3A_255 = arith.constant 0 : i32
      %dma_start3A_256 = tpu.memref_slice %arg10[%dma_start3A_254, %dma_start3A_255] : memref<100352x2xf32, #tpu.memory_space<vmem_shared>> -> memref<100352x2xf32, #tpu.memory_space<vmem_shared>>
      tpu.enqueue_indirect_dma source(%dma_start3A_250 : memref<128x2xf32, #tpu.memory_space<vmem>>) target(%dma_start3A_256 : memref<100352x2xf32, #tpu.memory_space<vmem_shared>>) offsets(%dma_start3A_253 : memref<128xi32, #tpu.memory_space<vmem>>) semaphore(%arg12 : memref<!tpu.dma_semaphore, #tpu.memory_space<semaphore_mem>>) {add = true}
      %dma_start3A_257 = arith.constant 4 : i32
      %dma_start3A_258 = arith.constant 4 : i32
      %dma_start3A_259 = arith.constant 0 : i32
      %dma_start3A_260 = arith.constant 0 : i32
      %dma_start3A_261 = tpu.memref_slice %arg9[%dma_start3A_257, %dma_start3A_259, %dma_start3A_260] : memref<8x128x2xf32, #tpu.memory_space<vmem>> -> memref<1x128x2xf32, #tpu.memory_space<vmem>>
      %dma_start3A_262 = tpu.memref_squeeze %dma_start3A_261 : memref<1x128x2xf32, #tpu.memory_space<vmem>> -> memref<128x2xf32, #tpu.memory_space<vmem>>
      %dma_start3A_263 = arith.constant 0 : i32
      %dma_start3A_264 = tpu.memref_slice %arg8[%dma_start3A_258, %dma_start3A_263] : memref<8x128xi32, #tpu.memory_space<vmem>> -> memref<1x128xi32, #tpu.memory_space<vmem>>
      %dma_start3A_265 = tpu.memref_squeeze %dma_start3A_264 : memref<1x128xi32, #tpu.memory_space<vmem>> -> memref<128xi32, #tpu.memory_space<vmem>>
      %dma_start3A_266 = arith.constant 0 : i32
      %dma_start3A_267 = arith.constant 0 : i32
      %dma_start3A_268 = tpu.memref_slice %arg10[%dma_start3A_266, %dma_start3A_267] : memref<100352x2xf32, #tpu.memory_space<vmem_shared>> -> memref<100352x2xf32, #tpu.memory_space<vmem_shared>>
      tpu.enqueue_indirect_dma source(%dma_start3A_262 : memref<128x2xf32, #tpu.memory_space<vmem>>) target(%dma_start3A_268 : memref<100352x2xf32, #tpu.memory_space<vmem_shared>>) offsets(%dma_start3A_265 : memref<128xi32, #tpu.memory_space<vmem>>) semaphore(%arg12 : memref<!tpu.dma_semaphore, #tpu.memory_space<semaphore_mem>>) {add = true}
      %dma_start3A_269 = arith.constant 5 : i32
      %dma_start3A_270 = arith.constant 5 : i32
      %dma_start3A_271 = arith.constant 0 : i32
      %dma_start3A_272 = arith.constant 0 : i32
      %dma_start3A_273 = tpu.memref_slice %arg9[%dma_start3A_269, %dma_start3A_271, %dma_start3A_272] : memref<8x128x2xf32, #tpu.memory_space<vmem>> -> memref<1x128x2xf32, #tpu.memory_space<vmem>>
      %dma_start3A_274 = tpu.memref_squeeze %dma_start3A_273 : memref<1x128x2xf32, #tpu.memory_space<vmem>> -> memref<128x2xf32, #tpu.memory_space<vmem>>
      %dma_start3A_275 = arith.constant 0 : i32
      %dma_start3A_276 = tpu.memref_slice %arg8[%dma_start3A_270, %dma_start3A_275] : memref<8x128xi32, #tpu.memory_space<vmem>> -> memref<1x128xi32, #tpu.memory_space<vmem>>
      %dma_start3A_277 = tpu.memref_squeeze %dma_start3A_276 : memref<1x128xi32, #tpu.memory_space<vmem>> -> memref<128xi32, #tpu.memory_space<vmem>>
      %dma_start3A_278 = arith.constant 0 : i32
      %dma_start3A_279 = arith.constant 0 : i32
      %dma_start3A_280 = tpu.memref_slice %arg10[%dma_start3A_278, %dma_start3A_279] : memref<100352x2xf32, #tpu.memory_space<vmem_shared>> -> memref<100352x2xf32, #tpu.memory_space<vmem_shared>>
      tpu.enqueue_indirect_dma source(%dma_start3A_274 : memref<128x2xf32, #tpu.memory_space<vmem>>) target(%dma_start3A_280 : memref<100352x2xf32, #tpu.memory_space<vmem_shared>>) offsets(%dma_start3A_277 : memref<128xi32, #tpu.memory_space<vmem>>) semaphore(%arg12 : memref<!tpu.dma_semaphore, #tpu.memory_space<semaphore_mem>>) {add = true}
      %dma_start3A_281 = arith.constant 6 : i32
      %dma_start3A_282 = arith.constant 6 : i32
      %dma_start3A_283 = arith.constant 0 : i32
      %dma_start3A_284 = arith.constant 0 : i32
      %dma_start3A_285 = tpu.memref_slice %arg9[%dma_start3A_281, %dma_start3A_283, %dma_start3A_284] : memref<8x128x2xf32, #tpu.memory_space<vmem>> -> memref<1x128x2xf32, #tpu.memory_space<vmem>>
      %dma_start3A_286 = tpu.memref_squeeze %dma_start3A_285 : memref<1x128x2xf32, #tpu.memory_space<vmem>> -> memref<128x2xf32, #tpu.memory_space<vmem>>
      %dma_start3A_287 = arith.constant 0 : i32
      %dma_start3A_288 = tpu.memref_slice %arg8[%dma_start3A_282, %dma_start3A_287] : memref<8x128xi32, #tpu.memory_space<vmem>> -> memref<1x128xi32, #tpu.memory_space<vmem>>
      %dma_start3A_289 = tpu.memref_squeeze %dma_start3A_288 : memref<1x128xi32, #tpu.memory_space<vmem>> -> memref<128xi32, #tpu.memory_space<vmem>>
      %dma_start3A_290 = arith.constant 0 : i32
      %dma_start3A_291 = arith.constant 0 : i32
      %dma_start3A_292 = tpu.memref_slice %arg10[%dma_start3A_290, %dma_start3A_291] : memref<100352x2xf32, #tpu.memory_space<vmem_shared>> -> memref<100352x2xf32, #tpu.memory_space<vmem_shared>>
      tpu.enqueue_indirect_dma source(%dma_start3A_286 : memref<128x2xf32, #tpu.memory_space<vmem>>) target(%dma_start3A_292 : memref<100352x2xf32, #tpu.memory_space<vmem_shared>>) offsets(%dma_start3A_289 : memref<128xi32, #tpu.memory_space<vmem>>) semaphore(%arg12 : memref<!tpu.dma_semaphore, #tpu.memory_space<semaphore_mem>>) {add = true}
      %dma_start3A_293 = arith.constant 7 : i32
      %dma_start3A_294 = arith.constant 7 : i32
      %dma_start3A_295 = arith.constant 0 : i32
      %dma_start3A_296 = arith.constant 0 : i32
      %dma_start3A_297 = tpu.memref_slice %arg9[%dma_start3A_293, %dma_start3A_295, %dma_start3A_296] : memref<8x128x2xf32, #tpu.memory_space<vmem>> -> memref<1x128x2xf32, #tpu.memory_space<vmem>>
      %dma_start3A_298 = tpu.memref_squeeze %dma_start3A_297 : memref<1x128x2xf32, #tpu.memory_space<vmem>> -> memref<128x2xf32, #tpu.memory_space<vmem>>
      %dma_start3A_299 = arith.constant 0 : i32
      %dma_start3A_300 = tpu.memref_slice %arg8[%dma_start3A_294, %dma_start3A_299] : memref<8x128xi32, #tpu.memory_space<vmem>> -> memref<1x128xi32, #tpu.memory_space<vmem>>
      %dma_start3A_301 = tpu.memref_squeeze %dma_start3A_300 : memref<1x128xi32, #tpu.memory_space<vmem>> -> memref<128xi32, #tpu.memory_space<vmem>>
      %dma_start3A_302 = arith.constant 0 : i32
      %dma_start3A_303 = arith.constant 0 : i32
      %dma_start3A_304 = tpu.memref_slice %arg10[%dma_start3A_302, %dma_start3A_303] : memref<100352x2xf32, #tpu.memory_space<vmem_shared>> -> memref<100352x2xf32, #tpu.memory_space<vmem_shared>>
      tpu.enqueue_indirect_dma source(%dma_start3A_298 : memref<128x2xf32, #tpu.memory_space<vmem>>) target(%dma_start3A_304 : memref<100352x2xf32, #tpu.memory_space<vmem_shared>>) offsets(%dma_start3A_301 : memref<128xi32, #tpu.memory_space<vmem>>) semaphore(%arg12 : memref<!tpu.dma_semaphore, #tpu.memory_space<semaphore_mem>>) {add = true}
      %dma_wait3A_305 = arith.constant 0 : i32
      %dma_wait3A_306 = arith.constant 0 : i32
      %dma_wait3A_307 = arith.constant 0 : i32
      %dma_wait3A_308 = arith.constant 0 : i32
      %dma_wait3A_309 = tpu.memref_slice %arg9[%dma_wait3A_305, %dma_wait3A_307, %dma_wait3A_308] : memref<8x128x2xf32, #tpu.memory_space<vmem>> -> memref<1x128x2xf32, #tpu.memory_space<vmem>>
      %dma_wait3A_310 = tpu.memref_squeeze %dma_wait3A_309 : memref<1x128x2xf32, #tpu.memory_space<vmem>> -> memref<128x2xf32, #tpu.memory_space<vmem>>
      %dma_wait3A_311 = arith.constant 0 : i32
      %dma_wait3A_312 = tpu.memref_slice %arg8[%dma_wait3A_306, %dma_wait3A_311] : memref<8x128xi32, #tpu.memory_space<vmem>> -> memref<1x128xi32, #tpu.memory_space<vmem>>
      %dma_wait3A_313 = tpu.memref_squeeze %dma_wait3A_312 : memref<1x128xi32, #tpu.memory_space<vmem>> -> memref<128xi32, #tpu.memory_space<vmem>>
      %dma_wait3A_314 = arith.constant 0 : i32
      %dma_wait3A_315 = arith.constant 0 : i32
      %dma_wait3A_316 = tpu.memref_slice %arg10[%dma_wait3A_314, %dma_wait3A_315] : memref<100352x2xf32, #tpu.memory_space<vmem_shared>> -> memref<100352x2xf32, #tpu.memory_space<vmem_shared>>
      tpu.wait_indirect_dma semaphore(%arg12 : memref<!tpu.dma_semaphore, #tpu.memory_space<semaphore_mem>>) src(%dma_wait3A_310 : memref<128x2xf32, #tpu.memory_space<vmem>>) dst(%dma_wait3A_316 : memref<100352x2xf32, #tpu.memory_space<vmem_shared>>)
      %dma_wait3A_317 = arith.constant 1 : i32
      %dma_wait3A_318 = arith.constant 1 : i32
      %dma_wait3A_319 = arith.constant 0 : i32
      %dma_wait3A_320 = arith.constant 0 : i32
      %dma_wait3A_321 = tpu.memref_slice %arg9[%dma_wait3A_317, %dma_wait3A_319, %dma_wait3A_320] : memref<8x128x2xf32, #tpu.memory_space<vmem>> -> memref<1x128x2xf32, #tpu.memory_space<vmem>>
      %dma_wait3A_322 = tpu.memref_squeeze %dma_wait3A_321 : memref<1x128x2xf32, #tpu.memory_space<vmem>> -> memref<128x2xf32, #tpu.memory_space<vmem>>
      %dma_wait3A_323 = arith.constant 0 : i32
      %dma_wait3A_324 = tpu.memref_slice %arg8[%dma_wait3A_318, %dma_wait3A_323] : memref<8x128xi32, #tpu.memory_space<vmem>> -> memref<1x128xi32, #tpu.memory_space<vmem>>
      %dma_wait3A_325 = tpu.memref_squeeze %dma_wait3A_324 : memref<1x128xi32, #tpu.memory_space<vmem>> -> memref<128xi32, #tpu.memory_space<vmem>>
      %dma_wait3A_326 = arith.constant 0 : i32
      %dma_wait3A_327 = arith.constant 0 : i32
      %dma_wait3A_328 = tpu.memref_slice %arg10[%dma_wait3A_326, %dma_wait3A_327] : memref<100352x2xf32, #tpu.memory_space<vmem_shared>> -> memref<100352x2xf32, #tpu.memory_space<vmem_shared>>
      tpu.wait_indirect_dma semaphore(%arg12 : memref<!tpu.dma_semaphore, #tpu.memory_space<semaphore_mem>>) src(%dma_wait3A_322 : memref<128x2xf32, #tpu.memory_space<vmem>>) dst(%dma_wait3A_328 : memref<100352x2xf32, #tpu.memory_space<vmem_shared>>)
      %dma_wait3A_329 = arith.constant 2 : i32
      %dma_wait3A_330 = arith.constant 2 : i32
      %dma_wait3A_331 = arith.constant 0 : i32
      %dma_wait3A_332 = arith.constant 0 : i32
      %dma_wait3A_333 = tpu.memref_slice %arg9[%dma_wait3A_329, %dma_wait3A_331, %dma_wait3A_332] : memref<8x128x2xf32, #tpu.memory_space<vmem>> -> memref<1x128x2xf32, #tpu.memory_space<vmem>>
      %dma_wait3A_334 = tpu.memref_squeeze %dma_wait3A_333 : memref<1x128x2xf32, #tpu.memory_space<vmem>> -> memref<128x2xf32, #tpu.memory_space<vmem>>
      %dma_wait3A_335 = arith.constant 0 : i32
      %dma_wait3A_336 = tpu.memref_slice %arg8[%dma_wait3A_330, %dma_wait3A_335] : memref<8x128xi32, #tpu.memory_space<vmem>> -> memref<1x128xi32, #tpu.memory_space<vmem>>
      %dma_wait3A_337 = tpu.memref_squeeze %dma_wait3A_336 : memref<1x128xi32, #tpu.memory_space<vmem>> -> memref<128xi32, #tpu.memory_space<vmem>>
      %dma_wait3A_338 = arith.constant 0 : i32
      %dma_wait3A_339 = arith.constant 0 : i32
      %dma_wait3A_340 = tpu.memref_slice %arg10[%dma_wait3A_338, %dma_wait3A_339] : memref<100352x2xf32, #tpu.memory_space<vmem_shared>> -> memref<100352x2xf32, #tpu.memory_space<vmem_shared>>
      tpu.wait_indirect_dma semaphore(%arg12 : memref<!tpu.dma_semaphore, #tpu.memory_space<semaphore_mem>>) src(%dma_wait3A_334 : memref<128x2xf32, #tpu.memory_space<vmem>>) dst(%dma_wait3A_340 : memref<100352x2xf32, #tpu.memory_space<vmem_shared>>)
      %dma_wait3A_341 = arith.constant 3 : i32
      %dma_wait3A_342 = arith.constant 3 : i32
      %dma_wait3A_343 = arith.constant 0 : i32
      %dma_wait3A_344 = arith.constant 0 : i32
      %dma_wait3A_345 = tpu.memref_slice %arg9[%dma_wait3A_341, %dma_wait3A_343, %dma_wait3A_344] : memref<8x128x2xf32, #tpu.memory_space<vmem>> -> memref<1x128x2xf32, #tpu.memory_space<vmem>>
      %dma_wait3A_346 = tpu.memref_squeeze %dma_wait3A_345 : memref<1x128x2xf32, #tpu.memory_space<vmem>> -> memref<128x2xf32, #tpu.memory_space<vmem>>
      %dma_wait3A_347 = arith.constant 0 : i32
      %dma_wait3A_348 = tpu.memref_slice %arg8[%dma_wait3A_342, %dma_wait3A_347] : memref<8x128xi32, #tpu.memory_space<vmem>> -> memref<1x128xi32, #tpu.memory_space<vmem>>
      %dma_wait3A_349 = tpu.memref_squeeze %dma_wait3A_348 : memref<1x128xi32, #tpu.memory_space<vmem>> -> memref<128xi32, #tpu.memory_space<vmem>>
      %dma_wait3A_350 = arith.constant 0 : i32
      %dma_wait3A_351 = arith.constant 0 : i32
      %dma_wait3A_352 = tpu.memref_slice %arg10[%dma_wait3A_350, %dma_wait3A_351] : memref<100352x2xf32, #tpu.memory_space<vmem_shared>> -> memref<100352x2xf32, #tpu.memory_space<vmem_shared>>
      tpu.wait_indirect_dma semaphore(%arg12 : memref<!tpu.dma_semaphore, #tpu.memory_space<semaphore_mem>>) src(%dma_wait3A_346 : memref<128x2xf32, #tpu.memory_space<vmem>>) dst(%dma_wait3A_352 : memref<100352x2xf32, #tpu.memory_space<vmem_shared>>)
      %dma_wait3A_353 = arith.constant 4 : i32
      %dma_wait3A_354 = arith.constant 4 : i32
      %dma_wait3A_355 = arith.constant 0 : i32
      %dma_wait3A_356 = arith.constant 0 : i32
      %dma_wait3A_357 = tpu.memref_slice %arg9[%dma_wait3A_353, %dma_wait3A_355, %dma_wait3A_356] : memref<8x128x2xf32, #tpu.memory_space<vmem>> -> memref<1x128x2xf32, #tpu.memory_space<vmem>>
      %dma_wait3A_358 = tpu.memref_squeeze %dma_wait3A_357 : memref<1x128x2xf32, #tpu.memory_space<vmem>> -> memref<128x2xf32, #tpu.memory_space<vmem>>
      %dma_wait3A_359 = arith.constant 0 : i32
      %dma_wait3A_360 = tpu.memref_slice %arg8[%dma_wait3A_354, %dma_wait3A_359] : memref<8x128xi32, #tpu.memory_space<vmem>> -> memref<1x128xi32, #tpu.memory_space<vmem>>
      %dma_wait3A_361 = tpu.memref_squeeze %dma_wait3A_360 : memref<1x128xi32, #tpu.memory_space<vmem>> -> memref<128xi32, #tpu.memory_space<vmem>>
      %dma_wait3A_362 = arith.constant 0 : i32
      %dma_wait3A_363 = arith.constant 0 : i32
      %dma_wait3A_364 = tpu.memref_slice %arg10[%dma_wait3A_362, %dma_wait3A_363] : memref<100352x2xf32, #tpu.memory_space<vmem_shared>> -> memref<100352x2xf32, #tpu.memory_space<vmem_shared>>
      tpu.wait_indirect_dma semaphore(%arg12 : memref<!tpu.dma_semaphore, #tpu.memory_space<semaphore_mem>>) src(%dma_wait3A_358 : memref<128x2xf32, #tpu.memory_space<vmem>>) dst(%dma_wait3A_364 : memref<100352x2xf32, #tpu.memory_space<vmem_shared>>)
      %dma_wait3A_365 = arith.constant 5 : i32
      %dma_wait3A_366 = arith.constant 5 : i32
      %dma_wait3A_367 = arith.constant 0 : i32
      %dma_wait3A_368 = arith.constant 0 : i32
      %dma_wait3A_369 = tpu.memref_slice %arg9[%dma_wait3A_365, %dma_wait3A_367, %dma_wait3A_368] : memref<8x128x2xf32, #tpu.memory_space<vmem>> -> memref<1x128x2xf32, #tpu.memory_space<vmem>>
      %dma_wait3A_370 = tpu.memref_squeeze %dma_wait3A_369 : memref<1x128x2xf32, #tpu.memory_space<vmem>> -> memref<128x2xf32, #tpu.memory_space<vmem>>
      %dma_wait3A_371 = arith.constant 0 : i32
      %dma_wait3A_372 = tpu.memref_slice %arg8[%dma_wait3A_366, %dma_wait3A_371] : memref<8x128xi32, #tpu.memory_space<vmem>> -> memref<1x128xi32, #tpu.memory_space<vmem>>
      %dma_wait3A_373 = tpu.memref_squeeze %dma_wait3A_372 : memref<1x128xi32, #tpu.memory_space<vmem>> -> memref<128xi32, #tpu.memory_space<vmem>>
      %dma_wait3A_374 = arith.constant 0 : i32
      %dma_wait3A_375 = arith.constant 0 : i32
      %dma_wait3A_376 = tpu.memref_slice %arg10[%dma_wait3A_374, %dma_wait3A_375] : memref<100352x2xf32, #tpu.memory_space<vmem_shared>> -> memref<100352x2xf32, #tpu.memory_space<vmem_shared>>
      tpu.wait_indirect_dma semaphore(%arg12 : memref<!tpu.dma_semaphore, #tpu.memory_space<semaphore_mem>>) src(%dma_wait3A_370 : memref<128x2xf32, #tpu.memory_space<vmem>>) dst(%dma_wait3A_376 : memref<100352x2xf32, #tpu.memory_space<vmem_shared>>)
      %dma_wait3A_377 = arith.constant 6 : i32
      %dma_wait3A_378 = arith.constant 6 : i32
      %dma_wait3A_379 = arith.constant 0 : i32
      %dma_wait3A_380 = arith.constant 0 : i32
      %dma_wait3A_381 = tpu.memref_slice %arg9[%dma_wait3A_377, %dma_wait3A_379, %dma_wait3A_380] : memref<8x128x2xf32, #tpu.memory_space<vmem>> -> memref<1x128x2xf32, #tpu.memory_space<vmem>>
      %dma_wait3A_382 = tpu.memref_squeeze %dma_wait3A_381 : memref<1x128x2xf32, #tpu.memory_space<vmem>> -> memref<128x2xf32, #tpu.memory_space<vmem>>
      %dma_wait3A_383 = arith.constant 0 : i32
      %dma_wait3A_384 = tpu.memref_slice %arg8[%dma_wait3A_378, %dma_wait3A_383] : memref<8x128xi32, #tpu.memory_space<vmem>> -> memref<1x128xi32, #tpu.memory_space<vmem>>
      %dma_wait3A_385 = tpu.memref_squeeze %dma_wait3A_384 : memref<1x128xi32, #tpu.memory_space<vmem>> -> memref<128xi32, #tpu.memory_space<vmem>>
      %dma_wait3A_386 = arith.constant 0 : i32
      %dma_wait3A_387 = arith.constant 0 : i32
      %dma_wait3A_388 = tpu.memref_slice %arg10[%dma_wait3A_386, %dma_wait3A_387] : memref<100352x2xf32, #tpu.memory_space<vmem_shared>> -> memref<100352x2xf32, #tpu.memory_space<vmem_shared>>
      tpu.wait_indirect_dma semaphore(%arg12 : memref<!tpu.dma_semaphore, #tpu.memory_space<semaphore_mem>>) src(%dma_wait3A_382 : memref<128x2xf32, #tpu.memory_space<vmem>>) dst(%dma_wait3A_388 : memref<100352x2xf32, #tpu.memory_space<vmem_shared>>)
      %dma_wait3A_389 = arith.constant 7 : i32
      %dma_wait3A_390 = arith.constant 7 : i32
      %dma_wait3A_391 = arith.constant 0 : i32
      %dma_wait3A_392 = arith.constant 0 : i32
      %dma_wait3A_393 = tpu.memref_slice %arg9[%dma_wait3A_389, %dma_wait3A_391, %dma_wait3A_392] : memref<8x128x2xf32, #tpu.memory_space<vmem>> -> memref<1x128x2xf32, #tpu.memory_space<vmem>>
      %dma_wait3A_394 = tpu.memref_squeeze %dma_wait3A_393 : memref<1x128x2xf32, #tpu.memory_space<vmem>> -> memref<128x2xf32, #tpu.memory_space<vmem>>
      %dma_wait3A_395 = arith.constant 0 : i32
      %dma_wait3A_396 = tpu.memref_slice %arg8[%dma_wait3A_390, %dma_wait3A_395] : memref<8x128xi32, #tpu.memory_space<vmem>> -> memref<1x128xi32, #tpu.memory_space<vmem>>
      %dma_wait3A_397 = tpu.memref_squeeze %dma_wait3A_396 : memref<1x128xi32, #tpu.memory_space<vmem>> -> memref<128xi32, #tpu.memory_space<vmem>>
      %dma_wait3A_398 = arith.constant 0 : i32
      %dma_wait3A_399 = arith.constant 0 : i32
      %dma_wait3A_400 = tpu.memref_slice %arg10[%dma_wait3A_398, %dma_wait3A_399] : memref<100352x2xf32, #tpu.memory_space<vmem_shared>> -> memref<100352x2xf32, #tpu.memory_space<vmem_shared>>
      tpu.wait_indirect_dma semaphore(%arg12 : memref<!tpu.dma_semaphore, #tpu.memory_space<semaphore_mem>>) src(%dma_wait3A_394 : memref<128x2xf32, #tpu.memory_space<vmem>>) dst(%dma_wait3A_400 : memref<100352x2xf32, #tpu.memory_space<vmem_shared>>)
    }
    %scan3A_9 = arith.constant 49 : i32
    %barrier3A_10 = arith.constant 0 : index
    tpu.barrier barrier_id(%barrier3A_10)
    %mul3A_11 = arith.constant 6272 : i32
    %mul3A_12 = arith.muli %arg1, %mul3A_11 : i32
    %mul3A_13 = arith.constant 6272 : i32
    %mul3A_14 = arith.muli %arg1, %mul3A_13 : i32
    "tpu.region"() ({
      %run_scoped3A = tpu.sem_alloc : memref<!tpu.dma_semaphore, #tpu.memory_space<semaphore_mem>>
      %dma_start3A = arith.constant 0 : i32
      %dma_start3A_15 = tpu.memref_slice %arg6[%arg0, %mul3A_14, %dma_start3A] : memref<2x100352x2xf32, #tpu.memory_space<hbm>> -> memref<1x6272x2xf32, #tpu.memory_space<hbm>>
      %dma_start3A_16 = tpu.memref_squeeze %dma_start3A_15 : memref<1x6272x2xf32, #tpu.memory_space<hbm>> -> memref<6272x2xf32, #tpu.memory_space<hbm>>
      %dma_start3A_17 = arith.constant 0 : i32
      %dma_start3A_18 = tpu.memref_slice %arg10[%mul3A_12, %dma_start3A_17] : memref<100352x2xf32, #tpu.memory_space<vmem_shared>> -> memref<6272x2xf32, #tpu.memory_space<vmem_shared>>
      tpu.enqueue_dma source(%dma_start3A_18 : memref<6272x2xf32, #tpu.memory_space<vmem_shared>>) target(%dma_start3A_16 : memref<6272x2xf32, #tpu.memory_space<hbm>>) target_semaphore(%run_scoped3A : memref<!tpu.dma_semaphore, #tpu.memory_space<semaphore_mem>>)
      %dma_wait3A = arith.constant 0 : i32
      %dma_wait3A_19 = tpu.memref_slice %arg6[%arg0, %mul3A_14, %dma_wait3A] : memref<2x100352x2xf32, #tpu.memory_space<hbm>> -> memref<1x6272x2xf32, #tpu.memory_space<hbm>>
      %dma_wait3A_20 = tpu.memref_squeeze %dma_wait3A_19 : memref<1x6272x2xf32, #tpu.memory_space<hbm>> -> memref<6272x2xf32, #tpu.memory_space<hbm>>
      %dma_wait3A_21 = arith.constant 0 : i32
      %dma_wait3A_22 = tpu.memref_slice %arg10[%mul3A_12, %dma_wait3A_21] : memref<100352x2xf32, #tpu.memory_space<vmem_shared>> -> memref<6272x2xf32, #tpu.memory_space<vmem_shared>>
      tpu.wait_dma2 semaphore(%run_scoped3A : memref<!tpu.dma_semaphore, #tpu.memory_space<semaphore_mem>>) src(%dma_wait3A_22 : memref<6272x2xf32, #tpu.memory_space<vmem_shared>>) dst(%dma_wait3A_20 : memref<6272x2xf32, #tpu.memory_space<hbm>>)
      tpu.yield
    }) : () -> ()
    return
  }
}

#map = affine_map<(d0, d1) -> (0, 0)>
#map1 = affine_map<(d0, d1) -> (0, 0, 0)>
module attributes {stable_mosaic.version = 14 : i64} {
  func.func @body(%arg0: i32, %arg1: i32, %arg2: memref<100352x4xf32, #tpu.memory_space<hbm>>, %arg3: memref<12544x128xi32, #tpu.memory_space<hbm>>, %arg4: memref<12544x128xi32, #tpu.memory_space<hbm>>, %arg5: memref<6272x4xf32, #tpu.memory_space<hbm>>, %arg6: memref<2x100352x4xf32, #tpu.memory_space<hbm>>, %arg7: memref<8x128xi32, #tpu.memory_space<vmem>>, %arg8: memref<8x128xi32, #tpu.memory_space<vmem>>, %arg9: memref<8x128x4xf32, #tpu.memory_space<vmem>>, %arg10: memref<100352x4xf32, #tpu.memory_space<vmem_shared>>, %arg11: memref<!tpu.dma_semaphore, #tpu.memory_space<semaphore_mem>>, %arg12: memref<!tpu.dma_semaphore, #tpu.memory_space<semaphore_mem>>) attributes {dimension_semantics = [#tpu.dimension_semantics<core_parallel>, #tpu.dimension_semantics<subcore_parallel>], iteration_bounds = array<i64: 2, 16>, scalar_prefetch = 0 : i64, scratch_operands = 6 : i64, tpu.core_type = #tpu.core_type<sc_vector_subcore>, window_params = [{transform_indices = #map}, {transform_indices = #map}, {transform_indices = #map}, {transform_indices = #map}, {transform_indices = #map1}]} {
    %mul3A = arith.constant 2 : i32
    %mul3A_0 = arith.muli %arg1, %mul3A : i32
    %add3A = arith.addi %mul3A_0, %arg0 : i32
    %mul3A_1 = arith.constant 6272 : i32
    %mul3A_2 = arith.muli %arg1, %mul3A_1 : i32
    "tpu.region"() ({
      %run_scoped3A = tpu.sem_alloc : memref<!tpu.dma_semaphore, #tpu.memory_space<semaphore_mem>>
      %dma_start3A = arith.constant 0 : i32
      %dma_start3A_15 = tpu.memref_slice %arg10[%mul3A_2, %dma_start3A] : memref<100352x4xf32, #tpu.memory_space<vmem_shared>> -> memref<6272x4xf32, #tpu.memory_space<vmem_shared>>
      tpu.enqueue_dma source(%arg5 : memref<6272x4xf32, #tpu.memory_space<hbm>>) target(%dma_start3A_15 : memref<6272x4xf32, #tpu.memory_space<vmem_shared>>) target_semaphore(%run_scoped3A : memref<!tpu.dma_semaphore, #tpu.memory_space<semaphore_mem>>)
      %dma_wait3A = arith.constant 0 : i32
      %dma_wait3A_16 = tpu.memref_slice %arg10[%mul3A_2, %dma_wait3A] : memref<100352x4xf32, #tpu.memory_space<vmem_shared>> -> memref<6272x4xf32, #tpu.memory_space<vmem_shared>>
      tpu.wait_dma2 semaphore(%run_scoped3A : memref<!tpu.dma_semaphore, #tpu.memory_space<semaphore_mem>>) src(%arg5 : memref<6272x4xf32, #tpu.memory_space<hbm>>) dst(%dma_wait3A_16 : memref<6272x4xf32, #tpu.memory_space<vmem_shared>>)
      tpu.yield
    }) : () -> ()
    %barrier3A = arith.constant 0 : index
    tpu.barrier barrier_id(%barrier3A)
    %mul3A_3 = arith.constant 392 : i32
    %mul3A_4 = arith.muli %add3A, %mul3A_3 : i32
    %scan3A = arith.constant 0 : i32
    %scan3A_5 = arith.constant 0 : i32
    %scan3A_6 = arith.constant 49 : i32
    %scan3A_7 = arith.addi %scan3A_5, %scan3A_6 : i32
    %scan3A_8 = arith.constant 1 : i32
    scf.for %scan3A_15 = %scan3A_5 to %scan3A_7 step %scan3A_8  : i32 {
      %mul3A_16 = arith.constant 8 : i32
      %mul3A_17 = arith.muli %scan3A_15, %mul3A_16 : i32
      %add3A_18 = arith.addi %mul3A_4, %mul3A_17 : i32
      "tpu.region"() ({
        %run_scoped3A = tpu.sem_alloc : memref<!tpu.dma_semaphore, #tpu.memory_space<semaphore_mem>>
        %dma_start3A_401 = arith.constant 0 : i32
        %dma_start3A_402 = tpu.memref_slice %arg4[%add3A_18, %dma_start3A_401] : memref<12544x128xi32, #tpu.memory_space<hbm>> -> memref<8x128xi32, #tpu.memory_space<hbm>>
        %dma_start3A_403 = arith.constant 0 : i32
        %dma_start3A_404 = tpu.memref_slice %arg4[%add3A_18, %dma_start3A_403] : memref<12544x128xi32, #tpu.memory_space<hbm>> -> memref<8x128xi32, #tpu.memory_space<hbm>>
        tpu.enqueue_dma source(%dma_start3A_404 : memref<8x128xi32, #tpu.memory_space<hbm>>) target(%arg8 : memref<8x128xi32, #tpu.memory_space<vmem>>) target_semaphore(%run_scoped3A : memref<!tpu.dma_semaphore, #tpu.memory_space<semaphore_mem>>)
        %dma_wait3A_405 = arith.constant 0 : i32
        %dma_wait3A_406 = tpu.memref_slice %arg4[%add3A_18, %dma_wait3A_405] : memref<12544x128xi32, #tpu.memory_space<hbm>> -> memref<8x128xi32, #tpu.memory_space<hbm>>
        %dma_wait3A_407 = arith.constant 0 : i32
        %dma_wait3A_408 = tpu.memref_slice %arg4[%add3A_18, %dma_wait3A_407] : memref<12544x128xi32, #tpu.memory_space<hbm>> -> memref<8x128xi32, #tpu.memory_space<hbm>>
        tpu.wait_dma2 semaphore(%run_scoped3A : memref<!tpu.dma_semaphore, #tpu.memory_space<semaphore_mem>>) src(%dma_wait3A_408 : memref<8x128xi32, #tpu.memory_space<hbm>>) dst(%arg8 : memref<8x128xi32, #tpu.memory_space<vmem>>)
        tpu.yield
      }) : () -> ()
      "tpu.region"() ({
        %run_scoped3A = tpu.sem_alloc : memref<!tpu.dma_semaphore, #tpu.memory_space<semaphore_mem>>
        %dma_start3A_401 = arith.constant 0 : i32
        %dma_start3A_402 = tpu.memref_slice %arg3[%add3A_18, %dma_start3A_401] : memref<12544x128xi32, #tpu.memory_space<hbm>> -> memref<8x128xi32, #tpu.memory_space<hbm>>
        %dma_start3A_403 = arith.constant 0 : i32
        %dma_start3A_404 = tpu.memref_slice %arg3[%add3A_18, %dma_start3A_403] : memref<12544x128xi32, #tpu.memory_space<hbm>> -> memref<8x128xi32, #tpu.memory_space<hbm>>
        tpu.enqueue_dma source(%dma_start3A_404 : memref<8x128xi32, #tpu.memory_space<hbm>>) target(%arg7 : memref<8x128xi32, #tpu.memory_space<vmem>>) target_semaphore(%run_scoped3A : memref<!tpu.dma_semaphore, #tpu.memory_space<semaphore_mem>>)
        %dma_wait3A_405 = arith.constant 0 : i32
        %dma_wait3A_406 = tpu.memref_slice %arg3[%add3A_18, %dma_wait3A_405] : memref<12544x128xi32, #tpu.memory_space<hbm>> -> memref<8x128xi32, #tpu.memory_space<hbm>>
        %dma_wait3A_407 = arith.constant 0 : i32
        %dma_wait3A_408 = tpu.memref_slice %arg3[%add3A_18, %dma_wait3A_407] : memref<12544x128xi32, #tpu.memory_space<hbm>> -> memref<8x128xi32, #tpu.memory_space<hbm>>
        tpu.wait_dma2 semaphore(%run_scoped3A : memref<!tpu.dma_semaphore, #tpu.memory_space<semaphore_mem>>) src(%dma_wait3A_408 : memref<8x128xi32, #tpu.memory_space<hbm>>) dst(%arg7 : memref<8x128xi32, #tpu.memory_space<vmem>>)
        tpu.yield
      }) : () -> ()
      %dma_start3A = arith.constant 0 : i32
      %dma_start3A_19 = arith.constant 0 : i32
      %dma_start3A_20 = arith.constant 0 : i32
      %dma_start3A_21 = arith.constant 0 : i32
      %dma_start3A_22 = tpu.memref_slice %arg9[%dma_start3A_19, %dma_start3A_20, %dma_start3A_21] : memref<8x128x4xf32, #tpu.memory_space<vmem>> -> memref<1x128x4xf32, #tpu.memory_space<vmem>>
      %dma_start3A_23 = tpu.memref_squeeze %dma_start3A_22 : memref<1x128x4xf32, #tpu.memory_space<vmem>> -> memref<128x4xf32, #tpu.memory_space<vmem>>
      %dma_start3A_24 = arith.constant 0 : i32
      %dma_start3A_25 = tpu.memref_slice %arg7[%dma_start3A, %dma_start3A_24] : memref<8x128xi32, #tpu.memory_space<vmem>> -> memref<1x128xi32, #tpu.memory_space<vmem>>
      %dma_start3A_26 = tpu.memref_squeeze %dma_start3A_25 : memref<1x128xi32, #tpu.memory_space<vmem>> -> memref<128xi32, #tpu.memory_space<vmem>>
      %dma_start3A_27 = arith.constant 0 : i32
      %dma_start3A_28 = arith.constant 0 : i32
      %dma_start3A_29 = tpu.memref_slice %arg2[%dma_start3A_27, %dma_start3A_28] : memref<100352x4xf32, #tpu.memory_space<hbm>> -> memref<100352x4xf32, #tpu.memory_space<hbm>>
      tpu.enqueue_indirect_dma source(%dma_start3A_29 : memref<100352x4xf32, #tpu.memory_space<hbm>>) target(%dma_start3A_23 : memref<128x4xf32, #tpu.memory_space<vmem>>) offsets(%dma_start3A_26 : memref<128xi32, #tpu.memory_space<vmem>>) semaphore(%arg11 : memref<!tpu.dma_semaphore, #tpu.memory_space<semaphore_mem>>)
      %dma_start3A_30 = arith.constant 1 : i32
      %dma_start3A_31 = arith.constant 1 : i32
      %dma_start3A_32 = arith.constant 0 : i32
      %dma_start3A_33 = arith.constant 0 : i32
      %dma_start3A_34 = tpu.memref_slice %arg9[%dma_start3A_31, %dma_start3A_32, %dma_start3A_33] : memref<8x128x4xf32, #tpu.memory_space<vmem>> -> memref<1x128x4xf32, #tpu.memory_space<vmem>>
      %dma_start3A_35 = tpu.memref_squeeze %dma_start3A_34 : memref<1x128x4xf32, #tpu.memory_space<vmem>> -> memref<128x4xf32, #tpu.memory_space<vmem>>
      %dma_start3A_36 = arith.constant 0 : i32
      %dma_start3A_37 = tpu.memref_slice %arg7[%dma_start3A_30, %dma_start3A_36] : memref<8x128xi32, #tpu.memory_space<vmem>> -> memref<1x128xi32, #tpu.memory_space<vmem>>
      %dma_start3A_38 = tpu.memref_squeeze %dma_start3A_37 : memref<1x128xi32, #tpu.memory_space<vmem>> -> memref<128xi32, #tpu.memory_space<vmem>>
      %dma_start3A_39 = arith.constant 0 : i32
      %dma_start3A_40 = arith.constant 0 : i32
      %dma_start3A_41 = tpu.memref_slice %arg2[%dma_start3A_39, %dma_start3A_40] : memref<100352x4xf32, #tpu.memory_space<hbm>> -> memref<100352x4xf32, #tpu.memory_space<hbm>>
      tpu.enqueue_indirect_dma source(%dma_start3A_41 : memref<100352x4xf32, #tpu.memory_space<hbm>>) target(%dma_start3A_35 : memref<128x4xf32, #tpu.memory_space<vmem>>) offsets(%dma_start3A_38 : memref<128xi32, #tpu.memory_space<vmem>>) semaphore(%arg11 : memref<!tpu.dma_semaphore, #tpu.memory_space<semaphore_mem>>)
      %dma_start3A_42 = arith.constant 2 : i32
      %dma_start3A_43 = arith.constant 2 : i32
      %dma_start3A_44 = arith.constant 0 : i32
      %dma_start3A_45 = arith.constant 0 : i32
      %dma_start3A_46 = tpu.memref_slice %arg9[%dma_start3A_43, %dma_start3A_44, %dma_start3A_45] : memref<8x128x4xf32, #tpu.memory_space<vmem>> -> memref<1x128x4xf32, #tpu.memory_space<vmem>>
      %dma_start3A_47 = tpu.memref_squeeze %dma_start3A_46 : memref<1x128x4xf32, #tpu.memory_space<vmem>> -> memref<128x4xf32, #tpu.memory_space<vmem>>
      %dma_start3A_48 = arith.constant 0 : i32
      %dma_start3A_49 = tpu.memref_slice %arg7[%dma_start3A_42, %dma_start3A_48] : memref<8x128xi32, #tpu.memory_space<vmem>> -> memref<1x128xi32, #tpu.memory_space<vmem>>
      %dma_start3A_50 = tpu.memref_squeeze %dma_start3A_49 : memref<1x128xi32, #tpu.memory_space<vmem>> -> memref<128xi32, #tpu.memory_space<vmem>>
      %dma_start3A_51 = arith.constant 0 : i32
      %dma_start3A_52 = arith.constant 0 : i32
      %dma_start3A_53 = tpu.memref_slice %arg2[%dma_start3A_51, %dma_start3A_52] : memref<100352x4xf32, #tpu.memory_space<hbm>> -> memref<100352x4xf32, #tpu.memory_space<hbm>>
      tpu.enqueue_indirect_dma source(%dma_start3A_53 : memref<100352x4xf32, #tpu.memory_space<hbm>>) target(%dma_start3A_47 : memref<128x4xf32, #tpu.memory_space<vmem>>) offsets(%dma_start3A_50 : memref<128xi32, #tpu.memory_space<vmem>>) semaphore(%arg11 : memref<!tpu.dma_semaphore, #tpu.memory_space<semaphore_mem>>)
      %dma_start3A_54 = arith.constant 3 : i32
      %dma_start3A_55 = arith.constant 3 : i32
      %dma_start3A_56 = arith.constant 0 : i32
      %dma_start3A_57 = arith.constant 0 : i32
      %dma_start3A_58 = tpu.memref_slice %arg9[%dma_start3A_55, %dma_start3A_56, %dma_start3A_57] : memref<8x128x4xf32, #tpu.memory_space<vmem>> -> memref<1x128x4xf32, #tpu.memory_space<vmem>>
      %dma_start3A_59 = tpu.memref_squeeze %dma_start3A_58 : memref<1x128x4xf32, #tpu.memory_space<vmem>> -> memref<128x4xf32, #tpu.memory_space<vmem>>
      %dma_start3A_60 = arith.constant 0 : i32
      %dma_start3A_61 = tpu.memref_slice %arg7[%dma_start3A_54, %dma_start3A_60] : memref<8x128xi32, #tpu.memory_space<vmem>> -> memref<1x128xi32, #tpu.memory_space<vmem>>
      %dma_start3A_62 = tpu.memref_squeeze %dma_start3A_61 : memref<1x128xi32, #tpu.memory_space<vmem>> -> memref<128xi32, #tpu.memory_space<vmem>>
      %dma_start3A_63 = arith.constant 0 : i32
      %dma_start3A_64 = arith.constant 0 : i32
      %dma_start3A_65 = tpu.memref_slice %arg2[%dma_start3A_63, %dma_start3A_64] : memref<100352x4xf32, #tpu.memory_space<hbm>> -> memref<100352x4xf32, #tpu.memory_space<hbm>>
      tpu.enqueue_indirect_dma source(%dma_start3A_65 : memref<100352x4xf32, #tpu.memory_space<hbm>>) target(%dma_start3A_59 : memref<128x4xf32, #tpu.memory_space<vmem>>) offsets(%dma_start3A_62 : memref<128xi32, #tpu.memory_space<vmem>>) semaphore(%arg11 : memref<!tpu.dma_semaphore, #tpu.memory_space<semaphore_mem>>)
      %dma_start3A_66 = arith.constant 4 : i32
      %dma_start3A_67 = arith.constant 4 : i32
      %dma_start3A_68 = arith.constant 0 : i32
      %dma_start3A_69 = arith.constant 0 : i32
      %dma_start3A_70 = tpu.memref_slice %arg9[%dma_start3A_67, %dma_start3A_68, %dma_start3A_69] : memref<8x128x4xf32, #tpu.memory_space<vmem>> -> memref<1x128x4xf32, #tpu.memory_space<vmem>>
      %dma_start3A_71 = tpu.memref_squeeze %dma_start3A_70 : memref<1x128x4xf32, #tpu.memory_space<vmem>> -> memref<128x4xf32, #tpu.memory_space<vmem>>
      %dma_start3A_72 = arith.constant 0 : i32
      %dma_start3A_73 = tpu.memref_slice %arg7[%dma_start3A_66, %dma_start3A_72] : memref<8x128xi32, #tpu.memory_space<vmem>> -> memref<1x128xi32, #tpu.memory_space<vmem>>
      %dma_start3A_74 = tpu.memref_squeeze %dma_start3A_73 : memref<1x128xi32, #tpu.memory_space<vmem>> -> memref<128xi32, #tpu.memory_space<vmem>>
      %dma_start3A_75 = arith.constant 0 : i32
      %dma_start3A_76 = arith.constant 0 : i32
      %dma_start3A_77 = tpu.memref_slice %arg2[%dma_start3A_75, %dma_start3A_76] : memref<100352x4xf32, #tpu.memory_space<hbm>> -> memref<100352x4xf32, #tpu.memory_space<hbm>>
      tpu.enqueue_indirect_dma source(%dma_start3A_77 : memref<100352x4xf32, #tpu.memory_space<hbm>>) target(%dma_start3A_71 : memref<128x4xf32, #tpu.memory_space<vmem>>) offsets(%dma_start3A_74 : memref<128xi32, #tpu.memory_space<vmem>>) semaphore(%arg11 : memref<!tpu.dma_semaphore, #tpu.memory_space<semaphore_mem>>)
      %dma_start3A_78 = arith.constant 5 : i32
      %dma_start3A_79 = arith.constant 5 : i32
      %dma_start3A_80 = arith.constant 0 : i32
      %dma_start3A_81 = arith.constant 0 : i32
      %dma_start3A_82 = tpu.memref_slice %arg9[%dma_start3A_79, %dma_start3A_80, %dma_start3A_81] : memref<8x128x4xf32, #tpu.memory_space<vmem>> -> memref<1x128x4xf32, #tpu.memory_space<vmem>>
      %dma_start3A_83 = tpu.memref_squeeze %dma_start3A_82 : memref<1x128x4xf32, #tpu.memory_space<vmem>> -> memref<128x4xf32, #tpu.memory_space<vmem>>
      %dma_start3A_84 = arith.constant 0 : i32
      %dma_start3A_85 = tpu.memref_slice %arg7[%dma_start3A_78, %dma_start3A_84] : memref<8x128xi32, #tpu.memory_space<vmem>> -> memref<1x128xi32, #tpu.memory_space<vmem>>
      %dma_start3A_86 = tpu.memref_squeeze %dma_start3A_85 : memref<1x128xi32, #tpu.memory_space<vmem>> -> memref<128xi32, #tpu.memory_space<vmem>>
      %dma_start3A_87 = arith.constant 0 : i32
      %dma_start3A_88 = arith.constant 0 : i32
      %dma_start3A_89 = tpu.memref_slice %arg2[%dma_start3A_87, %dma_start3A_88] : memref<100352x4xf32, #tpu.memory_space<hbm>> -> memref<100352x4xf32, #tpu.memory_space<hbm>>
      tpu.enqueue_indirect_dma source(%dma_start3A_89 : memref<100352x4xf32, #tpu.memory_space<hbm>>) target(%dma_start3A_83 : memref<128x4xf32, #tpu.memory_space<vmem>>) offsets(%dma_start3A_86 : memref<128xi32, #tpu.memory_space<vmem>>) semaphore(%arg11 : memref<!tpu.dma_semaphore, #tpu.memory_space<semaphore_mem>>)
      %dma_start3A_90 = arith.constant 6 : i32
      %dma_start3A_91 = arith.constant 6 : i32
      %dma_start3A_92 = arith.constant 0 : i32
      %dma_start3A_93 = arith.constant 0 : i32
      %dma_start3A_94 = tpu.memref_slice %arg9[%dma_start3A_91, %dma_start3A_92, %dma_start3A_93] : memref<8x128x4xf32, #tpu.memory_space<vmem>> -> memref<1x128x4xf32, #tpu.memory_space<vmem>>
      %dma_start3A_95 = tpu.memref_squeeze %dma_start3A_94 : memref<1x128x4xf32, #tpu.memory_space<vmem>> -> memref<128x4xf32, #tpu.memory_space<vmem>>
      %dma_start3A_96 = arith.constant 0 : i32
      %dma_start3A_97 = tpu.memref_slice %arg7[%dma_start3A_90, %dma_start3A_96] : memref<8x128xi32, #tpu.memory_space<vmem>> -> memref<1x128xi32, #tpu.memory_space<vmem>>
      %dma_start3A_98 = tpu.memref_squeeze %dma_start3A_97 : memref<1x128xi32, #tpu.memory_space<vmem>> -> memref<128xi32, #tpu.memory_space<vmem>>
      %dma_start3A_99 = arith.constant 0 : i32
      %dma_start3A_100 = arith.constant 0 : i32
      %dma_start3A_101 = tpu.memref_slice %arg2[%dma_start3A_99, %dma_start3A_100] : memref<100352x4xf32, #tpu.memory_space<hbm>> -> memref<100352x4xf32, #tpu.memory_space<hbm>>
      tpu.enqueue_indirect_dma source(%dma_start3A_101 : memref<100352x4xf32, #tpu.memory_space<hbm>>) target(%dma_start3A_95 : memref<128x4xf32, #tpu.memory_space<vmem>>) offsets(%dma_start3A_98 : memref<128xi32, #tpu.memory_space<vmem>>) semaphore(%arg11 : memref<!tpu.dma_semaphore, #tpu.memory_space<semaphore_mem>>)
      %dma_start3A_102 = arith.constant 7 : i32
      %dma_start3A_103 = arith.constant 7 : i32
      %dma_start3A_104 = arith.constant 0 : i32
      %dma_start3A_105 = arith.constant 0 : i32
      %dma_start3A_106 = tpu.memref_slice %arg9[%dma_start3A_103, %dma_start3A_104, %dma_start3A_105] : memref<8x128x4xf32, #tpu.memory_space<vmem>> -> memref<1x128x4xf32, #tpu.memory_space<vmem>>
      %dma_start3A_107 = tpu.memref_squeeze %dma_start3A_106 : memref<1x128x4xf32, #tpu.memory_space<vmem>> -> memref<128x4xf32, #tpu.memory_space<vmem>>
      %dma_start3A_108 = arith.constant 0 : i32
      %dma_start3A_109 = tpu.memref_slice %arg7[%dma_start3A_102, %dma_start3A_108] : memref<8x128xi32, #tpu.memory_space<vmem>> -> memref<1x128xi32, #tpu.memory_space<vmem>>
      %dma_start3A_110 = tpu.memref_squeeze %dma_start3A_109 : memref<1x128xi32, #tpu.memory_space<vmem>> -> memref<128xi32, #tpu.memory_space<vmem>>
      %dma_start3A_111 = arith.constant 0 : i32
      %dma_start3A_112 = arith.constant 0 : i32
      %dma_start3A_113 = tpu.memref_slice %arg2[%dma_start3A_111, %dma_start3A_112] : memref<100352x4xf32, #tpu.memory_space<hbm>> -> memref<100352x4xf32, #tpu.memory_space<hbm>>
      tpu.enqueue_indirect_dma source(%dma_start3A_113 : memref<100352x4xf32, #tpu.memory_space<hbm>>) target(%dma_start3A_107 : memref<128x4xf32, #tpu.memory_space<vmem>>) offsets(%dma_start3A_110 : memref<128xi32, #tpu.memory_space<vmem>>) semaphore(%arg11 : memref<!tpu.dma_semaphore, #tpu.memory_space<semaphore_mem>>)
      %dma_wait3A = arith.constant 0 : i32
      %dma_wait3A_114 = arith.constant 0 : i32
      %dma_wait3A_115 = arith.constant 0 : i32
      %dma_wait3A_116 = arith.constant 0 : i32
      %dma_wait3A_117 = tpu.memref_slice %arg9[%dma_wait3A_114, %dma_wait3A_115, %dma_wait3A_116] : memref<8x128x4xf32, #tpu.memory_space<vmem>> -> memref<1x128x4xf32, #tpu.memory_space<vmem>>
      %dma_wait3A_118 = tpu.memref_squeeze %dma_wait3A_117 : memref<1x128x4xf32, #tpu.memory_space<vmem>> -> memref<128x4xf32, #tpu.memory_space<vmem>>
      %dma_wait3A_119 = arith.constant 0 : i32
      %dma_wait3A_120 = tpu.memref_slice %arg7[%dma_wait3A, %dma_wait3A_119] : memref<8x128xi32, #tpu.memory_space<vmem>> -> memref<1x128xi32, #tpu.memory_space<vmem>>
      %dma_wait3A_121 = tpu.memref_squeeze %dma_wait3A_120 : memref<1x128xi32, #tpu.memory_space<vmem>> -> memref<128xi32, #tpu.memory_space<vmem>>
      %dma_wait3A_122 = arith.constant 0 : i32
      %dma_wait3A_123 = arith.constant 0 : i32
      %dma_wait3A_124 = tpu.memref_slice %arg2[%dma_wait3A_122, %dma_wait3A_123] : memref<100352x4xf32, #tpu.memory_space<hbm>> -> memref<100352x4xf32, #tpu.memory_space<hbm>>
      tpu.wait_indirect_dma semaphore(%arg11 : memref<!tpu.dma_semaphore, #tpu.memory_space<semaphore_mem>>) src(%dma_wait3A_124 : memref<100352x4xf32, #tpu.memory_space<hbm>>) dst(%dma_wait3A_118 : memref<128x4xf32, #tpu.memory_space<vmem>>)
      %dma_wait3A_125 = arith.constant 1 : i32
      %dma_wait3A_126 = arith.constant 1 : i32
      %dma_wait3A_127 = arith.constant 0 : i32
      %dma_wait3A_128 = arith.constant 0 : i32
      %dma_wait3A_129 = tpu.memref_slice %arg9[%dma_wait3A_126, %dma_wait3A_127, %dma_wait3A_128] : memref<8x128x4xf32, #tpu.memory_space<vmem>> -> memref<1x128x4xf32, #tpu.memory_space<vmem>>
      %dma_wait3A_130 = tpu.memref_squeeze %dma_wait3A_129 : memref<1x128x4xf32, #tpu.memory_space<vmem>> -> memref<128x4xf32, #tpu.memory_space<vmem>>
      %dma_wait3A_131 = arith.constant 0 : i32
      %dma_wait3A_132 = tpu.memref_slice %arg7[%dma_wait3A_125, %dma_wait3A_131] : memref<8x128xi32, #tpu.memory_space<vmem>> -> memref<1x128xi32, #tpu.memory_space<vmem>>
      %dma_wait3A_133 = tpu.memref_squeeze %dma_wait3A_132 : memref<1x128xi32, #tpu.memory_space<vmem>> -> memref<128xi32, #tpu.memory_space<vmem>>
      %dma_wait3A_134 = arith.constant 0 : i32
      %dma_wait3A_135 = arith.constant 0 : i32
      %dma_wait3A_136 = tpu.memref_slice %arg2[%dma_wait3A_134, %dma_wait3A_135] : memref<100352x4xf32, #tpu.memory_space<hbm>> -> memref<100352x4xf32, #tpu.memory_space<hbm>>
      tpu.wait_indirect_dma semaphore(%arg11 : memref<!tpu.dma_semaphore, #tpu.memory_space<semaphore_mem>>) src(%dma_wait3A_136 : memref<100352x4xf32, #tpu.memory_space<hbm>>) dst(%dma_wait3A_130 : memref<128x4xf32, #tpu.memory_space<vmem>>)
      %dma_wait3A_137 = arith.constant 2 : i32
      %dma_wait3A_138 = arith.constant 2 : i32
      %dma_wait3A_139 = arith.constant 0 : i32
      %dma_wait3A_140 = arith.constant 0 : i32
      %dma_wait3A_141 = tpu.memref_slice %arg9[%dma_wait3A_138, %dma_wait3A_139, %dma_wait3A_140] : memref<8x128x4xf32, #tpu.memory_space<vmem>> -> memref<1x128x4xf32, #tpu.memory_space<vmem>>
      %dma_wait3A_142 = tpu.memref_squeeze %dma_wait3A_141 : memref<1x128x4xf32, #tpu.memory_space<vmem>> -> memref<128x4xf32, #tpu.memory_space<vmem>>
      %dma_wait3A_143 = arith.constant 0 : i32
      %dma_wait3A_144 = tpu.memref_slice %arg7[%dma_wait3A_137, %dma_wait3A_143] : memref<8x128xi32, #tpu.memory_space<vmem>> -> memref<1x128xi32, #tpu.memory_space<vmem>>
      %dma_wait3A_145 = tpu.memref_squeeze %dma_wait3A_144 : memref<1x128xi32, #tpu.memory_space<vmem>> -> memref<128xi32, #tpu.memory_space<vmem>>
      %dma_wait3A_146 = arith.constant 0 : i32
      %dma_wait3A_147 = arith.constant 0 : i32
      %dma_wait3A_148 = tpu.memref_slice %arg2[%dma_wait3A_146, %dma_wait3A_147] : memref<100352x4xf32, #tpu.memory_space<hbm>> -> memref<100352x4xf32, #tpu.memory_space<hbm>>
      tpu.wait_indirect_dma semaphore(%arg11 : memref<!tpu.dma_semaphore, #tpu.memory_space<semaphore_mem>>) src(%dma_wait3A_148 : memref<100352x4xf32, #tpu.memory_space<hbm>>) dst(%dma_wait3A_142 : memref<128x4xf32, #tpu.memory_space<vmem>>)
      %dma_wait3A_149 = arith.constant 3 : i32
      %dma_wait3A_150 = arith.constant 3 : i32
      %dma_wait3A_151 = arith.constant 0 : i32
      %dma_wait3A_152 = arith.constant 0 : i32
      %dma_wait3A_153 = tpu.memref_slice %arg9[%dma_wait3A_150, %dma_wait3A_151, %dma_wait3A_152] : memref<8x128x4xf32, #tpu.memory_space<vmem>> -> memref<1x128x4xf32, #tpu.memory_space<vmem>>
      %dma_wait3A_154 = tpu.memref_squeeze %dma_wait3A_153 : memref<1x128x4xf32, #tpu.memory_space<vmem>> -> memref<128x4xf32, #tpu.memory_space<vmem>>
      %dma_wait3A_155 = arith.constant 0 : i32
      %dma_wait3A_156 = tpu.memref_slice %arg7[%dma_wait3A_149, %dma_wait3A_155] : memref<8x128xi32, #tpu.memory_space<vmem>> -> memref<1x128xi32, #tpu.memory_space<vmem>>
      %dma_wait3A_157 = tpu.memref_squeeze %dma_wait3A_156 : memref<1x128xi32, #tpu.memory_space<vmem>> -> memref<128xi32, #tpu.memory_space<vmem>>
      %dma_wait3A_158 = arith.constant 0 : i32
      %dma_wait3A_159 = arith.constant 0 : i32
      %dma_wait3A_160 = tpu.memref_slice %arg2[%dma_wait3A_158, %dma_wait3A_159] : memref<100352x4xf32, #tpu.memory_space<hbm>> -> memref<100352x4xf32, #tpu.memory_space<hbm>>
      tpu.wait_indirect_dma semaphore(%arg11 : memref<!tpu.dma_semaphore, #tpu.memory_space<semaphore_mem>>) src(%dma_wait3A_160 : memref<100352x4xf32, #tpu.memory_space<hbm>>) dst(%dma_wait3A_154 : memref<128x4xf32, #tpu.memory_space<vmem>>)
      %dma_wait3A_161 = arith.constant 4 : i32
      %dma_wait3A_162 = arith.constant 4 : i32
      %dma_wait3A_163 = arith.constant 0 : i32
      %dma_wait3A_164 = arith.constant 0 : i32
      %dma_wait3A_165 = tpu.memref_slice %arg9[%dma_wait3A_162, %dma_wait3A_163, %dma_wait3A_164] : memref<8x128x4xf32, #tpu.memory_space<vmem>> -> memref<1x128x4xf32, #tpu.memory_space<vmem>>
      %dma_wait3A_166 = tpu.memref_squeeze %dma_wait3A_165 : memref<1x128x4xf32, #tpu.memory_space<vmem>> -> memref<128x4xf32, #tpu.memory_space<vmem>>
      %dma_wait3A_167 = arith.constant 0 : i32
      %dma_wait3A_168 = tpu.memref_slice %arg7[%dma_wait3A_161, %dma_wait3A_167] : memref<8x128xi32, #tpu.memory_space<vmem>> -> memref<1x128xi32, #tpu.memory_space<vmem>>
      %dma_wait3A_169 = tpu.memref_squeeze %dma_wait3A_168 : memref<1x128xi32, #tpu.memory_space<vmem>> -> memref<128xi32, #tpu.memory_space<vmem>>
      %dma_wait3A_170 = arith.constant 0 : i32
      %dma_wait3A_171 = arith.constant 0 : i32
      %dma_wait3A_172 = tpu.memref_slice %arg2[%dma_wait3A_170, %dma_wait3A_171] : memref<100352x4xf32, #tpu.memory_space<hbm>> -> memref<100352x4xf32, #tpu.memory_space<hbm>>
      tpu.wait_indirect_dma semaphore(%arg11 : memref<!tpu.dma_semaphore, #tpu.memory_space<semaphore_mem>>) src(%dma_wait3A_172 : memref<100352x4xf32, #tpu.memory_space<hbm>>) dst(%dma_wait3A_166 : memref<128x4xf32, #tpu.memory_space<vmem>>)
      %dma_wait3A_173 = arith.constant 5 : i32
      %dma_wait3A_174 = arith.constant 5 : i32
      %dma_wait3A_175 = arith.constant 0 : i32
      %dma_wait3A_176 = arith.constant 0 : i32
      %dma_wait3A_177 = tpu.memref_slice %arg9[%dma_wait3A_174, %dma_wait3A_175, %dma_wait3A_176] : memref<8x128x4xf32, #tpu.memory_space<vmem>> -> memref<1x128x4xf32, #tpu.memory_space<vmem>>
      %dma_wait3A_178 = tpu.memref_squeeze %dma_wait3A_177 : memref<1x128x4xf32, #tpu.memory_space<vmem>> -> memref<128x4xf32, #tpu.memory_space<vmem>>
      %dma_wait3A_179 = arith.constant 0 : i32
      %dma_wait3A_180 = tpu.memref_slice %arg7[%dma_wait3A_173, %dma_wait3A_179] : memref<8x128xi32, #tpu.memory_space<vmem>> -> memref<1x128xi32, #tpu.memory_space<vmem>>
      %dma_wait3A_181 = tpu.memref_squeeze %dma_wait3A_180 : memref<1x128xi32, #tpu.memory_space<vmem>> -> memref<128xi32, #tpu.memory_space<vmem>>
      %dma_wait3A_182 = arith.constant 0 : i32
      %dma_wait3A_183 = arith.constant 0 : i32
      %dma_wait3A_184 = tpu.memref_slice %arg2[%dma_wait3A_182, %dma_wait3A_183] : memref<100352x4xf32, #tpu.memory_space<hbm>> -> memref<100352x4xf32, #tpu.memory_space<hbm>>
      tpu.wait_indirect_dma semaphore(%arg11 : memref<!tpu.dma_semaphore, #tpu.memory_space<semaphore_mem>>) src(%dma_wait3A_184 : memref<100352x4xf32, #tpu.memory_space<hbm>>) dst(%dma_wait3A_178 : memref<128x4xf32, #tpu.memory_space<vmem>>)
      %dma_wait3A_185 = arith.constant 6 : i32
      %dma_wait3A_186 = arith.constant 6 : i32
      %dma_wait3A_187 = arith.constant 0 : i32
      %dma_wait3A_188 = arith.constant 0 : i32
      %dma_wait3A_189 = tpu.memref_slice %arg9[%dma_wait3A_186, %dma_wait3A_187, %dma_wait3A_188] : memref<8x128x4xf32, #tpu.memory_space<vmem>> -> memref<1x128x4xf32, #tpu.memory_space<vmem>>
      %dma_wait3A_190 = tpu.memref_squeeze %dma_wait3A_189 : memref<1x128x4xf32, #tpu.memory_space<vmem>> -> memref<128x4xf32, #tpu.memory_space<vmem>>
      %dma_wait3A_191 = arith.constant 0 : i32
      %dma_wait3A_192 = tpu.memref_slice %arg7[%dma_wait3A_185, %dma_wait3A_191] : memref<8x128xi32, #tpu.memory_space<vmem>> -> memref<1x128xi32, #tpu.memory_space<vmem>>
      %dma_wait3A_193 = tpu.memref_squeeze %dma_wait3A_192 : memref<1x128xi32, #tpu.memory_space<vmem>> -> memref<128xi32, #tpu.memory_space<vmem>>
      %dma_wait3A_194 = arith.constant 0 : i32
      %dma_wait3A_195 = arith.constant 0 : i32
      %dma_wait3A_196 = tpu.memref_slice %arg2[%dma_wait3A_194, %dma_wait3A_195] : memref<100352x4xf32, #tpu.memory_space<hbm>> -> memref<100352x4xf32, #tpu.memory_space<hbm>>
      tpu.wait_indirect_dma semaphore(%arg11 : memref<!tpu.dma_semaphore, #tpu.memory_space<semaphore_mem>>) src(%dma_wait3A_196 : memref<100352x4xf32, #tpu.memory_space<hbm>>) dst(%dma_wait3A_190 : memref<128x4xf32, #tpu.memory_space<vmem>>)
      %dma_wait3A_197 = arith.constant 7 : i32
      %dma_wait3A_198 = arith.constant 7 : i32
      %dma_wait3A_199 = arith.constant 0 : i32
      %dma_wait3A_200 = arith.constant 0 : i32
      %dma_wait3A_201 = tpu.memref_slice %arg9[%dma_wait3A_198, %dma_wait3A_199, %dma_wait3A_200] : memref<8x128x4xf32, #tpu.memory_space<vmem>> -> memref<1x128x4xf32, #tpu.memory_space<vmem>>
      %dma_wait3A_202 = tpu.memref_squeeze %dma_wait3A_201 : memref<1x128x4xf32, #tpu.memory_space<vmem>> -> memref<128x4xf32, #tpu.memory_space<vmem>>
      %dma_wait3A_203 = arith.constant 0 : i32
      %dma_wait3A_204 = tpu.memref_slice %arg7[%dma_wait3A_197, %dma_wait3A_203] : memref<8x128xi32, #tpu.memory_space<vmem>> -> memref<1x128xi32, #tpu.memory_space<vmem>>
      %dma_wait3A_205 = tpu.memref_squeeze %dma_wait3A_204 : memref<1x128xi32, #tpu.memory_space<vmem>> -> memref<128xi32, #tpu.memory_space<vmem>>
      %dma_wait3A_206 = arith.constant 0 : i32
      %dma_wait3A_207 = arith.constant 0 : i32
      %dma_wait3A_208 = tpu.memref_slice %arg2[%dma_wait3A_206, %dma_wait3A_207] : memref<100352x4xf32, #tpu.memory_space<hbm>> -> memref<100352x4xf32, #tpu.memory_space<hbm>>
      tpu.wait_indirect_dma semaphore(%arg11 : memref<!tpu.dma_semaphore, #tpu.memory_space<semaphore_mem>>) src(%dma_wait3A_208 : memref<100352x4xf32, #tpu.memory_space<hbm>>) dst(%dma_wait3A_202 : memref<128x4xf32, #tpu.memory_space<vmem>>)
      %dma_start3A_209 = arith.constant 0 : i32
      %dma_start3A_210 = arith.constant 0 : i32
      %dma_start3A_211 = arith.constant 0 : i32
      %dma_start3A_212 = arith.constant 0 : i32
      %dma_start3A_213 = tpu.memref_slice %arg9[%dma_start3A_209, %dma_start3A_211, %dma_start3A_212] : memref<8x128x4xf32, #tpu.memory_space<vmem>> -> memref<1x128x4xf32, #tpu.memory_space<vmem>>
      %dma_start3A_214 = tpu.memref_squeeze %dma_start3A_213 : memref<1x128x4xf32, #tpu.memory_space<vmem>> -> memref<128x4xf32, #tpu.memory_space<vmem>>
      %dma_start3A_215 = arith.constant 0 : i32
      %dma_start3A_216 = tpu.memref_slice %arg8[%dma_start3A_210, %dma_start3A_215] : memref<8x128xi32, #tpu.memory_space<vmem>> -> memref<1x128xi32, #tpu.memory_space<vmem>>
      %dma_start3A_217 = tpu.memref_squeeze %dma_start3A_216 : memref<1x128xi32, #tpu.memory_space<vmem>> -> memref<128xi32, #tpu.memory_space<vmem>>
      %dma_start3A_218 = arith.constant 0 : i32
      %dma_start3A_219 = arith.constant 0 : i32
      %dma_start3A_220 = tpu.memref_slice %arg10[%dma_start3A_218, %dma_start3A_219] : memref<100352x4xf32, #tpu.memory_space<vmem_shared>> -> memref<100352x4xf32, #tpu.memory_space<vmem_shared>>
      tpu.enqueue_indirect_dma source(%dma_start3A_214 : memref<128x4xf32, #tpu.memory_space<vmem>>) target(%dma_start3A_220 : memref<100352x4xf32, #tpu.memory_space<vmem_shared>>) offsets(%dma_start3A_217 : memref<128xi32, #tpu.memory_space<vmem>>) semaphore(%arg12 : memref<!tpu.dma_semaphore, #tpu.memory_space<semaphore_mem>>) {add = true}
      %dma_start3A_221 = arith.constant 1 : i32
      %dma_start3A_222 = arith.constant 1 : i32
      %dma_start3A_223 = arith.constant 0 : i32
      %dma_start3A_224 = arith.constant 0 : i32
      %dma_start3A_225 = tpu.memref_slice %arg9[%dma_start3A_221, %dma_start3A_223, %dma_start3A_224] : memref<8x128x4xf32, #tpu.memory_space<vmem>> -> memref<1x128x4xf32, #tpu.memory_space<vmem>>
      %dma_start3A_226 = tpu.memref_squeeze %dma_start3A_225 : memref<1x128x4xf32, #tpu.memory_space<vmem>> -> memref<128x4xf32, #tpu.memory_space<vmem>>
      %dma_start3A_227 = arith.constant 0 : i32
      %dma_start3A_228 = tpu.memref_slice %arg8[%dma_start3A_222, %dma_start3A_227] : memref<8x128xi32, #tpu.memory_space<vmem>> -> memref<1x128xi32, #tpu.memory_space<vmem>>
      %dma_start3A_229 = tpu.memref_squeeze %dma_start3A_228 : memref<1x128xi32, #tpu.memory_space<vmem>> -> memref<128xi32, #tpu.memory_space<vmem>>
      %dma_start3A_230 = arith.constant 0 : i32
      %dma_start3A_231 = arith.constant 0 : i32
      %dma_start3A_232 = tpu.memref_slice %arg10[%dma_start3A_230, %dma_start3A_231] : memref<100352x4xf32, #tpu.memory_space<vmem_shared>> -> memref<100352x4xf32, #tpu.memory_space<vmem_shared>>
      tpu.enqueue_indirect_dma source(%dma_start3A_226 : memref<128x4xf32, #tpu.memory_space<vmem>>) target(%dma_start3A_232 : memref<100352x4xf32, #tpu.memory_space<vmem_shared>>) offsets(%dma_start3A_229 : memref<128xi32, #tpu.memory_space<vmem>>) semaphore(%arg12 : memref<!tpu.dma_semaphore, #tpu.memory_space<semaphore_mem>>) {add = true}
      %dma_start3A_233 = arith.constant 2 : i32
      %dma_start3A_234 = arith.constant 2 : i32
      %dma_start3A_235 = arith.constant 0 : i32
      %dma_start3A_236 = arith.constant 0 : i32
      %dma_start3A_237 = tpu.memref_slice %arg9[%dma_start3A_233, %dma_start3A_235, %dma_start3A_236] : memref<8x128x4xf32, #tpu.memory_space<vmem>> -> memref<1x128x4xf32, #tpu.memory_space<vmem>>
      %dma_start3A_238 = tpu.memref_squeeze %dma_start3A_237 : memref<1x128x4xf32, #tpu.memory_space<vmem>> -> memref<128x4xf32, #tpu.memory_space<vmem>>
      %dma_start3A_239 = arith.constant 0 : i32
      %dma_start3A_240 = tpu.memref_slice %arg8[%dma_start3A_234, %dma_start3A_239] : memref<8x128xi32, #tpu.memory_space<vmem>> -> memref<1x128xi32, #tpu.memory_space<vmem>>
      %dma_start3A_241 = tpu.memref_squeeze %dma_start3A_240 : memref<1x128xi32, #tpu.memory_space<vmem>> -> memref<128xi32, #tpu.memory_space<vmem>>
      %dma_start3A_242 = arith.constant 0 : i32
      %dma_start3A_243 = arith.constant 0 : i32
      %dma_start3A_244 = tpu.memref_slice %arg10[%dma_start3A_242, %dma_start3A_243] : memref<100352x4xf32, #tpu.memory_space<vmem_shared>> -> memref<100352x4xf32, #tpu.memory_space<vmem_shared>>
      tpu.enqueue_indirect_dma source(%dma_start3A_238 : memref<128x4xf32, #tpu.memory_space<vmem>>) target(%dma_start3A_244 : memref<100352x4xf32, #tpu.memory_space<vmem_shared>>) offsets(%dma_start3A_241 : memref<128xi32, #tpu.memory_space<vmem>>) semaphore(%arg12 : memref<!tpu.dma_semaphore, #tpu.memory_space<semaphore_mem>>) {add = true}
      %dma_start3A_245 = arith.constant 3 : i32
      %dma_start3A_246 = arith.constant 3 : i32
      %dma_start3A_247 = arith.constant 0 : i32
      %dma_start3A_248 = arith.constant 0 : i32
      %dma_start3A_249 = tpu.memref_slice %arg9[%dma_start3A_245, %dma_start3A_247, %dma_start3A_248] : memref<8x128x4xf32, #tpu.memory_space<vmem>> -> memref<1x128x4xf32, #tpu.memory_space<vmem>>
      %dma_start3A_250 = tpu.memref_squeeze %dma_start3A_249 : memref<1x128x4xf32, #tpu.memory_space<vmem>> -> memref<128x4xf32, #tpu.memory_space<vmem>>
      %dma_start3A_251 = arith.constant 0 : i32
      %dma_start3A_252 = tpu.memref_slice %arg8[%dma_start3A_246, %dma_start3A_251] : memref<8x128xi32, #tpu.memory_space<vmem>> -> memref<1x128xi32, #tpu.memory_space<vmem>>
      %dma_start3A_253 = tpu.memref_squeeze %dma_start3A_252 : memref<1x128xi32, #tpu.memory_space<vmem>> -> memref<128xi32, #tpu.memory_space<vmem>>
      %dma_start3A_254 = arith.constant 0 : i32
      %dma_start3A_255 = arith.constant 0 : i32
      %dma_start3A_256 = tpu.memref_slice %arg10[%dma_start3A_254, %dma_start3A_255] : memref<100352x4xf32, #tpu.memory_space<vmem_shared>> -> memref<100352x4xf32, #tpu.memory_space<vmem_shared>>
      tpu.enqueue_indirect_dma source(%dma_start3A_250 : memref<128x4xf32, #tpu.memory_space<vmem>>) target(%dma_start3A_256 : memref<100352x4xf32, #tpu.memory_space<vmem_shared>>) offsets(%dma_start3A_253 : memref<128xi32, #tpu.memory_space<vmem>>) semaphore(%arg12 : memref<!tpu.dma_semaphore, #tpu.memory_space<semaphore_mem>>) {add = true}
      %dma_start3A_257 = arith.constant 4 : i32
      %dma_start3A_258 = arith.constant 4 : i32
      %dma_start3A_259 = arith.constant 0 : i32
      %dma_start3A_260 = arith.constant 0 : i32
      %dma_start3A_261 = tpu.memref_slice %arg9[%dma_start3A_257, %dma_start3A_259, %dma_start3A_260] : memref<8x128x4xf32, #tpu.memory_space<vmem>> -> memref<1x128x4xf32, #tpu.memory_space<vmem>>
      %dma_start3A_262 = tpu.memref_squeeze %dma_start3A_261 : memref<1x128x4xf32, #tpu.memory_space<vmem>> -> memref<128x4xf32, #tpu.memory_space<vmem>>
      %dma_start3A_263 = arith.constant 0 : i32
      %dma_start3A_264 = tpu.memref_slice %arg8[%dma_start3A_258, %dma_start3A_263] : memref<8x128xi32, #tpu.memory_space<vmem>> -> memref<1x128xi32, #tpu.memory_space<vmem>>
      %dma_start3A_265 = tpu.memref_squeeze %dma_start3A_264 : memref<1x128xi32, #tpu.memory_space<vmem>> -> memref<128xi32, #tpu.memory_space<vmem>>
      %dma_start3A_266 = arith.constant 0 : i32
      %dma_start3A_267 = arith.constant 0 : i32
      %dma_start3A_268 = tpu.memref_slice %arg10[%dma_start3A_266, %dma_start3A_267] : memref<100352x4xf32, #tpu.memory_space<vmem_shared>> -> memref<100352x4xf32, #tpu.memory_space<vmem_shared>>
      tpu.enqueue_indirect_dma source(%dma_start3A_262 : memref<128x4xf32, #tpu.memory_space<vmem>>) target(%dma_start3A_268 : memref<100352x4xf32, #tpu.memory_space<vmem_shared>>) offsets(%dma_start3A_265 : memref<128xi32, #tpu.memory_space<vmem>>) semaphore(%arg12 : memref<!tpu.dma_semaphore, #tpu.memory_space<semaphore_mem>>) {add = true}
      %dma_start3A_269 = arith.constant 5 : i32
      %dma_start3A_270 = arith.constant 5 : i32
      %dma_start3A_271 = arith.constant 0 : i32
      %dma_start3A_272 = arith.constant 0 : i32
      %dma_start3A_273 = tpu.memref_slice %arg9[%dma_start3A_269, %dma_start3A_271, %dma_start3A_272] : memref<8x128x4xf32, #tpu.memory_space<vmem>> -> memref<1x128x4xf32, #tpu.memory_space<vmem>>
      %dma_start3A_274 = tpu.memref_squeeze %dma_start3A_273 : memref<1x128x4xf32, #tpu.memory_space<vmem>> -> memref<128x4xf32, #tpu.memory_space<vmem>>
      %dma_start3A_275 = arith.constant 0 : i32
      %dma_start3A_276 = tpu.memref_slice %arg8[%dma_start3A_270, %dma_start3A_275] : memref<8x128xi32, #tpu.memory_space<vmem>> -> memref<1x128xi32, #tpu.memory_space<vmem>>
      %dma_start3A_277 = tpu.memref_squeeze %dma_start3A_276 : memref<1x128xi32, #tpu.memory_space<vmem>> -> memref<128xi32, #tpu.memory_space<vmem>>
      %dma_start3A_278 = arith.constant 0 : i32
      %dma_start3A_279 = arith.constant 0 : i32
      %dma_start3A_280 = tpu.memref_slice %arg10[%dma_start3A_278, %dma_start3A_279] : memref<100352x4xf32, #tpu.memory_space<vmem_shared>> -> memref<100352x4xf32, #tpu.memory_space<vmem_shared>>
      tpu.enqueue_indirect_dma source(%dma_start3A_274 : memref<128x4xf32, #tpu.memory_space<vmem>>) target(%dma_start3A_280 : memref<100352x4xf32, #tpu.memory_space<vmem_shared>>) offsets(%dma_start3A_277 : memref<128xi32, #tpu.memory_space<vmem>>) semaphore(%arg12 : memref<!tpu.dma_semaphore, #tpu.memory_space<semaphore_mem>>) {add = true}
      %dma_start3A_281 = arith.constant 6 : i32
      %dma_start3A_282 = arith.constant 6 : i32
      %dma_start3A_283 = arith.constant 0 : i32
      %dma_start3A_284 = arith.constant 0 : i32
      %dma_start3A_285 = tpu.memref_slice %arg9[%dma_start3A_281, %dma_start3A_283, %dma_start3A_284] : memref<8x128x4xf32, #tpu.memory_space<vmem>> -> memref<1x128x4xf32, #tpu.memory_space<vmem>>
      %dma_start3A_286 = tpu.memref_squeeze %dma_start3A_285 : memref<1x128x4xf32, #tpu.memory_space<vmem>> -> memref<128x4xf32, #tpu.memory_space<vmem>>
      %dma_start3A_287 = arith.constant 0 : i32
      %dma_start3A_288 = tpu.memref_slice %arg8[%dma_start3A_282, %dma_start3A_287] : memref<8x128xi32, #tpu.memory_space<vmem>> -> memref<1x128xi32, #tpu.memory_space<vmem>>
      %dma_start3A_289 = tpu.memref_squeeze %dma_start3A_288 : memref<1x128xi32, #tpu.memory_space<vmem>> -> memref<128xi32, #tpu.memory_space<vmem>>
      %dma_start3A_290 = arith.constant 0 : i32
      %dma_start3A_291 = arith.constant 0 : i32
      %dma_start3A_292 = tpu.memref_slice %arg10[%dma_start3A_290, %dma_start3A_291] : memref<100352x4xf32, #tpu.memory_space<vmem_shared>> -> memref<100352x4xf32, #tpu.memory_space<vmem_shared>>
      tpu.enqueue_indirect_dma source(%dma_start3A_286 : memref<128x4xf32, #tpu.memory_space<vmem>>) target(%dma_start3A_292 : memref<100352x4xf32, #tpu.memory_space<vmem_shared>>) offsets(%dma_start3A_289 : memref<128xi32, #tpu.memory_space<vmem>>) semaphore(%arg12 : memref<!tpu.dma_semaphore, #tpu.memory_space<semaphore_mem>>) {add = true}
      %dma_start3A_293 = arith.constant 7 : i32
      %dma_start3A_294 = arith.constant 7 : i32
      %dma_start3A_295 = arith.constant 0 : i32
      %dma_start3A_296 = arith.constant 0 : i32
      %dma_start3A_297 = tpu.memref_slice %arg9[%dma_start3A_293, %dma_start3A_295, %dma_start3A_296] : memref<8x128x4xf32, #tpu.memory_space<vmem>> -> memref<1x128x4xf32, #tpu.memory_space<vmem>>
      %dma_start3A_298 = tpu.memref_squeeze %dma_start3A_297 : memref<1x128x4xf32, #tpu.memory_space<vmem>> -> memref<128x4xf32, #tpu.memory_space<vmem>>
      %dma_start3A_299 = arith.constant 0 : i32
      %dma_start3A_300 = tpu.memref_slice %arg8[%dma_start3A_294, %dma_start3A_299] : memref<8x128xi32, #tpu.memory_space<vmem>> -> memref<1x128xi32, #tpu.memory_space<vmem>>
      %dma_start3A_301 = tpu.memref_squeeze %dma_start3A_300 : memref<1x128xi32, #tpu.memory_space<vmem>> -> memref<128xi32, #tpu.memory_space<vmem>>
      %dma_start3A_302 = arith.constant 0 : i32
      %dma_start3A_303 = arith.constant 0 : i32
      %dma_start3A_304 = tpu.memref_slice %arg10[%dma_start3A_302, %dma_start3A_303] : memref<100352x4xf32, #tpu.memory_space<vmem_shared>> -> memref<100352x4xf32, #tpu.memory_space<vmem_shared>>
      tpu.enqueue_indirect_dma source(%dma_start3A_298 : memref<128x4xf32, #tpu.memory_space<vmem>>) target(%dma_start3A_304 : memref<100352x4xf32, #tpu.memory_space<vmem_shared>>) offsets(%dma_start3A_301 : memref<128xi32, #tpu.memory_space<vmem>>) semaphore(%arg12 : memref<!tpu.dma_semaphore, #tpu.memory_space<semaphore_mem>>) {add = true}
      %dma_wait3A_305 = arith.constant 0 : i32
      %dma_wait3A_306 = arith.constant 0 : i32
      %dma_wait3A_307 = arith.constant 0 : i32
      %dma_wait3A_308 = arith.constant 0 : i32
      %dma_wait3A_309 = tpu.memref_slice %arg9[%dma_wait3A_305, %dma_wait3A_307, %dma_wait3A_308] : memref<8x128x4xf32, #tpu.memory_space<vmem>> -> memref<1x128x4xf32, #tpu.memory_space<vmem>>
      %dma_wait3A_310 = tpu.memref_squeeze %dma_wait3A_309 : memref<1x128x4xf32, #tpu.memory_space<vmem>> -> memref<128x4xf32, #tpu.memory_space<vmem>>
      %dma_wait3A_311 = arith.constant 0 : i32
      %dma_wait3A_312 = tpu.memref_slice %arg8[%dma_wait3A_306, %dma_wait3A_311] : memref<8x128xi32, #tpu.memory_space<vmem>> -> memref<1x128xi32, #tpu.memory_space<vmem>>
      %dma_wait3A_313 = tpu.memref_squeeze %dma_wait3A_312 : memref<1x128xi32, #tpu.memory_space<vmem>> -> memref<128xi32, #tpu.memory_space<vmem>>
      %dma_wait3A_314 = arith.constant 0 : i32
      %dma_wait3A_315 = arith.constant 0 : i32
      %dma_wait3A_316 = tpu.memref_slice %arg10[%dma_wait3A_314, %dma_wait3A_315] : memref<100352x4xf32, #tpu.memory_space<vmem_shared>> -> memref<100352x4xf32, #tpu.memory_space<vmem_shared>>
      tpu.wait_indirect_dma semaphore(%arg12 : memref<!tpu.dma_semaphore, #tpu.memory_space<semaphore_mem>>) src(%dma_wait3A_310 : memref<128x4xf32, #tpu.memory_space<vmem>>) dst(%dma_wait3A_316 : memref<100352x4xf32, #tpu.memory_space<vmem_shared>>)
      %dma_wait3A_317 = arith.constant 1 : i32
      %dma_wait3A_318 = arith.constant 1 : i32
      %dma_wait3A_319 = arith.constant 0 : i32
      %dma_wait3A_320 = arith.constant 0 : i32
      %dma_wait3A_321 = tpu.memref_slice %arg9[%dma_wait3A_317, %dma_wait3A_319, %dma_wait3A_320] : memref<8x128x4xf32, #tpu.memory_space<vmem>> -> memref<1x128x4xf32, #tpu.memory_space<vmem>>
      %dma_wait3A_322 = tpu.memref_squeeze %dma_wait3A_321 : memref<1x128x4xf32, #tpu.memory_space<vmem>> -> memref<128x4xf32, #tpu.memory_space<vmem>>
      %dma_wait3A_323 = arith.constant 0 : i32
      %dma_wait3A_324 = tpu.memref_slice %arg8[%dma_wait3A_318, %dma_wait3A_323] : memref<8x128xi32, #tpu.memory_space<vmem>> -> memref<1x128xi32, #tpu.memory_space<vmem>>
      %dma_wait3A_325 = tpu.memref_squeeze %dma_wait3A_324 : memref<1x128xi32, #tpu.memory_space<vmem>> -> memref<128xi32, #tpu.memory_space<vmem>>
      %dma_wait3A_326 = arith.constant 0 : i32
      %dma_wait3A_327 = arith.constant 0 : i32
      %dma_wait3A_328 = tpu.memref_slice %arg10[%dma_wait3A_326, %dma_wait3A_327] : memref<100352x4xf32, #tpu.memory_space<vmem_shared>> -> memref<100352x4xf32, #tpu.memory_space<vmem_shared>>
      tpu.wait_indirect_dma semaphore(%arg12 : memref<!tpu.dma_semaphore, #tpu.memory_space<semaphore_mem>>) src(%dma_wait3A_322 : memref<128x4xf32, #tpu.memory_space<vmem>>) dst(%dma_wait3A_328 : memref<100352x4xf32, #tpu.memory_space<vmem_shared>>)
      %dma_wait3A_329 = arith.constant 2 : i32
      %dma_wait3A_330 = arith.constant 2 : i32
      %dma_wait3A_331 = arith.constant 0 : i32
      %dma_wait3A_332 = arith.constant 0 : i32
      %dma_wait3A_333 = tpu.memref_slice %arg9[%dma_wait3A_329, %dma_wait3A_331, %dma_wait3A_332] : memref<8x128x4xf32, #tpu.memory_space<vmem>> -> memref<1x128x4xf32, #tpu.memory_space<vmem>>
      %dma_wait3A_334 = tpu.memref_squeeze %dma_wait3A_333 : memref<1x128x4xf32, #tpu.memory_space<vmem>> -> memref<128x4xf32, #tpu.memory_space<vmem>>
      %dma_wait3A_335 = arith.constant 0 : i32
      %dma_wait3A_336 = tpu.memref_slice %arg8[%dma_wait3A_330, %dma_wait3A_335] : memref<8x128xi32, #tpu.memory_space<vmem>> -> memref<1x128xi32, #tpu.memory_space<vmem>>
      %dma_wait3A_337 = tpu.memref_squeeze %dma_wait3A_336 : memref<1x128xi32, #tpu.memory_space<vmem>> -> memref<128xi32, #tpu.memory_space<vmem>>
      %dma_wait3A_338 = arith.constant 0 : i32
      %dma_wait3A_339 = arith.constant 0 : i32
      %dma_wait3A_340 = tpu.memref_slice %arg10[%dma_wait3A_338, %dma_wait3A_339] : memref<100352x4xf32, #tpu.memory_space<vmem_shared>> -> memref<100352x4xf32, #tpu.memory_space<vmem_shared>>
      tpu.wait_indirect_dma semaphore(%arg12 : memref<!tpu.dma_semaphore, #tpu.memory_space<semaphore_mem>>) src(%dma_wait3A_334 : memref<128x4xf32, #tpu.memory_space<vmem>>) dst(%dma_wait3A_340 : memref<100352x4xf32, #tpu.memory_space<vmem_shared>>)
      %dma_wait3A_341 = arith.constant 3 : i32
      %dma_wait3A_342 = arith.constant 3 : i32
      %dma_wait3A_343 = arith.constant 0 : i32
      %dma_wait3A_344 = arith.constant 0 : i32
      %dma_wait3A_345 = tpu.memref_slice %arg9[%dma_wait3A_341, %dma_wait3A_343, %dma_wait3A_344] : memref<8x128x4xf32, #tpu.memory_space<vmem>> -> memref<1x128x4xf32, #tpu.memory_space<vmem>>
      %dma_wait3A_346 = tpu.memref_squeeze %dma_wait3A_345 : memref<1x128x4xf32, #tpu.memory_space<vmem>> -> memref<128x4xf32, #tpu.memory_space<vmem>>
      %dma_wait3A_347 = arith.constant 0 : i32
      %dma_wait3A_348 = tpu.memref_slice %arg8[%dma_wait3A_342, %dma_wait3A_347] : memref<8x128xi32, #tpu.memory_space<vmem>> -> memref<1x128xi32, #tpu.memory_space<vmem>>
      %dma_wait3A_349 = tpu.memref_squeeze %dma_wait3A_348 : memref<1x128xi32, #tpu.memory_space<vmem>> -> memref<128xi32, #tpu.memory_space<vmem>>
      %dma_wait3A_350 = arith.constant 0 : i32
      %dma_wait3A_351 = arith.constant 0 : i32
      %dma_wait3A_352 = tpu.memref_slice %arg10[%dma_wait3A_350, %dma_wait3A_351] : memref<100352x4xf32, #tpu.memory_space<vmem_shared>> -> memref<100352x4xf32, #tpu.memory_space<vmem_shared>>
      tpu.wait_indirect_dma semaphore(%arg12 : memref<!tpu.dma_semaphore, #tpu.memory_space<semaphore_mem>>) src(%dma_wait3A_346 : memref<128x4xf32, #tpu.memory_space<vmem>>) dst(%dma_wait3A_352 : memref<100352x4xf32, #tpu.memory_space<vmem_shared>>)
      %dma_wait3A_353 = arith.constant 4 : i32
      %dma_wait3A_354 = arith.constant 4 : i32
      %dma_wait3A_355 = arith.constant 0 : i32
      %dma_wait3A_356 = arith.constant 0 : i32
      %dma_wait3A_357 = tpu.memref_slice %arg9[%dma_wait3A_353, %dma_wait3A_355, %dma_wait3A_356] : memref<8x128x4xf32, #tpu.memory_space<vmem>> -> memref<1x128x4xf32, #tpu.memory_space<vmem>>
      %dma_wait3A_358 = tpu.memref_squeeze %dma_wait3A_357 : memref<1x128x4xf32, #tpu.memory_space<vmem>> -> memref<128x4xf32, #tpu.memory_space<vmem>>
      %dma_wait3A_359 = arith.constant 0 : i32
      %dma_wait3A_360 = tpu.memref_slice %arg8[%dma_wait3A_354, %dma_wait3A_359] : memref<8x128xi32, #tpu.memory_space<vmem>> -> memref<1x128xi32, #tpu.memory_space<vmem>>
      %dma_wait3A_361 = tpu.memref_squeeze %dma_wait3A_360 : memref<1x128xi32, #tpu.memory_space<vmem>> -> memref<128xi32, #tpu.memory_space<vmem>>
      %dma_wait3A_362 = arith.constant 0 : i32
      %dma_wait3A_363 = arith.constant 0 : i32
      %dma_wait3A_364 = tpu.memref_slice %arg10[%dma_wait3A_362, %dma_wait3A_363] : memref<100352x4xf32, #tpu.memory_space<vmem_shared>> -> memref<100352x4xf32, #tpu.memory_space<vmem_shared>>
      tpu.wait_indirect_dma semaphore(%arg12 : memref<!tpu.dma_semaphore, #tpu.memory_space<semaphore_mem>>) src(%dma_wait3A_358 : memref<128x4xf32, #tpu.memory_space<vmem>>) dst(%dma_wait3A_364 : memref<100352x4xf32, #tpu.memory_space<vmem_shared>>)
      %dma_wait3A_365 = arith.constant 5 : i32
      %dma_wait3A_366 = arith.constant 5 : i32
      %dma_wait3A_367 = arith.constant 0 : i32
      %dma_wait3A_368 = arith.constant 0 : i32
      %dma_wait3A_369 = tpu.memref_slice %arg9[%dma_wait3A_365, %dma_wait3A_367, %dma_wait3A_368] : memref<8x128x4xf32, #tpu.memory_space<vmem>> -> memref<1x128x4xf32, #tpu.memory_space<vmem>>
      %dma_wait3A_370 = tpu.memref_squeeze %dma_wait3A_369 : memref<1x128x4xf32, #tpu.memory_space<vmem>> -> memref<128x4xf32, #tpu.memory_space<vmem>>
      %dma_wait3A_371 = arith.constant 0 : i32
      %dma_wait3A_372 = tpu.memref_slice %arg8[%dma_wait3A_366, %dma_wait3A_371] : memref<8x128xi32, #tpu.memory_space<vmem>> -> memref<1x128xi32, #tpu.memory_space<vmem>>
      %dma_wait3A_373 = tpu.memref_squeeze %dma_wait3A_372 : memref<1x128xi32, #tpu.memory_space<vmem>> -> memref<128xi32, #tpu.memory_space<vmem>>
      %dma_wait3A_374 = arith.constant 0 : i32
      %dma_wait3A_375 = arith.constant 0 : i32
      %dma_wait3A_376 = tpu.memref_slice %arg10[%dma_wait3A_374, %dma_wait3A_375] : memref<100352x4xf32, #tpu.memory_space<vmem_shared>> -> memref<100352x4xf32, #tpu.memory_space<vmem_shared>>
      tpu.wait_indirect_dma semaphore(%arg12 : memref<!tpu.dma_semaphore, #tpu.memory_space<semaphore_mem>>) src(%dma_wait3A_370 : memref<128x4xf32, #tpu.memory_space<vmem>>) dst(%dma_wait3A_376 : memref<100352x4xf32, #tpu.memory_space<vmem_shared>>)
      %dma_wait3A_377 = arith.constant 6 : i32
      %dma_wait3A_378 = arith.constant 6 : i32
      %dma_wait3A_379 = arith.constant 0 : i32
      %dma_wait3A_380 = arith.constant 0 : i32
      %dma_wait3A_381 = tpu.memref_slice %arg9[%dma_wait3A_377, %dma_wait3A_379, %dma_wait3A_380] : memref<8x128x4xf32, #tpu.memory_space<vmem>> -> memref<1x128x4xf32, #tpu.memory_space<vmem>>
      %dma_wait3A_382 = tpu.memref_squeeze %dma_wait3A_381 : memref<1x128x4xf32, #tpu.memory_space<vmem>> -> memref<128x4xf32, #tpu.memory_space<vmem>>
      %dma_wait3A_383 = arith.constant 0 : i32
      %dma_wait3A_384 = tpu.memref_slice %arg8[%dma_wait3A_378, %dma_wait3A_383] : memref<8x128xi32, #tpu.memory_space<vmem>> -> memref<1x128xi32, #tpu.memory_space<vmem>>
      %dma_wait3A_385 = tpu.memref_squeeze %dma_wait3A_384 : memref<1x128xi32, #tpu.memory_space<vmem>> -> memref<128xi32, #tpu.memory_space<vmem>>
      %dma_wait3A_386 = arith.constant 0 : i32
      %dma_wait3A_387 = arith.constant 0 : i32
      %dma_wait3A_388 = tpu.memref_slice %arg10[%dma_wait3A_386, %dma_wait3A_387] : memref<100352x4xf32, #tpu.memory_space<vmem_shared>> -> memref<100352x4xf32, #tpu.memory_space<vmem_shared>>
      tpu.wait_indirect_dma semaphore(%arg12 : memref<!tpu.dma_semaphore, #tpu.memory_space<semaphore_mem>>) src(%dma_wait3A_382 : memref<128x4xf32, #tpu.memory_space<vmem>>) dst(%dma_wait3A_388 : memref<100352x4xf32, #tpu.memory_space<vmem_shared>>)
      %dma_wait3A_389 = arith.constant 7 : i32
      %dma_wait3A_390 = arith.constant 7 : i32
      %dma_wait3A_391 = arith.constant 0 : i32
      %dma_wait3A_392 = arith.constant 0 : i32
      %dma_wait3A_393 = tpu.memref_slice %arg9[%dma_wait3A_389, %dma_wait3A_391, %dma_wait3A_392] : memref<8x128x4xf32, #tpu.memory_space<vmem>> -> memref<1x128x4xf32, #tpu.memory_space<vmem>>
      %dma_wait3A_394 = tpu.memref_squeeze %dma_wait3A_393 : memref<1x128x4xf32, #tpu.memory_space<vmem>> -> memref<128x4xf32, #tpu.memory_space<vmem>>
      %dma_wait3A_395 = arith.constant 0 : i32
      %dma_wait3A_396 = tpu.memref_slice %arg8[%dma_wait3A_390, %dma_wait3A_395] : memref<8x128xi32, #tpu.memory_space<vmem>> -> memref<1x128xi32, #tpu.memory_space<vmem>>
      %dma_wait3A_397 = tpu.memref_squeeze %dma_wait3A_396 : memref<1x128xi32, #tpu.memory_space<vmem>> -> memref<128xi32, #tpu.memory_space<vmem>>
      %dma_wait3A_398 = arith.constant 0 : i32
      %dma_wait3A_399 = arith.constant 0 : i32
      %dma_wait3A_400 = tpu.memref_slice %arg10[%dma_wait3A_398, %dma_wait3A_399] : memref<100352x4xf32, #tpu.memory_space<vmem_shared>> -> memref<100352x4xf32, #tpu.memory_space<vmem_shared>>
      tpu.wait_indirect_dma semaphore(%arg12 : memref<!tpu.dma_semaphore, #tpu.memory_space<semaphore_mem>>) src(%dma_wait3A_394 : memref<128x4xf32, #tpu.memory_space<vmem>>) dst(%dma_wait3A_400 : memref<100352x4xf32, #tpu.memory_space<vmem_shared>>)
    }
    %scan3A_9 = arith.constant 49 : i32
    %barrier3A_10 = arith.constant 0 : index
    tpu.barrier barrier_id(%barrier3A_10)
    %mul3A_11 = arith.constant 6272 : i32
    %mul3A_12 = arith.muli %arg1, %mul3A_11 : i32
    %mul3A_13 = arith.constant 6272 : i32
    %mul3A_14 = arith.muli %arg1, %mul3A_13 : i32
    "tpu.region"() ({
      %run_scoped3A = tpu.sem_alloc : memref<!tpu.dma_semaphore, #tpu.memory_space<semaphore_mem>>
      %dma_start3A = arith.constant 0 : i32
      %dma_start3A_15 = tpu.memref_slice %arg6[%arg0, %mul3A_14, %dma_start3A] : memref<2x100352x4xf32, #tpu.memory_space<hbm>> -> memref<1x6272x4xf32, #tpu.memory_space<hbm>>
      %dma_start3A_16 = tpu.memref_squeeze %dma_start3A_15 : memref<1x6272x4xf32, #tpu.memory_space<hbm>> -> memref<6272x4xf32, #tpu.memory_space<hbm>>
      %dma_start3A_17 = arith.constant 0 : i32
      %dma_start3A_18 = tpu.memref_slice %arg10[%mul3A_12, %dma_start3A_17] : memref<100352x4xf32, #tpu.memory_space<vmem_shared>> -> memref<6272x4xf32, #tpu.memory_space<vmem_shared>>
      tpu.enqueue_dma source(%dma_start3A_18 : memref<6272x4xf32, #tpu.memory_space<vmem_shared>>) target(%dma_start3A_16 : memref<6272x4xf32, #tpu.memory_space<hbm>>) target_semaphore(%run_scoped3A : memref<!tpu.dma_semaphore, #tpu.memory_space<semaphore_mem>>)
      %dma_wait3A = arith.constant 0 : i32
      %dma_wait3A_19 = tpu.memref_slice %arg6[%arg0, %mul3A_14, %dma_wait3A] : memref<2x100352x4xf32, #tpu.memory_space<hbm>> -> memref<1x6272x4xf32, #tpu.memory_space<hbm>>
      %dma_wait3A_20 = tpu.memref_squeeze %dma_wait3A_19 : memref<1x6272x4xf32, #tpu.memory_space<hbm>> -> memref<6272x4xf32, #tpu.memory_space<hbm>>
      %dma_wait3A_21 = arith.constant 0 : i32
      %dma_wait3A_22 = tpu.memref_slice %arg10[%mul3A_12, %dma_wait3A_21] : memref<100352x4xf32, #tpu.memory_space<vmem_shared>> -> memref<6272x4xf32, #tpu.memory_space<vmem_shared>>
      tpu.wait_dma2 semaphore(%run_scoped3A : memref<!tpu.dma_semaphore, #tpu.memory_space<semaphore_mem>>) src(%dma_wait3A_22 : memref<6272x4xf32, #tpu.memory_space<vmem_shared>>) dst(%dma_wait3A_20 : memref<6272x4xf32, #tpu.memory_space<hbm>>)
      tpu.yield
    }) : () -> ()
    return
  }
}

module attributes {stable_mosaic.version = 14 : i64} {
  func.func @_tc_prep_body(%arg0: i32, %arg1: memref<2x2048x1xf32, #tpu.memory_space<vmem>>, %arg2: memref<2048x4xf32, #tpu.memory_space<vmem>>, %arg3: memref<2048x4xf32, #tpu.memory_space<vmem>>, %arg4: memref<2048x1xf32, #tpu.memory_space<vmem>>) attributes {dimension_semantics = [#tpu.dimension_semantics<arbitrary>], iteration_bounds = array<i64: 49>, scalar_prefetch = 0 : i64, scratch_operands = 0 : i64, tpu.core_type = #tpu.core_type<tc>, window_params = [{transform_indices = @transform_0, window_bounds = array<i64: 2, 2048, 1>}, {transform_indices = @transform_1, window_bounds = array<i64: 2048, 4>}, {transform_indices = @transform_2, window_bounds = array<i64: 2048, 4>}, {transform_indices = @transform_3, window_bounds = array<i64: 2048, 1>}]} {
    %get3A = arith.constant 0 : index
    %get3A_0 = arith.constant 0 : index
    %get3A_1 = arith.constant 0 : index
    %get3A_2 = vector.load %arg1[%get3A, %get3A_0, %get3A_1] : memref<2x2048x1xf32, #tpu.memory_space<vmem>>, vector<1x2048x1xf32>
    %get3A_3 = vector.shape_cast %get3A_2 : vector<1x2048x1xf32> to vector<2048x1xf32>
    %get3A_4 = arith.constant 1 : index
    %get3A_5 = arith.constant 0 : index
    %get3A_6 = arith.constant 0 : index
    %get3A_7 = vector.load %arg1[%get3A_4, %get3A_5, %get3A_6] : memref<2x2048x1xf32, #tpu.memory_space<vmem>>, vector<1x2048x1xf32>
    %get3A_8 = vector.shape_cast %get3A_7 : vector<1x2048x1xf32> to vector<2048x1xf32>
    %add3A = arith.addf %get3A_3, %get3A_8 : vector<2048x1xf32>
    %add3A_9 = arith.constant 1.000000e+00 : f32
    %add3A_10 = vector.broadcast %add3A_9 : f32 to vector<2048x1xf32>
    %add3A_11 = arith.addf %add3A, %add3A_10 : vector<2048x1xf32>
    %rsqrt3A = math.rsqrt %add3A_11 : vector<2048x1xf32>
    %swap3A = arith.constant 0 : index
    %swap3A_12 = arith.constant 0 : index
    %swap3A_13 = vector.load %arg4[%swap3A, %swap3A_12] : memref<2048x1xf32, #tpu.memory_space<vmem>>, vector<2048x1xf32>
    tpu.vector_store %arg4[%swap3A, %swap3A_12], %rsqrt3A {strides = array<i32>} : memref<2048x1xf32, #tpu.memory_space<vmem>>, vector<2048x1xf32>,
    %get3A_14 = arith.constant 0 : index
    %get3A_15 = arith.constant 0 : index
    %get3A_16 = vector.load %arg2[%get3A_14, %get3A_15] : memref<2048x4xf32, #tpu.memory_space<vmem>>, vector<2048x4xf32>
    %mul3A = vector.broadcast %rsqrt3A : vector<2048x1xf32> to vector<2048x4xf32>
    %mul3A_17 = arith.mulf %get3A_16, %mul3A : vector<2048x4xf32>
    %swap3A_18 = arith.constant 0 : index
    %swap3A_19 = arith.constant 0 : index
    %swap3A_20 = vector.load %arg3[%swap3A_18, %swap3A_19] : memref<2048x4xf32, #tpu.memory_space<vmem>>, vector<2048x4xf32>
    tpu.vector_store %arg3[%swap3A_18, %swap3A_19], %mul3A_17 {strides = array<i32>} : memref<2048x4xf32, #tpu.memory_space<vmem>>, vector<2048x4xf32>,
    return
  }
  func.func @transform_0(%arg0: i32) -> (i32, i32, i32) {
    %c0_i32 = arith.constant 0 : i32
    %c0_i32_0 = arith.constant 0 : i32
    %c0_i32_1 = arith.constant 0 : i32
    return %c0_i32, %arg0, %c0_i32_0 : i32, i32, i32
  }
  func.func @transform_1(%arg0: i32) -> (i32, i32) {
    %c0_i32 = arith.constant 0 : i32
    %c0_i32_0 = arith.constant 0 : i32
    return %arg0, %c0_i32 : i32, i32
  }
  func.func @transform_2(%arg0: i32) -> (i32, i32) {
    %c0_i32 = arith.constant 0 : i32
    %c0_i32_0 = arith.constant 0 : i32
    return %arg0, %c0_i32 : i32, i32
  }
  func.func @transform_3(%arg0: i32) -> (i32, i32) {
    %c0_i32 = arith.constant 0 : i32
    %c0_i32_0 = arith.constant 0 : i32
    return %arg0, %c0_i32 : i32, i32
  }
}

module attributes {stable_mosaic.version = 14 : i64} {
  func.func @_tc_mid_body(%arg0: i32, %arg1: memref<2x2048x4xf32, #tpu.memory_space<vmem>>, %arg2: memref<2048x4xf32, #tpu.memory_space<vmem>>, %arg3: memref<2048x1xf32, #tpu.memory_space<vmem>>, %arg4: memref<4x64xf32, #tpu.memory_space<vmem>>, %arg5: memref<1x64xf32, #tpu.memory_space<vmem>>, %arg6: memref<64x2xf32, #tpu.memory_space<vmem>>, %arg7: memref<2048x2xf32, #tpu.memory_space<vmem>>, %arg8: memref<2048x2xf32, #tpu.memory_space<vmem>>) attributes {dimension_semantics = [#tpu.dimension_semantics<arbitrary>], iteration_bounds = array<i64: 49>, scalar_prefetch = 0 : i64, scratch_operands = 0 : i64, tpu.core_type = #tpu.core_type<tc>, window_params = [{transform_indices = @transform_0, window_bounds = array<i64: 2, 2048, 4>}, {transform_indices = @transform_1, window_bounds = array<i64: 2048, 4>}, {transform_indices = @transform_2, window_bounds = array<i64: 2048, 1>}, {pipeline_mode = #tpu.pipeline_mode<synchronous>, transform_indices = @transform_3, window_bounds = array<i64: 4, 64>}, {pipeline_mode = #tpu.pipeline_mode<synchronous>, transform_indices = @transform_4, window_bounds = array<i64: 1, 64>}, {pipeline_mode = #tpu.pipeline_mode<synchronous>, transform_indices = @transform_5, window_bounds = array<i64: 64, 2>}, {transform_indices = @transform_6, window_bounds = array<i64: 2048, 2>}, {transform_indices = @transform_7, window_bounds = array<i64: 2048, 2>}]} {
    %get3A = arith.constant 0 : index
    %get3A_0 = arith.constant 0 : index
    %get3A_1 = vector.load %arg3[%get3A, %get3A_0] : memref<2048x1xf32, #tpu.memory_space<vmem>>, vector<2048x1xf32>
    %mul3A = arith.mulf %get3A_1, %get3A_1 : vector<2048x1xf32>
    %get3A_2 = arith.constant 0 : index
    %get3A_3 = arith.constant 0 : index
    %get3A_4 = arith.constant 0 : index
    %get3A_5 = vector.load %arg1[%get3A_2, %get3A_3, %get3A_4] : memref<2x2048x4xf32, #tpu.memory_space<vmem>>, vector<1x2048x4xf32>
    %get3A_6 = vector.shape_cast %get3A_5 : vector<1x2048x4xf32> to vector<2048x4xf32>
    %get3A_7 = arith.constant 1 : index
    %get3A_8 = arith.constant 0 : index
    %get3A_9 = arith.constant 0 : index
    %get3A_10 = vector.load %arg1[%get3A_7, %get3A_8, %get3A_9] : memref<2x2048x4xf32, #tpu.memory_space<vmem>>, vector<1x2048x4xf32>
    %get3A_11 = vector.shape_cast %get3A_10 : vector<1x2048x4xf32> to vector<2048x4xf32>
    %add3A = arith.addf %get3A_6, %get3A_11 : vector<2048x4xf32>
    %mul3A_12 = vector.broadcast %get3A_1 : vector<2048x1xf32> to vector<2048x4xf32>
    %mul3A_13 = arith.mulf %mul3A_12, %add3A : vector<2048x4xf32>
    %get3A_14 = arith.constant 0 : index
    %get3A_15 = arith.constant 0 : index
    %get3A_16 = vector.load %arg2[%get3A_14, %get3A_15] : memref<2048x4xf32, #tpu.memory_space<vmem>>, vector<2048x4xf32>
    %mul3A_17 = vector.broadcast %mul3A : vector<2048x1xf32> to vector<2048x4xf32>
    %mul3A_18 = arith.mulf %mul3A_17, %get3A_16 : vector<2048x4xf32>
    %add3A_19 = arith.addf %mul3A_13, %mul3A_18 : vector<2048x4xf32>
    %get3A_20 = arith.constant 0 : index
    %get3A_21 = arith.constant 0 : index
    %get3A_22 = vector.load %arg4[%get3A_20, %get3A_21] : memref<4x64xf32, #tpu.memory_space<vmem>>, vector<4x64xf32>
    %dot_general3A = arith.constant dense<0.000000e+00> : vector<2048x64xf32>
    %dot_general3A_23 = tpu.matmul %add3A_19, %get3A_22, %dot_general3A {dimension_numbers = #tpu.dot_dimension_numbers<[1], [0], [0], [1], [0, 0, 1, 1], [], []>, transpose_lhs_hint = false} : vector<2048x4xf32>, vector<4x64xf32>, vector<2048x64xf32> -> vector<2048x64xf32>
    %get3A_24 = arith.constant 0 : index
    %get3A_25 = arith.constant 0 : index
    %get3A_26 = vector.load %arg5[%get3A_24, %get3A_25] : memref<1x64xf32, #tpu.memory_space<vmem>>, vector<1x64xf32>
    %add3A_27 = vector.broadcast %get3A_26 : vector<1x64xf32> to vector<2048x64xf32>
    %add3A_28 = arith.addf %dot_general3A_23, %add3A_27 : vector<2048x64xf32>
    %max3A = arith.constant 0.000000e+00 : f32
    %max3A_29 = vector.broadcast %max3A : f32 to vector<2048x64xf32>
    %max3A_30 = arith.maximumf %add3A_28, %max3A_29 : vector<2048x64xf32>
    %get3A_31 = arith.constant 0 : index
    %get3A_32 = arith.constant 0 : index
    %get3A_33 = vector.load %arg6[%get3A_31, %get3A_32] : memref<64x2xf32, #tpu.memory_space<vmem>>, vector<64x2xf32>
    %dot_general3A_34 = arith.constant dense<0.000000e+00> : vector<2048x2xf32>
    %dot_general3A_35 = tpu.matmul %max3A_30, %get3A_33, %dot_general3A_34 {dimension_numbers = #tpu.dot_dimension_numbers<[1], [0], [0], [1], [0, 0, 1, 1], [], []>, transpose_lhs_hint = false} : vector<2048x64xf32>, vector<64x2xf32>, vector<2048x2xf32> -> vector<2048x2xf32>
    %mul3A_36 = vector.broadcast %get3A_1 : vector<2048x1xf32> to vector<2048x2xf32>
    %mul3A_37 = arith.mulf %mul3A_36, %dot_general3A_35 : vector<2048x2xf32>
    %swap3A = arith.constant 0 : index
    %swap3A_38 = arith.constant 0 : index
    %swap3A_39 = vector.load %arg7[%swap3A, %swap3A_38] : memref<2048x2xf32, #tpu.memory_space<vmem>>, vector<2048x2xf32>
    tpu.vector_store %arg7[%swap3A, %swap3A_38], %mul3A_37 {strides = array<i32>} : memref<2048x2xf32, #tpu.memory_space<vmem>>, vector<2048x2xf32>,
    %mul3A_40 = vector.broadcast %mul3A : vector<2048x1xf32> to vector<2048x2xf32>
    %mul3A_41 = arith.mulf %mul3A_40, %dot_general3A_35 : vector<2048x2xf32>
    %swap3A_42 = arith.constant 0 : index
    %swap3A_43 = arith.constant 0 : index
    %swap3A_44 = vector.load %arg8[%swap3A_42, %swap3A_43] : memref<2048x2xf32, #tpu.memory_space<vmem>>, vector<2048x2xf32>
    tpu.vector_store %arg8[%swap3A_42, %swap3A_43], %mul3A_41 {strides = array<i32>} : memref<2048x2xf32, #tpu.memory_space<vmem>>, vector<2048x2xf32>,
    return
  }
  func.func @transform_0(%arg0: i32) -> (i32, i32, i32) {
    %c0_i32 = arith.constant 0 : i32
    %c0_i32_0 = arith.constant 0 : i32
    %c0_i32_1 = arith.constant 0 : i32
    return %c0_i32, %arg0, %c0_i32_0 : i32, i32, i32
  }
  func.func @transform_1(%arg0: i32) -> (i32, i32) {
    %c0_i32 = arith.constant 0 : i32
    %c0_i32_0 = arith.constant 0 : i32
    return %arg0, %c0_i32 : i32, i32
  }
  func.func @transform_2(%arg0: i32) -> (i32, i32) {
    %c0_i32 = arith.constant 0 : i32
    %c0_i32_0 = arith.constant 0 : i32
    return %arg0, %c0_i32 : i32, i32
  }
  func.func @transform_3(%arg0: i32) -> (i32, i32) {
    %c0_i32 = arith.constant 0 : i32
    %c0_i32_0 = arith.constant 0 : i32
    %c0_i32_1 = arith.constant 0 : i32
    return %c0_i32, %c0_i32_0 : i32, i32
  }
  func.func @transform_4(%arg0: i32) -> (i32, i32) {
    %c0_i32 = arith.constant 0 : i32
    %c0_i32_0 = arith.constant 0 : i32
    %c0_i32_1 = arith.constant 0 : i32
    return %c0_i32, %c0_i32_0 : i32, i32
  }
  func.func @transform_5(%arg0: i32) -> (i32, i32) {
    %c0_i32 = arith.constant 0 : i32
    %c0_i32_0 = arith.constant 0 : i32
    %c0_i32_1 = arith.constant 0 : i32
    return %c0_i32, %c0_i32_0 : i32, i32
  }
  func.func @transform_6(%arg0: i32) -> (i32, i32) {
    %c0_i32 = arith.constant 0 : i32
    %c0_i32_0 = arith.constant 0 : i32
    return %arg0, %c0_i32 : i32, i32
  }
  func.func @transform_7(%arg0: i32) -> (i32, i32) {
    %c0_i32 = arith.constant 0 : i32
    %c0_i32_0 = arith.constant 0 : i32
    return %arg0, %c0_i32 : i32, i32
  }
}

module attributes {stable_mosaic.version = 14 : i64} {
  func.func @_tc_final_body(%arg0: i32, %arg1: memref<2x2048x2xf32, #tpu.memory_space<vmem>>, %arg2: memref<2048x2xf32, #tpu.memory_space<vmem>>, %arg3: memref<2048x1xf32, #tpu.memory_space<vmem>>, %arg4: memref<1x2xf32, #tpu.memory_space<vmem>>, %arg5: memref<2048x2xf32, #tpu.memory_space<vmem>>) attributes {dimension_semantics = [#tpu.dimension_semantics<arbitrary>], iteration_bounds = array<i64: 49>, scalar_prefetch = 0 : i64, scratch_operands = 0 : i64, tpu.core_type = #tpu.core_type<tc>, window_params = [{transform_indices = @transform_0, window_bounds = array<i64: 2, 2048, 2>}, {transform_indices = @transform_1, window_bounds = array<i64: 2048, 2>}, {transform_indices = @transform_2, window_bounds = array<i64: 2048, 1>}, {pipeline_mode = #tpu.pipeline_mode<synchronous>, transform_indices = @transform_3, window_bounds = array<i64: 1, 2>}, {transform_indices = @transform_4, window_bounds = array<i64: 2048, 2>}]} {
    %get3A = arith.constant 0 : index
    %get3A_0 = arith.constant 0 : index
    %get3A_1 = vector.load %arg3[%get3A, %get3A_0] : memref<2048x1xf32, #tpu.memory_space<vmem>>, vector<2048x1xf32>
    %get3A_2 = arith.constant 0 : index
    %get3A_3 = arith.constant 0 : index
    %get3A_4 = arith.constant 0 : index
    %get3A_5 = vector.load %arg1[%get3A_2, %get3A_3, %get3A_4] : memref<2x2048x2xf32, #tpu.memory_space<vmem>>, vector<1x2048x2xf32>
    %get3A_6 = vector.shape_cast %get3A_5 : vector<1x2048x2xf32> to vector<2048x2xf32>
    %get3A_7 = arith.constant 1 : index
    %get3A_8 = arith.constant 0 : index
    %get3A_9 = arith.constant 0 : index
    %get3A_10 = vector.load %arg1[%get3A_7, %get3A_8, %get3A_9] : memref<2x2048x2xf32, #tpu.memory_space<vmem>>, vector<1x2048x2xf32>
    %get3A_11 = vector.shape_cast %get3A_10 : vector<1x2048x2xf32> to vector<2048x2xf32>
    %add3A = arith.addf %get3A_6, %get3A_11 : vector<2048x2xf32>
    %mul3A = vector.broadcast %get3A_1 : vector<2048x1xf32> to vector<2048x2xf32>
    %mul3A_12 = arith.mulf %mul3A, %add3A : vector<2048x2xf32>
    %get3A_13 = arith.constant 0 : index
    %get3A_14 = arith.constant 0 : index
    %get3A_15 = vector.load %arg2[%get3A_13, %get3A_14] : memref<2048x2xf32, #tpu.memory_space<vmem>>, vector<2048x2xf32>
    %add3A_16 = arith.addf %mul3A_12, %get3A_15 : vector<2048x2xf32>
    %get3A_17 = arith.constant 0 : index
    %get3A_18 = arith.constant 0 : index
    %get3A_19 = vector.load %arg4[%get3A_17, %get3A_18] : memref<1x2xf32, #tpu.memory_space<vmem>>, vector<1x2xf32>
    %add3A_20 = vector.broadcast %get3A_19 : vector<1x2xf32> to vector<2048x2xf32>
    %add3A_21 = arith.addf %add3A_16, %add3A_20 : vector<2048x2xf32>
    %swap3A = arith.constant 0 : index
    %swap3A_22 = arith.constant 0 : index
    %swap3A_23 = vector.load %arg5[%swap3A, %swap3A_22] : memref<2048x2xf32, #tpu.memory_space<vmem>>, vector<2048x2xf32>
    tpu.vector_store %arg5[%swap3A, %swap3A_22], %add3A_21 {strides = array<i32>} : memref<2048x2xf32, #tpu.memory_space<vmem>>, vector<2048x2xf32>,
    return
  }
  func.func @transform_0(%arg0: i32) -> (i32, i32, i32) {
    %c0_i32 = arith.constant 0 : i32
    %c0_i32_0 = arith.constant 0 : i32
    %c0_i32_1 = arith.constant 0 : i32
    return %c0_i32, %arg0, %c0_i32_0 : i32, i32, i32
  }
  func.func @transform_1(%arg0: i32) -> (i32, i32) {
    %c0_i32 = arith.constant 0 : i32
    %c0_i32_0 = arith.constant 0 : i32
    return %arg0, %c0_i32 : i32, i32
  }
  func.func @transform_2(%arg0: i32) -> (i32, i32) {
    %c0_i32 = arith.constant 0 : i32
    %c0_i32_0 = arith.constant 0 : i32
    return %arg0, %c0_i32 : i32, i32
  }
  func.func @transform_3(%arg0: i32) -> (i32, i32) {
    %c0_i32 = arith.constant 0 : i32
    %c0_i32_0 = arith.constant 0 : i32
    %c0_i32_1 = arith.constant 0 : i32
    return %c0_i32, %c0_i32_0 : i32, i32
  }
  func.func @transform_4(%arg0: i32) -> (i32, i32) {
    %c0_i32 = arith.constant 0 : i32
    %c0_i32_0 = arith.constant 0 : i32
    return %arg0, %c0_i32 : i32, i32
  }
}

</mosaic_0001>

<sc_bundles>
// kernel: kernel.11.cloned.1.call-start
scs
__scs_entry_jumppad:
0x0: {  	(pc) =	sbr.rel $0x88, $3  }
0x1: {  	(tag) =	ssettag $0x0;
	lr =	simm.s32 $0x1  }
0x2: {  	[smem:$0x3F9B] =	sst lr;
	_ =	strace $0xD0000000  }
0x3: {  	_ = 	snop  }
0x4: {  	_ = 	snop  }
0x5: {  	_ = 	snop  }
0x6: {  	_ = 	snop  }
0x7: {  	_ = 	snop  }
__scs_overlays_trampoline_lowered:
0x8: {  	[smem:$0x3FAA] =	sst s0  }
0x9: {  	[smem:$0x3FAB] =	sst s1  }
0xa: {  	[smem:$0x3FAC] =	sst s2  }
0xb: {  	[smem:$0x3FAD] =	sst s3  }
0xc: {  	[smem:$0x3FAE] =	sst s4  }
0xd: {  	[smem:$0x3FAF] =	sst s5  }
0xe: {  	[smem:$0x3FB0] =	sst s6  }
0xf: {  	[smem:$0x3FB1] =	sst s7  }
0x10: {  	[smem:$0x3FB2] =	sst s8  }
0x11: {  	[smem:$0x3FB3] =	sst s9;
	s0 =	simm.s32 @!p0 $0x0  }
0x12: {  	s1 =	sld [smem:$0x3F99];
	s0 =	simm.s32 @p0 $0x1  }
0x13: {  	[smem:$0x3FB4] =	sst s0;
	s0 =	simm.s32 @!p1 $0x0  }
0x14: {  	s2 =	sld [smem:$0x3F98];
	s0 =	simm.s32 @p1 $0x1  }
0x15: {  	[smem:$0x3FB5] =	sst s0;
	s0 =	simm.s32 @!p2 $0x0  }
0x16: {  	s3 =	sld [smem:$0x3FDB];
	s0 =	simm.s32 @p2 $0x1  }
0x17: {  	s4 =	simm.s32 $0x1BF5;
	[smem:$0x3FB7] =	sst s0  }
0x18: {  	s0 =	sld [smem:$0x3F9A];
	_ =	swait.ge [sflag:s4], $0x0  }
0x19: {  	s7 =	sld [smem:$0x3F9B]  }
0x1a: {  	s8 =	sadd.s32 $0xFFFFE003, lr  }
0x1b: {  	s9 =	sadd.s32 $0xFFFFFEF7, lr;
	s5 =	simm.s32 $0xFFFFFFFF;
	p2 =	slt.u32 s8, $0xFFFFF086  }
0x1c: {  	p1 =	slt.u32 s9, $0xF7A;
	s5 =	simm.s32 @!p2 $0x0  }
0x1d: {  	s5 =	simm.s32 @p1 $0x1;
	p0 =	seq.s32 s7, s2  }
0x1e: {  	s7 =	smul.u32 @!p0 $0xF7A, s2;
	p2 =	seq.s32 @!p0 s5, $0x0  }
0x1f: {  	s9 =	smul.u32 $0xF7A, s1;
	s8 =	simm.s32 @!p0 $0x1BF5;
	p2 =	por !p2, p0  }
0x20: {  	[sflag:s8] =	ssyncset.s32 @!p0 $0xFFFFF086;
	s6 =	sadd.s32 @!p0 s3, s7;
	s7 =	simm.s32 @!p0 $0x108  }
0x21: {  	s3 =	sadd.s32 s3, s9;
	s6 =	sadd.s32 @!p0 $0x88, s6;
	s7 =	simm.s32 @p2 $0x1082  }
0x22: {  	[simem:s7], [sflag:s8] =	dma.local @!p0 [hbm:s6], $0xF7A  }
0x23: {  	s9 =	sor.u32 $0xD0000000, s2;
	s6 =	simm.s32 $0x108;
	_ =	swait.ge @!p0 [sflag:s8], $0x0  }
0x24: {  	s3 =	sadd.s32 $0x88, s3;
	s6 =	simm.s32 @!p1 $0x1082;
	[sflag:s4] =	ssyncset.s32 $0xFFFFF086  }
0x25: {  	[simem:s6], [sflag:s4] =	dma.local [hbm:s3], $0xF7A  }
0x26: {  	[smem:$0x3F9B] =	sst s1;
	(tag) =	ssettag s2;
	_ =	strace s9  }
0x27: {  	s1 =	sld [smem:$0x3FAB]  }
0x28: {  	s2 =	sld [smem:$0x3FAC]  }
0x29: {  	s4 =	sld [smem:$0x3FAE]  }
0x2a: {  	p0 =	seq.s32 s5, $0x0;
	s5 =	sld [smem:$0x3FAF]  }
0x2b: {  	s6 =	sld [smem:$0x3FB0]  }
0x2c: {  	s7 =	sld [smem:$0x3FB1]  }
0x2d: {  	s3 =	simm.s32 $0x108;
	s8 =	sld [smem:$0x3FB2]  }
0x2e: {  	s3 =	simm.s32 @!p0 $0x1082;
	s9 =	sld [smem:$0x3FB3]  }
0x2f: {  	lr =	sadd.s32 s0, s3;
	s0 =	sld [smem:$0x3FAA]  }
0x30: {  	s3 =	sld [smem:$0x3FAD]  }
0x31: {  	[smem:$0x3FB6] =	sst s10  }
0x32: {  	s10 =	sld [smem:$0x3FB4];
	_ =	sdelay $0x3  }
0x33: {  	p0 =	seq.s32 s10, $0x1;
	s10 =	sld [smem:$0x3FB6];
	_ =	sdelay $0x3  }
0x34: {  	[smem:$0x3FB6] =	sst s10  }
0x35: {  	s10 =	sld [smem:$0x3FB5];
	_ =	sdelay $0x3  }
0x36: {  	p1 =	seq.s32 s10, $0x1;
	s10 =	sld [smem:$0x3FB6];
	_ =	sdelay $0x3  }
0x37: {  	[smem:$0x3FB6] =	sst s10  }
0x38: {  	s10 =	sld [smem:$0x3FB7]  }
0x39: {  	_ = 	snop;
	(pc) =	sbr.ind lr, $3  }
0x3a: {  	_ = 	snop  }
0x3b: {  	_ = 	snop  }
0x3c: {  	p2 =	seq.s32 s10, $0x1;
	s10 =	sld [smem:$0x3FB6]  }
0x3d: {  	_ =	shalt  }
0x3e: {  	_ =	shalt  }
0x3f: {  	_ =	shalt  }
0x40: {  	_ =	shalt  }
0x41: {  	_ =	shalt  }
0x42: {  	_ =	shalt  }
0x43: {  	_ =	shalt  }
0x44: {  	_ =	shalt  }
0x45: {  	_ =	shalt  }
0x46: {  	_ =	shalt  }
0x47: {  	_ =	shalt  }
0x48: {  	_ =	shalt  }
0x49: {  	_ =	shalt  }
0x4a: {  	_ =	shalt  }
0x4b: {  	_ =	shalt  }
0x4c: {  	_ =	shalt  }
0x4d: {  	_ =	shalt  }
0x4e: {  	_ =	shalt  }
0x4f: {  	_ =	shalt  }
0x50: {  	_ =	shalt  }
0x51: {  	_ =	shalt  }
0x52: {  	_ =	shalt  }
0x53: {  	_ =	shalt  }
0x54: {  	_ =	shalt  }
0x55: {  	_ =	shalt  }
0x56: {  	_ =	shalt  }
0x57: {  	_ =	shalt  }
0x58: {  	_ =	shalt  }
0x59: {  	_ =	shalt  }
0x5a: {  	_ =	shalt  }
0x5b: {  	_ =	shalt  }
0x5c: {  	_ =	shalt  }
0x5d: {  	_ =	shalt  }
0x5e: {  	_ =	shalt  }
0x5f: {  	_ =	shalt  }
0x60: {  	_ =	shalt  }
0x61: {  	_ =	shalt  }
0x62: {  	_ =	shalt  }
0x63: {  	_ =	shalt  }
0x64: {  	_ =	shalt  }
0x65: {  	_ =	shalt  }
0x66: {  	_ =	shalt  }
0x67: {  	_ =	shalt  }
0x68: {  	_ =	shalt  }
0x69: {  	_ =	shalt  }
0x6a: {  	_ =	shalt  }
0x6b: {  	_ =	shalt  }
0x6c: {  	_ =	shalt  }
0x6d: {  	_ =	shalt  }
0x6e: {  	_ =	shalt  }
0x6f: {  	_ =	shalt  }
0x70: {  	_ =	shalt  }
0x71: {  	_ =	shalt  }
0x72: {  	_ =	shalt  }
0x73: {  	_ =	shalt  }
0x74: {  	_ =	shalt  }
0x75: {  	_ =	shalt  }
0x76: {  	_ =	shalt  }
0x77: {  	_ =	shalt  }
0x78: {  	_ =	shalt  }
0x79: {  	_ =	shalt  }
0x7a: {  	_ =	shalt  }
0x7b: {  	_ =	shalt  }
0x7c: {  	_ =	shalt  }
0x7d: {  	_ =	shalt  }
0x7e: {  	_ =	shalt  }
0x7f: {  	_ =	shalt  }
0x80: {  	_ =	shalt  }
0x81: {  	_ =	shalt  }
0x82: {  	_ =	shalt  }
0x83: {  	_ =	shalt  }
0x84: {  	_ =	shalt  }
0x85: {  	_ =	shalt  }
0x86: {  	_ =	shalt  }
0x87: {  	_ =	shalt  }
.Lfunc_end0:
.L_simem_size_0:
called_computation.1_lowered:
.L_overlay_start_0:
0x88: {  	s2 =	sld [smem:$0x3FD9]  }
0x89: {  	s3 =	sld [smem:$0x3FFE];
	_ =	sdelay $0x1  }
0x8a: {  	s1 =	srdreg.scid  }
0x8b: {  	s0 =	sand.u32 $0x1, s1  }
0x8c: {  	s16 =	sshll.u32 s0, $0xA;
	s2 =	sadd.s32 s3, s2  }
0x8d: {  	s2 =	sadd.s32 s2, s16  }
0x8e: {  	[smem:$0x3FC2] =	sst s2  }
0x8f: {  	_ = 	snop  }
0x90: {  	(tm) =	ssettm $0x1  }
0x91: {  	s17 =	sld [smem:$0x3FFB];
	_ =	sdelay $0x3  }
0x92: {  	_ =	strace s17  }
0x93: {  	s2 =	sld [smem:$0x3FFC];
	_ =	sdelay $0x3  }
0x94: {  	_ =	strace s2  }
0x95: {  	s2 =	sld [smem:$0x3FFD];
	_ =	sdelay $0x3  }
0x96: {  	_ =	strace s2  }
0x97: {  	_ =	strace $0x8FFFFFFF  }
0x98: {  	s18 =	sld [smem:$0x3FDB];
	_ =	sdelay $0x1  }
0x99: {  	s19 =	simm.s32 $_scs_section_size  }
0x9a: {  	s4 =	simm.s32 $_size__tile_overlayer_lowered;
	s5 =	simm.s32 $_tile_overlayer_lowered  }
0x9b: {  	s22 =	simm.s32 $0x1BFF;
	s21 =	sshll.u32 s5, $0x1;
	s2 =	sadd.s32 s19, s18  }
0x9c: {  	s6 =	simm.s32 $0x0;
	s20 =	sshll.u32 s4, $0x1;
	s4 =	sadd.s32 s21, s2  }
0x9d: {  	[timem:s6], [sflag:s22] =	dma.local [hbm:s4], s20  }
0x9e: {  	_ =	swait.ge [sflag:s22], s20  }
0x9f: {  	s3 =	ssub.s32 $0x0, s20;
	[sflag:s22] =	ssyncset.done $0x0  }
0xa0: {  	[sflag:s22] =	ssyncadd.s32 s3;
	_ =	sdelay $0x1  }
0xa1: {  	s23 =	simm.s32 $0x1B8B  }
0xa2: {  	_ =	swait.ge [sflag:s23], $0x1  }
0xa3: {  	[sflag:s23] =	ssyncset.done $0x0  }
0xa4: {  	s25 =	simm.s32 $0x1B8E;
	s24 =	sld [smem:$0x3FFE];
	[sflag:s23] =	ssyncadd.s32 $0xFFFFFFFF  }
0xa5: {  	s26 =	simm.s32 $execute0_lowered;
	[smem:$0x3FD2] =	sst s25  }
0xa6: {  	s4 =	sshll.u32 s26, $0x1;
	_ =	strace $0x80000049;
	[dreg:$0x1] =	wrdreg $0xFFFFFFFF  }
0xa7: {  	s28 =	simm.s32 $_size_execute0_lowered;
	s2 =	sadd.s32 s2, s4;
	[dreg:$0x0] =	wrdreg $0x0  }
0xa8: {  	s4 =	sshll.u32 s28, $0x1;
	[dreg:$0x2] =	wrdreg s2  }
0xa9: {  	[dreg:$0x3] =	wrdreg s4  }
0xaa: {  	[dreg:$0x4] =	wrdreg $0xC0  }
0xab: {  	_ =	task [dreg:s6], $0x5FFFF  }
0xac: {  	[dreg:$0x1] =	wrdreg $0xFFFFFFFF  }
0xad: {  	[dreg:$0x0] =	wrdreg $0x60  }
0xae: {  	[dreg:$0x2] =	wrdreg s24  }
0xaf: {  	[dreg:$0x3] =	wrdreg $0x28000  }
0xb0: {  	[dreg:$0x4] =	wrdreg $0x9  }
0xb1: {  	_ =	task.clear_ibuf [dreg:s6], $0x5FFFF;
	_ =	strace $0x90000049  }
0xb2: {  	s29 =	simm.s32 $0x9;
	_ =	strace $0x8000004B  }
0xb3: {  	_ =	swait.ge [sflag:s29], $0x1  }
0xb4: {  	[sflag:s29] =	ssyncadd.s32 $0xFFFFFFFF  }
0xb5: {  	_ =	strace $0x9000004B  }
0xb6: {  	_ =	sfence  }
0xb7: {  	s30 =	sld [smem:$0x0];
	_ =	sdelay $0x2  }
0xb8: {  	s31 =	sshll.u32 s1, $0xD;
	s1 =	sshrl.u32 s1, $0x2  }
0xb9: {  	s3 =	sand.u32 $0x4000, s31;
	s1 =	sadd.s32 s1, s30  }
0xba: {  	s0 =	sor.u32 s3, s0;
	s1 =	sshll.u32 s1, $0x11  }
0xbb: {  	s0 =	sor.u32 s1, s0  }
0xbc: {  	s0 =	sadd.s32 $0x8F2B, s0  }
0xbd: {  	[sflag:s0] =	ssyncadd.remote.s32 $0x1  }
0xbe: {  	_ =	sfence.sel $0xFFFF  }
0xbf: {  	[dreg:$0x0] =	wrdreg $0xFFFFFFFF;
	(pc) =	sbr.abs _section_cstart, $3  }
0xc0: {  	[dreg:$0x1] =	wrdreg $0xFFFFFFFF  }
0xc1: {  	_ =	task.clear_ibuf [dreg:s6], $0x2FFFF;
	_ =	strace $0x9FFFFFFF  }
0xc2: {  	(tm) =	ssettm $0x7FFFFFFF  }
0xc3: {  	_ =	shalt  }
tec
execute0_lowered:
.L_overlay_start_1:
0x0: {  	(tag) =	ssettag $0x1  }
0x1: {  	s0 =	srdreg.scid;
	s1 =	rddreg [dreg:$0x0]  }
0x2: {  	s9 =	stileid.u32;
	s2 =	rddreg [dreg:$0x1]  }
0x3: {  	s3 =	simm.s32 $0x0;
	s11 =	simm.s32 $0x400;
	s12 =	simm.s32 $0x80  }
0x4: {  	s13 =	simm.s32 $0x800;
	s25 =	simm.s32 $0x100;
	s14 =	simm.s32 $0xC00  }
0x5: {  	s26 =	simm.s32 $0x180;
	s15 =	simm.s32 $0x1000;
	s16 =	simm.s32 $0x1400  }
0x6: {  	s17 =	simm.s32 $0x200;
	s18 =	simm.s32 $0x1800;
	s19 =	simm.s32 $0x280  }
0x7: {  	s28 =	simm.s32 $0x500;
	s29 =	simm.s32 $0x580;
	s30 =	simm.s32 $0x600  }
0x8: {  	s31 =	simm.s32 $0x680;
	s0 =	sand.u32 $0x1, s0;
	s5 =	smul.u32 $0x18800, s9  }
0x9: {  	s7 =	smul.u32 $0xC400, s9;
	[smem:$0x7FF] =	sst s3;
	s4 =	sadd.s32 $0x63600, s1  }
0xa: {  	s10 =	sadd.s32 $0x94600, s1;
	s23 =	sshll.u32 s9, $0x6;
	s9 =	simm.s32 $0x0  }
0xb: {  	s6 =	smul.u32 $0xC400, s0;
	_ =	strace $0x8000004A;
	[dreg:$0x7] =	wrdreg s10  }
0xc: {  	s8 =	smul.u32 $0xC4000, s0;
	s0 =	ssub.s32 $0x2, s0;
	[dreg:$0x5] =	wrdreg s25  }
0xd: {  	s10 =	simm.s32 $0x3;
	[dreg:$0x6] =	wrdreg s26;
	s25 =	simm.s32 $0x1  }
0xe: {  	s26 =	simm.s32 $0x480;
	s21 =	sshrl.u32 s0, $0x1;
	s22 =	sadd.s32 s7, s2  }
0xf: {  	s5 =	sadd.s32 s6, s5;
	s20 =	sadd.s32 s7, s8;
	s0 =	ssub.s32 s0, s21  }
0x10: {  	s7 =	sor.u32 $0x1C03, s23;
	s8 =	sshrl.u32 s22, $0x3;
	s21 =	simm.s32 $0x300  }
0x11: {  	s5 =	sshrl.u32 s5, $0x3;
	s6 =	sshrl.u32 s20, $0x3;
	[dreg:$0x8] =	wrdreg s7  }
0x12: {  	s0 =	smax.u32 s0, $0x1;
	[dreg:$0xb] =	wrdreg s8;
	s5 =	sadd.s32 s5, s1  }
0x13: {  	s1 =	sadd.s32 s6, s1;
	[dreg:$0xa] =	wrdreg s0;
	s24 =	sadd.s32 $0x32600, s5  }
0x14: {  	s22 =	simm.s32 $0x2000;
	s1 =	sadd.s32 $0x96000, s1;
	[dreg:$0x3] =	wrdreg s24  }
0x15: {  	s23 =	simm.s32 $0x380;
	s5 =	sadd.s32 $0x1600, s5;
	[dreg:$0x9] =	wrdreg s1  }
0x16: {  	s20 =	simm.s32 $0x1C00;
	s0 =	simm.s32 $0x780;
	[dreg:$0x4] =	wrdreg s5  }
0x17: {  	s24 =	simm.s32 $0x2400;
	s1 =	simm.s32 $0x700;
	s5 =	simm.s32 $0x2  }
.LBB2_1:
0x18: {  	[dreg:$0xc] =	wrdreg s9  }
0x19: {  	s6 =	rddreg [dreg:$0x7]  }
0x1a: {  	[spmem:s8], [sflag:s7] =	dma.local [hbm:s6], $0x1880  }
0x1b: {  	_ =	swait.ge [sflag:s10], $0x1880  }
0x1c: {  	[sflag:s10] =	ssyncset.done $0x0  }
0x1d: {  	[sflag:s10] =	ssyncadd.s32 $0xFFFFE780  }
0x1e: {  	[bflag:$0x0] =	sbarrier.arrive $0xFFFF  }
0x1f: {  	s9 =	rddreg [dreg:$0x4]  }
0x20: {  	s6 =	sadd.s32 $0x0, s9  }
0x21: {  	[tilespmem:s11], [sflag:$0x3] =	stream.linear.gather [hbm4b:s6+s3], $0x400, $0x38;
	[tilespmem:$0x8A00] =	vst v63  }
0x22: {  	_ =	swait.ge [sflag:s10], $0x400  }
0x23: {  	s7 =	rddreg [dreg:$0x3];
	[sflag:s10] =	ssyncset.done $0x0  }
0x24: {  	[sflag:s10] =	ssyncadd.s32 $0xFFFFFC00;
	s6 =	sadd.s32 $0x0, s7  }
0x25: {  	[tilespmem:s3], [sflag:$0x3] =	stream.linear.gather [hbm4b:s6+s3], $0x400, $0x38;
	[tilespmem:$0x8A00] =	vst v63  }
0x26: {  	_ =	swait.ge [sflag:s10], $0x400  }
0x27: {  	[sflag:s10] =	ssyncset.done $0x0  }
0x28: {  	[sflag:s10] =	ssyncadd.s32 $0xFFFFFC00  }
0x29: {  	[tilespmem:s13], [sflag:$0x1] =	stream.indirect.gather [hbm4b:s4+s12], $0x4, s3, s12, $0xb8;
	[tilespmem:$0x8A00] =	vst v63  }
0x2a: {  	_ = 	snop  }
0x2b: {  	[tilespmem:s14], [sflag:$0x1] =	stream.indirect.gather [hbm4b:s4+s12], $0x4, s12, s12, $0xb8;
	[tilespmem:$0x8A00] =	vst v63  }
0x2c: {  	s8 =	rddreg [dreg:$0x5]  }
0x2d: {  	[tilespmem:s15], [sflag:$0x1] =	stream.indirect.gather [hbm4b:s4+s12], $0x4, s8, s12, $0xb8;
	[tilespmem:$0x8A00] =	vst v63  }
0x2e: {  	s9 =	rddreg [dreg:$0x6]  }
0x2f: {  	[tilespmem:s16], [sflag:$0x1] =	stream.indirect.gather [hbm4b:s4+s12], $0x4, s9, s12, $0xb8;
	[tilespmem:$0x8A00] =	vst v63  }
0x30: {  	_ = 	snop  }
0x31: {  	[tilespmem:s18], [sflag:$0x1] =	stream.indirect.gather [hbm4b:s4+s12], $0x4, s17, s12, $0xb8;
	[tilespmem:$0x8A00] =	vst v63  }
0x32: {  	_ = 	snop  }
0x33: {  	[tilespmem:s20], [sflag:$0x1] =	stream.indirect.gather [hbm4b:s4+s12], $0x4, s19, s12, $0xb8;
	[tilespmem:$0x8A00] =	vst v63  }
0x34: {  	_ = 	snop  }
0x35: {  	[tilespmem:s22], [sflag:$0x1] =	stream.indirect.gather [hbm4b:s4+s12], $0x4, s21, s12, $0xb8;
	[tilespmem:$0x8A00] =	vst v63  }
0x36: {  	_ = 	snop  }
0x37: {  	[tilespmem:s24], [sflag:$0x1] =	stream.indirect.gather [hbm4b:s4+s12], $0x4, s23, s12, $0xb8;
	[tilespmem:$0x8A00] =	vst v63  }
0x38: {  	_ =	swait.ge [sflag:s25], $0x200  }
0x39: {  	[sflag:s25] =	ssyncset.done $0x0  }
0x3a: {  	[sflag:s25] =	ssyncadd.s32 $0xFFFFFE00  }
0x3b: {  	_ =	swait.ge [sflag:s25], $0x200  }
0x3c: {  	[sflag:s25] =	ssyncset.done $0x0  }
0x3d: {  	[sflag:s25] =	ssyncadd.s32 $0xFFFFFE00  }
0x3e: {  	_ =	swait.ge [sflag:s25], $0x200  }
0x3f: {  	[sflag:s25] =	ssyncset.done $0x0  }
0x40: {  	[sflag:s25] =	ssyncadd.s32 $0xFFFFFE00  }
0x41: {  	_ =	swait.ge [sflag:s25], $0x200  }
0x42: {  	[sflag:s25] =	ssyncset.done $0x0  }
0x43: {  	[sflag:s25] =	ssyncadd.s32 $0xFFFFFE00  }
0x44: {  	_ =	swait.ge [sflag:s25], $0x200  }
0x45: {  	[sflag:s25] =	ssyncset.done $0x0  }
0x46: {  	[sflag:s25] =	ssyncadd.s32 $0xFFFFFE00  }
0x47: {  	_ =	swait.ge [sflag:s25], $0x200  }
0x48: {  	[sflag:s25] =	ssyncset.done $0x0  }
0x49: {  	[sflag:s25] =	ssyncadd.s32 $0xFFFFFE00  }
0x4a: {  	_ =	swait.ge [sflag:s25], $0x200  }
0x4b: {  	[sflag:s25] =	ssyncset.done $0x0  }
0x4c: {  	[sflag:s25] =	ssyncadd.s32 $0xFFFFFE00  }
0x4d: {  	_ =	swait.ge [sflag:s25], $0x200  }
0x4e: {  	[sflag:s25] =	ssyncset.done $0x0  }
0x4f: {  	[sflag:s25] =	ssyncadd.s32 $0xFFFFFE00  }
0x50: {  	[spmem:s2] =	stream.indirect.scatter.add.f32 [tilespmem:s13], [sflag:$0x2], $0x4, s11, s12, $0xb8;
	[tilespmem:$0x8A00] =	vst v63  }
0x51: {  	_ = 	snop  }
0x52: {  	[spmem:s2] =	stream.indirect.scatter.add.f32 [tilespmem:s14], [sflag:$0x2], $0x4, s26, s12, $0xb8;
	[tilespmem:$0x8A00] =	vst v63  }
0x53: {  	_ = 	snop  }
0x54: {  	[spmem:s2] =	stream.indirect.scatter.add.f32 [tilespmem:s15], [sflag:$0x2], $0x4, s28, s12, $0xb8;
	[tilespmem:$0x8A00] =	vst v63  }
0x55: {  	_ = 	snop  }
0x56: {  	[spmem:s2] =	stream.indirect.scatter.add.f32 [tilespmem:s16], [sflag:$0x2], $0x4, s29, s12, $0xb8;
	[tilespmem:$0x8A00] =	vst v63  }
0x57: {  	_ = 	snop  }
0x58: {  	[spmem:s2] =	stream.indirect.scatter.add.f32 [tilespmem:s18], [sflag:$0x2], $0x4, s30, s12, $0xb8;
	[tilespmem:$0x8A00] =	vst v63  }
0x59: {  	_ = 	snop  }
0x5a: {  	[spmem:s2] =	stream.indirect.scatter.add.f32 [tilespmem:s20], [sflag:$0x2], $0x4, s31, s12, $0xb8;
	[tilespmem:$0x8A00] =	vst v63  }
0x5b: {  	_ = 	snop  }
0x5c: {  	[spmem:s2] =	stream.indirect.scatter.add.f32 [tilespmem:s22], [sflag:$0x2], $0x4, s1, s12, $0xb8;
	[tilespmem:$0x8A00] =	vst v63  }
0x5d: {  	_ = 	snop  }
0x5e: {  	[spmem:s2] =	stream.indirect.scatter.add.f32 [tilespmem:s24], [sflag:$0x2], $0x4, s0, s12, $0xb8;
	[tilespmem:$0x8A00] =	vst v63  }
0x5f: {  	_ =	swait.ge [sflag:s5], $0x200  }
0x60: {  	[sflag:s5] =	ssyncset.done $0x0  }
0x61: {  	[sflag:s5] =	ssyncadd.s32 $0xFFFFFE00  }
0x62: {  	_ =	swait.ge [sflag:s5], $0x200  }
0x63: {  	[sflag:s5] =	ssyncset.done $0x0  }
0x64: {  	[sflag:s5] =	ssyncadd.s32 $0xFFFFFE00  }
0x65: {  	_ =	swait.ge [sflag:s5], $0x200  }
0x66: {  	[sflag:s5] =	ssyncset.done $0x0  }
0x67: {  	[sflag:s5] =	ssyncadd.s32 $0xFFFFFE00  }
0x68: {  	_ =	swait.ge [sflag:s5], $0x200  }
0x69: {  	[sflag:s5] =	ssyncset.done $0x0  }
0x6a: {  	[sflag:s5] =	ssyncadd.s32 $0xFFFFFE00  }
0x6b: {  	_ =	swait.ge [sflag:s5], $0x200  }
0x6c: {  	[sflag:s5] =	ssyncset.done $0x0  }
0x6d: {  	[sflag:s5] =	ssyncadd.s32 $0xFFFFFE00  }
0x6e: {  	_ =	swait.ge [sflag:s5], $0x200  }
0x6f: {  	[sflag:s5] =	ssyncset.done $0x0  }
0x70: {  	[sflag:s5] =	ssyncadd.s32 $0xFFFFFE00  }
0x71: {  	_ =	swait.ge [sflag:s5], $0x200  }
0x72: {  	[sflag:s5] =	ssyncset.done $0x0  }
0x73: {  	[sflag:s5] =	ssyncadd.s32 $0xFFFFFE00  }
0x74: {  	s6 =	simm.s32 $0x100;
	_ =	swait.ge [sflag:s5], $0x200  }
0x75: {  	s8 =	simm.s32 $0x80;
	s9 =	rddreg [dreg:$0x4];
	[sflag:s5] =	ssyncset.done $0x0  }
.LBB2_2:
0x76: {  	[sflag:s5] =	ssyncadd.s32 $0xFFFFFE00;
	s9 =	sadd.s32 s8, s9  }
0x77: {  	[tilespmem:s11], [sflag:$0x3] =	stream.linear.gather [hbm4b:s9+s3], $0x400, $0x38;
	[tilespmem:$0x8A00] =	vst v63  }
0x78: {  	_ =	swait.ge [sflag:s10], $0x400  }
0x79: {  	s9 =	rddreg [dreg:$0x3];
	[sflag:s10] =	ssyncset.done $0x0  }
0x7a: {  	[sflag:s10] =	ssyncadd.s32 $0xFFFFFC00;
	s9 =	sadd.s32 s8, s9  }
0x7b: {  	[tilespmem:s3], [sflag:$0x3] =	stream.linear.gather [hbm4b:s9+s3], $0x400, $0x38;
	[tilespmem:$0x8A00] =	vst v63  }
0x7c: {  	_ =	swait.ge [sflag:s10], $0x400  }
0x7d: {  	[sflag:s10] =	ssyncset.done $0x0  }
0x7e: {  	[sflag:s10] =	ssyncadd.s32 $0xFFFFFC00  }
0x7f: {  	[tilespmem:s13], [sflag:$0x1] =	stream.indirect.gather [hbm4b:s4+s12], $0x4, s3, s12, $0xb8;
	[tilespmem:$0x8A00] =	vst v63  }
0x80: {  	s7 =	smov.u32 s6  }
0x81: {  	[tilespmem:s14], [sflag:$0x1] =	stream.indirect.gather [hbm4b:s4+s12], $0x4, s12, s12, $0xb8;
	[tilespmem:$0x8A00] =	vst v63  }
0x82: {  	s8 =	smov.u32 s7;
	s7 =	rddreg [dreg:$0x5]  }
0x83: {  	[tilespmem:s15], [sflag:$0x1] =	stream.indirect.gather [hbm4b:s4+s12], $0x4, s7, s12, $0xb8;
	[tilespmem:$0x8A00] =	vst v63  }
0x84: {  	s9 =	rddreg [dreg:$0x6]  }
0x85: {  	[tilespmem:s16], [sflag:$0x1] =	stream.indirect.gather [hbm4b:s4+s12], $0x4, s9, s12, $0xb8;
	[tilespmem:$0x8A00] =	vst v63  }
0x86: {  	_ = 	snop  }
0x87: {  	[tilespmem:s18], [sflag:$0x1] =	stream.indirect.gather [hbm4b:s4+s12], $0x4, s17, s12, $0xb8;
	[tilespmem:$0x8A00] =	vst v63  }
0x88: {  	_ = 	snop  }
0x89: {  	[tilespmem:s20], [sflag:$0x1] =	stream.indirect.gather [hbm4b:s4+s12], $0x4, s19, s12, $0xb8;
	[tilespmem:$0x8A00] =	vst v63  }
0x8a: {  	_ = 	snop  }
0x8b: {  	[tilespmem:s22], [sflag:$0x1] =	stream.indirect.gather [hbm4b:s4+s12], $0x4, s21, s12, $0xb8;
	[tilespmem:$0x8A00] =	vst v63  }
0x8c: {  	_ = 	snop  }
0x8d: {  	[tilespmem:s24], [sflag:$0x1] =	stream.indirect.gather [hbm4b:s4+s12], $0x4, s23, s12, $0xb8;
	[tilespmem:$0x8A00] =	vst v63  }
0x8e: {  	_ =	swait.ge [sflag:s25], $0x200  }
0x8f: {  	[sflag:s25] =	ssyncset.done $0x0  }
0x90: {  	[sflag:s25] =	ssyncadd.s32 $0xFFFFFE00  }
0x91: {  	_ =	swait.ge [sflag:s25], $0x200  }
0x92: {  	[sflag:s25] =	ssyncset.done $0x0  }
0x93: {  	[sflag:s25] =	ssyncadd.s32 $0xFFFFFE00  }
0x94: {  	_ =	swait.ge [sflag:s25], $0x200  }
0x95: {  	[sflag:s25] =	ssyncset.done $0x0  }
0x96: {  	[sflag:s25] =	ssyncadd.s32 $0xFFFFFE00  }
0x97: {  	_ =	swait.ge [sflag:s25], $0x200  }
0x98: {  	[sflag:s25] =	ssyncset.done $0x0  }
0x99: {  	[sflag:s25] =	ssyncadd.s32 $0xFFFFFE00  }
0x9a: {  	_ =	swait.ge [sflag:s25], $0x200  }
0x9b: {  	[sflag:s25] =	ssyncset.done $0x0  }
0x9c: {  	[sflag:s25] =	ssyncadd.s32 $0xFFFFFE00  }
0x9d: {  	_ =	swait.ge [sflag:s25], $0x200  }
0x9e: {  	[sflag:s25] =	ssyncset.done $0x0  }
0x9f: {  	[sflag:s25] =	ssyncadd.s32 $0xFFFFFE00  }
0xa0: {  	_ =	swait.ge [sflag:s25], $0x200  }
0xa1: {  	[sflag:s25] =	ssyncset.done $0x0  }
0xa2: {  	[sflag:s25] =	ssyncadd.s32 $0xFFFFFE00  }
0xa3: {  	_ =	swait.ge [sflag:s25], $0x200  }
0xa4: {  	[sflag:s25] =	ssyncset.done $0x0  }
0xa5: {  	[sflag:s25] =	ssyncadd.s32 $0xFFFFFE00  }
0xa6: {  	[spmem:s2] =	stream.indirect.scatter.add.f32 [tilespmem:s13], [sflag:$0x2], $0x4, s11, s12, $0xb8;
	[tilespmem:$0x8A00] =	vst v63  }
0xa7: {  	_ = 	snop  }
0xa8: {  	[spmem:s2] =	stream.indirect.scatter.add.f32 [tilespmem:s14], [sflag:$0x2], $0x4, s26, s12, $0xb8;
	[tilespmem:$0x8A00] =	vst v63  }
0xa9: {  	_ = 	snop  }
0xaa: {  	[spmem:s2] =	stream.indirect.scatter.add.f32 [tilespmem:s15], [sflag:$0x2], $0x4, s28, s12, $0xb8;
	[tilespmem:$0x8A00] =	vst v63  }
0xab: {  	_ = 	snop  }
0xac: {  	[spmem:s2] =	stream.indirect.scatter.add.f32 [tilespmem:s16], [sflag:$0x2], $0x4, s29, s12, $0xb8;
	[tilespmem:$0x8A00] =	vst v63  }
0xad: {  	_ = 	snop  }
0xae: {  	[spmem:s2] =	stream.indirect.scatter.add.f32 [tilespmem:s18], [sflag:$0x2], $0x4, s30, s12, $0xb8;
	[tilespmem:$0x8A00] =	vst v63  }
0xaf: {  	_ = 	snop  }
0xb0: {  	[spmem:s2] =	stream.indirect.scatter.add.f32 [tilespmem:s20], [sflag:$0x2], $0x4, s31, s12, $0xb8;
	[tilespmem:$0x8A00] =	vst v63  }
0xb1: {  	_ = 	snop  }
0xb2: {  	[spmem:s2] =	stream.indirect.scatter.add.f32 [tilespmem:s22], [sflag:$0x2], $0x4, s1, s12, $0xb8;
	[tilespmem:$0x8A00] =	vst v63  }
0xb3: {  	_ = 	snop  }
0xb4: {  	[spmem:s2] =	stream.indirect.scatter.add.f32 [tilespmem:s24], [sflag:$0x2], $0x4, s0, s12, $0xb8;
	[tilespmem:$0x8A00] =	vst v63  }
0xb5: {  	_ =	swait.ge [sflag:s5], $0x200  }
0xb6: {  	[sflag:s5] =	ssyncset.done $0x0  }
0xb7: {  	[sflag:s5] =	ssyncadd.s32 $0xFFFFFE00  }
0xb8: {  	_ =	swait.ge [sflag:s5], $0x200  }
0xb9: {  	[sflag:s5] =	ssyncset.done $0x0  }
0xba: {  	[sflag:s5] =	ssyncadd.s32 $0xFFFFFE00  }
0xbb: {  	_ =	swait.ge [sflag:s5], $0x200  }
0xbc: {  	[sflag:s5] =	ssyncset.done $0x0  }
0xbd: {  	[sflag:s5] =	ssyncadd.s32 $0xFFFFFE00  }
0xbe: {  	_ =	swait.ge [sflag:s5], $0x200  }
0xbf: {  	[sflag:s5] =	ssyncset.done $0x0  }
0xc0: {  	[sflag:s5] =	ssyncadd.s32 $0xFFFFFE00  }
0xc1: {  	_ =	swait.ge [sflag:s5], $0x200  }
0xc2: {  	[sflag:s5] =	ssyncset.done $0x0  }
0xc3: {  	[sflag:s5] =	ssyncadd.s32 $0xFFFFFE00  }
0xc4: {  	_ =	swait.ge [sflag:s5], $0x200  }
0xc5: {  	[sflag:s5] =	ssyncset.done $0x0  }
0xc6: {  	p0 =	sne.s32 s6, $0x1800;
	[sflag:s5] =	ssyncadd.s32 $0xFFFFFE00  }
.Ltmp0:
0xc7: {  	_ =	swait.ge [sflag:s5], $0x200;
	(pc) =	sbr.rel @p0 .LBB2_2-.Ltmp0, $4  }
0xc8: {  	[sflag:s5] =	ssyncset.done $0x0  }
0xc9: {  	[sflag:s5] =	ssyncadd.s32 $0xFFFFFE00  }
0xca: {  	_ =	swait.ge [sflag:s5], $0x200  }
0xcb: {  	s6 =	sadd.s32 $0x80, s6;
	s9 =	rddreg [dreg:$0x4];
	[sflag:s5] =	ssyncset.done $0x0  }
0xcc: {  	[sflag:s5] =	ssyncadd.s32 $0xFFFFFE00;
	s6 =	sadd.s32 s8, s9  }
0xcd: {  	[tilespmem:s11], [sflag:$0x3] =	stream.linear.gather [hbm4b:s6+s3], $0x400, $0x38;
	[tilespmem:$0x8A00] =	vst v63  }
0xce: {  	_ =	swait.ge [sflag:s10], $0x400  }
0xcf: {  	s7 =	rddreg [dreg:$0x3];
	[sflag:s10] =	ssyncset.done $0x0  }
0xd0: {  	[sflag:s10] =	ssyncadd.s32 $0xFFFFFC00;
	s6 =	sadd.s32 s8, s7  }
0xd1: {  	[tilespmem:s3], [sflag:$0x3] =	stream.linear.gather [hbm4b:s6+s3], $0x400, $0x38;
	[tilespmem:$0x8A00] =	vst v63  }
0xd2: {  	_ =	swait.ge [sflag:s10], $0x400  }
0xd3: {  	[sflag:s10] =	ssyncset.done $0x0  }
0xd4: {  	[sflag:s10] =	ssyncadd.s32 $0xFFFFFC00  }
0xd5: {  	[tilespmem:s13], [sflag:$0x1] =	stream.indirect.gather [hbm4b:s4+s12], $0x4, s3, s12, $0xb8;
	[tilespmem:$0x8A00] =	vst v63  }
0xd6: {  	_ = 	snop  }
0xd7: {  	[tilespmem:s14], [sflag:$0x1] =	stream.indirect.gather [hbm4b:s4+s12], $0x4, s12, s12, $0xb8;
	[tilespmem:$0x8A00] =	vst v63  }
0xd8: {  	s8 =	rddreg [dreg:$0x5]  }
0xd9: {  	[tilespmem:s15], [sflag:$0x1] =	stream.indirect.gather [hbm4b:s4+s12], $0x4, s8, s12, $0xb8;
	[tilespmem:$0x8A00] =	vst v63  }
0xda: {  	s7 =	rddreg [dreg:$0x6]  }
0xdb: {  	[tilespmem:s16], [sflag:$0x1] =	stream.indirect.gather [hbm4b:s4+s12], $0x4, s7, s12, $0xb8;
	[tilespmem:$0x8A00] =	vst v63  }
0xdc: {  	_ = 	snop  }
0xdd: {  	[tilespmem:s18], [sflag:$0x1] =	stream.indirect.gather [hbm4b:s4+s12], $0x4, s17, s12, $0xb8;
	[tilespmem:$0x8A00] =	vst v63  }
0xde: {  	_ = 	snop  }
0xdf: {  	[tilespmem:s20], [sflag:$0x1] =	stream.indirect.gather [hbm4b:s4+s12], $0x4, s19, s12, $0xb8;
	[tilespmem:$0x8A00] =	vst v63  }
0xe0: {  	_ = 	snop  }
0xe1: {  	[tilespmem:s22], [sflag:$0x1] =	stream.indirect.gather [hbm4b:s4+s12], $0x4, s21, s12, $0xb8;
	[tilespmem:$0x8A00] =	vst v63  }
0xe2: {  	_ = 	snop  }
0xe3: {  	[tilespmem:s24], [sflag:$0x1] =	stream.indirect.gather [hbm4b:s4+s12], $0x4, s23, s12, $0xb8;
	[tilespmem:$0x8A00] =	vst v63  }
0xe4: {  	_ =	swait.ge [sflag:s25], $0x200  }
0xe5: {  	[sflag:s25] =	ssyncset.done $0x0  }
0xe6: {  	[sflag:s25] =	ssyncadd.s32 $0xFFFFFE00  }
0xe7: {  	_ =	swait.ge [sflag:s25], $0x200  }
0xe8: {  	[sflag:s25] =	ssyncset.done $0x0  }
0xe9: {  	[sflag:s25] =	ssyncadd.s32 $0xFFFFFE00  }
0xea: {  	_ =	swait.ge [sflag:s25], $0x200  }
0xeb: {  	[sflag:s25] =	ssyncset.done $0x0  }
0xec: {  	[sflag:s25] =	ssyncadd.s32 $0xFFFFFE00  }
0xed: {  	_ =	swait.ge [sflag:s25], $0x200  }
0xee: {  	[sflag:s25] =	ssyncset.done $0x0  }
0xef: {  	[sflag:s25] =	ssyncadd.s32 $0xFFFFFE00  }
0xf0: {  	_ =	swait.ge [sflag:s25], $0x200  }
0xf1: {  	[sflag:s25] =	ssyncset.done $0x0  }
0xf2: {  	[sflag:s25] =	ssyncadd.s32 $0xFFFFFE00  }
0xf3: {  	_ =	swait.ge [sflag:s25], $0x200  }
0xf4: {  	[sflag:s25] =	ssyncset.done $0x0  }
0xf5: {  	[sflag:s25] =	ssyncadd.s32 $0xFFFFFE00  }
0xf6: {  	_ =	swait.ge [sflag:s25], $0x200  }
0xf7: {  	[sflag:s25] =	ssyncset.done $0x0  }
0xf8: {  	[sflag:s25] =	ssyncadd.s32 $0xFFFFFE00  }
0xf9: {  	_ =	swait.ge [sflag:s25], $0x200  }
0xfa: {  	[sflag:s25] =	ssyncset.done $0x0  }
0xfb: {  	[sflag:s25] =	ssyncadd.s32 $0xFFFFFE00  }
0xfc: {  	[spmem:s2] =	stream.indirect.scatter.add.f32 [tilespmem:s13], [sflag:$0x2], $0x4, s11, s12, $0xb8;
	[tilespmem:$0x8A00] =	vst v63  }
0xfd: {  	_ = 	snop  }
0xfe: {  	[spmem:s2] =	stream.indirect.scatter.add.f32 [tilespmem:s14], [sflag:$0x2], $0x4, s26, s12, $0xb8;
	[tilespmem:$0x8A00] =	vst v63  }
0xff: {  	_ = 	snop  }
0x100: {  	[spmem:s2] =	stream.indirect.scatter.add.f32 [tilespmem:s15], [sflag:$0x2], $0x4, s28, s12, $0xb8;
	[tilespmem:$0x8A00] =	vst v63  }
0x101: {  	_ = 	snop  }
0x102: {  	[spmem:s2] =	stream.indirect.scatter.add.f32 [tilespmem:s16], [sflag:$0x2], $0x4, s29, s12, $0xb8;
	[tilespmem:$0x8A00] =	vst v63  }
0x103: {  	_ = 	snop  }
0x104: {  	[spmem:s2] =	stream.indirect.scatter.add.f32 [tilespmem:s18], [sflag:$0x2], $0x4, s30, s12, $0xb8;
	[tilespmem:$0x8A00] =	vst v63  }
0x105: {  	_ = 	snop  }
0x106: {  	[spmem:s2] =	stream.indirect.scatter.add.f32 [tilespmem:s20], [sflag:$0x2], $0x4, s31, s12, $0xb8;
	[tilespmem:$0x8A00] =	vst v63  }
0x107: {  	_ = 	snop  }
0x108: {  	[spmem:s2] =	stream.indirect.scatter.add.f32 [tilespmem:s22], [sflag:$0x2], $0x4, s1, s12, $0xb8;
	[tilespmem:$0x8A00] =	vst v63  }
0x109: {  	_ = 	snop  }
0x10a: {  	[spmem:s2] =	stream.indirect.scatter.add.f32 [tilespmem:s24], [sflag:$0x2], $0x4, s0, s12, $0xb8;
	[tilespmem:$0x8A00] =	vst v63  }
0x10b: {  	_ =	swait.ge [sflag:s5], $0x200  }
0x10c: {  	[sflag:s5] =	ssyncset.done $0x0  }
0x10d: {  	[sflag:s5] =	ssyncadd.s32 $0xFFFFFE00  }
0x10e: {  	_ =	swait.ge [sflag:s5], $0x200  }
0x10f: {  	[sflag:s5] =	ssyncset.done $0x0  }
0x110: {  	[sflag:s5] =	ssyncadd.s32 $0xFFFFFE00  }
0x111: {  	_ =	swait.ge [sflag:s5], $0x200  }
0x112: {  	[sflag:s5] =	ssyncset.done $0x0  }
0x113: {  	[sflag:s5] =	ssyncadd.s32 $0xFFFFFE00  }
0x114: {  	_ =	swait.ge [sflag:s5], $0x200  }
0x115: {  	[sflag:s5] =	ssyncset.done $0x0  }
0x116: {  	[sflag:s5] =	ssyncadd.s32 $0xFFFFFE00  }
0x117: {  	_ =	swait.ge [sflag:s5], $0x200  }
0x118: {  	[sflag:s5] =	ssyncset.done $0x0  }
0x119: {  	[sflag:s5] =	ssyncadd.s32 $0xFFFFFE00  }
0x11a: {  	_ =	swait.ge [sflag:s5], $0x200  }
0x11b: {  	[sflag:s5] =	ssyncset.done $0x0  }
0x11c: {  	[sflag:s5] =	ssyncadd.s32 $0xFFFFFE00  }
0x11d: {  	_ =	swait.ge [sflag:s5], $0x200  }
0x11e: {  	[sflag:s5] =	ssyncset.done $0x0  }
0x11f: {  	[sflag:s5] =	ssyncadd.s32 $0xFFFFFE00  }
0x120: {  	_ =	swait.ge [sflag:s5], $0x200  }
0x121: {  	[sflag:s5] =	ssyncset.done $0x0  }
0x122: {  	[sflag:s5] =	ssyncadd.s32 $0xFFFFFE00  }
0x123: {  	[bflag:$0x0] =	sbarrier.arrive $0xFFFF  }
0x124: {  	s7 =	rddreg [dreg:$0x8]  }
0x125: {  	s9 =	rddreg [dreg:$0x9]  }
0x126: {  	s8 =	rddreg [dreg:$0xb]  }
0x127: {  	[hbm:s9], [sflag:s7] =	dma.local [spmem:s8], $0x1880  }
0x128: {  	_ =	swait.ge [sflag:s10], $0x1880  }
0x129: {  	s6 =	rddreg [dreg:$0xc]  }
0x12a: {  	s9 =	sadd.s32 $0x1, s6;
	s6 =	rddreg [dreg:$0xa]  }
0x12b: {  	p0 =	sne.s32 s9, s6  }
.Ltmp1:
0x12c: {  	_ = 	snop;
	(pc) =	sbr.rel @p0 .LBB2_1-.Ltmp1, $3  }
0x12d: {  	_ =	sdelay $0x1  }
0x12e: {  	[sflag:s10] =	ssyncset.done $0x0  }
0x12f: {  	[sflag:s10] =	ssyncadd.s32 $0xFFFFE780  }
0x130: {  	_ =	sfence.sel $0x180000  }
0x131: {  	[bflag:$0x0] =	sbarrier.arrive $0xFFFF  }
0x132: {  	_ =	strace $0x9000004A  }
0x133: {  	s0 =	stileid.u32;
	[bflag:$0x2] =	sbarrier.arrive $0xFFFF  }
0x134: {  	p0 =	sne.s32 s0, $0x0;
	s0 =	rddreg [dreg:$0x2]  }
0x135: {  	s0 =	sadd.s32 @!p0 $0x100000, s0  }
0x136: {  	[sflag:s0] =	ssyncadd.tile.s32 @!p0 $0x1;
	_ =	shalt  }
.Lfunc_end2:
_tile_overlayer_lowered:
.L_overlay_start_2:
0x137: {  	(tag) =	ssettag $0x2  }
0x138: {  	s0 =	rddreg [dreg:$0x0];
	s2 =	stileid.u32  }
0x139: {  	s1 =	rddreg [dreg:$0x1];
	p0 =	sne.s32 s2, $0x0  }
0x13a: {  	s3 =	rddreg [dreg:$0x2];
	[bflag:$0x3] =	sbarrier.arrive $0xFFFF;
	s2 =	simm.s32 @!p0 $0x1C03  }
0x13b: {  	[timem:s3], [sflag:s2] =	dma.local @!p0 [hbm:s0], s1  }
0x13c: {  	s0 =	simm.s32 @!p0 $0x3  }
0x13d: {  	_ =	swait.ge @!p0 [sflag:s0], s1  }
0x13e: {  	s1 =	ssub.s32 @!p0 $0x0, s1;
	[sflag:s0] =	ssyncset.done @!p0 $0x0  }
0x13f: {  	[sflag:s0] =	ssyncadd.s32 @!p0 s1  }
0x140: {  	[bflag:$0x3] =	sbarrier.arrive $0xFFFF  }
0x141: {  	_ =	shalt  }

// kernel: kernel.14.cloned.1.call-start
scs
__scs_entry_jumppad:
0x0: {  	(pc) =	sbr.rel $0x88, $3  }
0x1: {  	(tag) =	ssettag $0x0;
	lr =	simm.s32 $0x1  }
0x2: {  	[smem:$0x3F9B] =	sst lr;
	_ =	strace $0xD0000000  }
0x3: {  	_ = 	snop  }
0x4: {  	_ = 	snop  }
0x5: {  	_ = 	snop  }
0x6: {  	_ = 	snop  }
0x7: {  	_ = 	snop  }
__scs_overlays_trampoline_lowered:
0x8: {  	[smem:$0x3FAA] =	sst s0  }
0x9: {  	[smem:$0x3FAB] =	sst s1  }
0xa: {  	[smem:$0x3FAC] =	sst s2  }
0xb: {  	[smem:$0x3FAD] =	sst s3  }
0xc: {  	[smem:$0x3FAE] =	sst s4  }
0xd: {  	[smem:$0x3FAF] =	sst s5  }
0xe: {  	[smem:$0x3FB0] =	sst s6  }
0xf: {  	[smem:$0x3FB1] =	sst s7  }
0x10: {  	[smem:$0x3FB2] =	sst s8  }
0x11: {  	[smem:$0x3FB3] =	sst s9;
	s0 =	simm.s32 @!p0 $0x0  }
0x12: {  	s1 =	sld [smem:$0x3F99];
	s0 =	simm.s32 @p0 $0x1  }
0x13: {  	[smem:$0x3FB4] =	sst s0;
	s0 =	simm.s32 @!p1 $0x0  }
0x14: {  	s2 =	sld [smem:$0x3F98];
	s0 =	simm.s32 @p1 $0x1  }
0x15: {  	[smem:$0x3FB5] =	sst s0;
	s0 =	simm.s32 @!p2 $0x0  }
0x16: {  	s3 =	sld [smem:$0x3FDB];
	s0 =	simm.s32 @p2 $0x1  }
0x17: {  	s4 =	simm.s32 $0x1BF5;
	[smem:$0x3FB7] =	sst s0  }
0x18: {  	s0 =	sld [smem:$0x3F9A];
	_ =	swait.ge [sflag:s4], $0x0  }
0x19: {  	s7 =	sld [smem:$0x3F9B]  }
0x1a: {  	s8 =	sadd.s32 $0xFFFFE003, lr  }
0x1b: {  	s9 =	sadd.s32 $0xFFFFFEF7, lr;
	s5 =	simm.s32 $0xFFFFFFFF;
	p2 =	slt.u32 s8, $0xFFFFF086  }
0x1c: {  	p1 =	slt.u32 s9, $0xF7A;
	s5 =	simm.s32 @!p2 $0x0  }
0x1d: {  	s5 =	simm.s32 @p1 $0x1;
	p0 =	seq.s32 s7, s2  }
0x1e: {  	s7 =	smul.u32 @!p0 $0xF7A, s2;
	p2 =	seq.s32 @!p0 s5, $0x0  }
0x1f: {  	s9 =	smul.u32 $0xF7A, s1;
	s8 =	simm.s32 @!p0 $0x1BF5;
	p2 =	por !p2, p0  }
0x20: {  	[sflag:s8] =	ssyncset.s32 @!p0 $0xFFFFF086;
	s6 =	sadd.s32 @!p0 s3, s7;
	s7 =	simm.s32 @!p0 $0x108  }
0x21: {  	s3 =	sadd.s32 s3, s9;
	s6 =	sadd.s32 @!p0 $0x88, s6;
	s7 =	simm.s32 @p2 $0x1082  }
0x22: {  	[simem:s7], [sflag:s8] =	dma.local @!p0 [hbm:s6], $0xF7A  }
0x23: {  	s9 =	sor.u32 $0xD0000000, s2;
	s6 =	simm.s32 $0x108;
	_ =	swait.ge @!p0 [sflag:s8], $0x0  }
0x24: {  	s3 =	sadd.s32 $0x88, s3;
	s6 =	simm.s32 @!p1 $0x1082;
	[sflag:s4] =	ssyncset.s32 $0xFFFFF086  }
0x25: {  	[simem:s6], [sflag:s4] =	dma.local [hbm:s3], $0xF7A  }
0x26: {  	[smem:$0x3F9B] =	sst s1;
	(tag) =	ssettag s2;
	_ =	strace s9  }
0x27: {  	s1 =	sld [smem:$0x3FAB]  }
0x28: {  	s2 =	sld [smem:$0x3FAC]  }
0x29: {  	s4 =	sld [smem:$0x3FAE]  }
0x2a: {  	p0 =	seq.s32 s5, $0x0;
	s5 =	sld [smem:$0x3FAF]  }
0x2b: {  	s6 =	sld [smem:$0x3FB0]  }
0x2c: {  	s7 =	sld [smem:$0x3FB1]  }
0x2d: {  	s3 =	simm.s32 $0x108;
	s8 =	sld [smem:$0x3FB2]  }
0x2e: {  	s3 =	simm.s32 @!p0 $0x1082;
	s9 =	sld [smem:$0x3FB3]  }
0x2f: {  	lr =	sadd.s32 s0, s3;
	s0 =	sld [smem:$0x3FAA]  }
0x30: {  	s3 =	sld [smem:$0x3FAD]  }
0x31: {  	[smem:$0x3FB6] =	sst s10  }
0x32: {  	s10 =	sld [smem:$0x3FB4];
	_ =	sdelay $0x3  }
0x33: {  	p0 =	seq.s32 s10, $0x1;
	s10 =	sld [smem:$0x3FB6];
	_ =	sdelay $0x3  }
0x34: {  	[smem:$0x3FB6] =	sst s10  }
0x35: {  	s10 =	sld [smem:$0x3FB5];
	_ =	sdelay $0x3  }
0x36: {  	p1 =	seq.s32 s10, $0x1;
	s10 =	sld [smem:$0x3FB6];
	_ =	sdelay $0x3  }
0x37: {  	[smem:$0x3FB6] =	sst s10  }
0x38: {  	s10 =	sld [smem:$0x3FB7]  }
0x39: {  	_ = 	snop;
	(pc) =	sbr.ind lr, $3  }
0x3a: {  	_ = 	snop  }
0x3b: {  	_ = 	snop  }
0x3c: {  	p2 =	seq.s32 s10, $0x1;
	s10 =	sld [smem:$0x3FB6]  }
0x3d: {  	_ =	shalt  }
0x3e: {  	_ =	shalt  }
0x3f: {  	_ =	shalt  }
0x40: {  	_ =	shalt  }
0x41: {  	_ =	shalt  }
0x42: {  	_ =	shalt  }
0x43: {  	_ =	shalt  }
0x44: {  	_ =	shalt  }
0x45: {  	_ =	shalt  }
0x46: {  	_ =	shalt  }
0x47: {  	_ =	shalt  }
0x48: {  	_ =	shalt  }
0x49: {  	_ =	shalt  }
0x4a: {  	_ =	shalt  }
0x4b: {  	_ =	shalt  }
0x4c: {  	_ =	shalt  }
0x4d: {  	_ =	shalt  }
0x4e: {  	_ =	shalt  }
0x4f: {  	_ =	shalt  }
0x50: {  	_ =	shalt  }
0x51: {  	_ =	shalt  }
0x52: {  	_ =	shalt  }
0x53: {  	_ =	shalt  }
0x54: {  	_ =	shalt  }
0x55: {  	_ =	shalt  }
0x56: {  	_ =	shalt  }
0x57: {  	_ =	shalt  }
0x58: {  	_ =	shalt  }
0x59: {  	_ =	shalt  }
0x5a: {  	_ =	shalt  }
0x5b: {  	_ =	shalt  }
0x5c: {  	_ =	shalt  }
0x5d: {  	_ =	shalt  }
0x5e: {  	_ =	shalt  }
0x5f: {  	_ =	shalt  }
0x60: {  	_ =	shalt  }
0x61: {  	_ =	shalt  }
0x62: {  	_ =	shalt  }
0x63: {  	_ =	shalt  }
0x64: {  	_ =	shalt  }
0x65: {  	_ =	shalt  }
0x66: {  	_ =	shalt  }
0x67: {  	_ =	shalt  }
0x68: {  	_ =	shalt  }
0x69: {  	_ =	shalt  }
0x6a: {  	_ =	shalt  }
0x6b: {  	_ =	shalt  }
0x6c: {  	_ =	shalt  }
0x6d: {  	_ =	shalt  }
0x6e: {  	_ =	shalt  }
0x6f: {  	_ =	shalt  }
0x70: {  	_ =	shalt  }
0x71: {  	_ =	shalt  }
0x72: {  	_ =	shalt  }
0x73: {  	_ =	shalt  }
0x74: {  	_ =	shalt  }
0x75: {  	_ =	shalt  }
0x76: {  	_ =	shalt  }
0x77: {  	_ =	shalt  }
0x78: {  	_ =	shalt  }
0x79: {  	_ =	shalt  }
0x7a: {  	_ =	shalt  }
0x7b: {  	_ =	shalt  }
0x7c: {  	_ =	shalt  }
0x7d: {  	_ =	shalt  }
0x7e: {  	_ =	shalt  }
0x7f: {  	_ =	shalt  }
0x80: {  	_ =	shalt  }
0x81: {  	_ =	shalt  }
0x82: {  	_ =	shalt  }
0x83: {  	_ =	shalt  }
0x84: {  	_ =	shalt  }
0x85: {  	_ =	shalt  }
0x86: {  	_ =	shalt  }
0x87: {  	_ =	shalt  }
.Lfunc_end0:
.L_simem_size_0:
called_computation.2_lowered:
.L_overlay_start_0:
0x88: {  	s2 =	sld [smem:$0x3FD9]  }
0x89: {  	s3 =	sld [smem:$0x3FFE];
	_ =	sdelay $0x1  }
0x8a: {  	s1 =	srdreg.scid  }
0x8b: {  	s0 =	sand.u32 $0x1, s1  }
0x8c: {  	s17 =	sshll.u32 s0, $0xA;
	s2 =	sadd.s32 s3, s2  }
0x8d: {  	s2 =	sadd.s32 s2, s17  }
0x8e: {  	[smem:$0x3FC2] =	sst s2  }
0x8f: {  	_ = 	snop  }
0x90: {  	s2 =	sld [smem:$0x3FD0];
	(tm) =	ssettm $0x1  }
0x91: {  	s18 =	sld [smem:$0x3FFB];
	_ =	sdelay $0x3  }
0x92: {  	_ =	strace s18  }
0x93: {  	s3 =	sld [smem:$0x3FFC];
	_ =	sdelay $0x3  }
0x94: {  	_ =	strace s3  }
0x95: {  	s3 =	sld [smem:$0x3FFD];
	_ =	sdelay $0x3  }
0x96: {  	_ =	strace s3  }
0x97: {  	_ =	strace $0x8FFFFFFF  }
0x98: {  	s19 =	sld [smem:$0x3FDB];
	_ =	sdelay $0x1  }
0x99: {  	s4 =	simm.s32 $_scs_section_size  }
0x9a: {  	s5 =	simm.s32 $_size__tile_overlayer_lowered;
	s6 =	simm.s32 $_tile_overlayer_lowered  }
0x9b: {  	s22 =	simm.s32 $0x1BFF;
	s21 =	sshll.u32 s6, $0x1;
	s3 =	sadd.s32 s4, s19  }
0x9c: {  	s7 =	simm.s32 $0x0;
	s20 =	sshll.u32 s5, $0x1;
	s5 =	sadd.s32 s21, s3  }
0x9d: {  	[timem:s7], [sflag:s22] =	dma.local [hbm:s5], s20  }
0x9e: {  	_ =	swait.ge [sflag:s22], s20  }
0x9f: {  	s4 =	ssub.s32 $0x0, s20;
	[sflag:s22] =	ssyncset.done $0x0  }
0xa0: {  	[sflag:s22] =	ssyncadd.s32 s4;
	_ =	sdelay $0x1  }
0xa1: {  	s23 =	simm.s32 $0x1B8B  }
0xa2: {  	_ =	swait.ge [sflag:s23], $0x1  }
0xa3: {  	[sflag:s23] =	ssyncset.done $0x0  }
0xa4: {  	s25 =	simm.s32 $0x1B8E;
	s24 =	sld [smem:$0x3FFE];
	[sflag:s23] =	ssyncadd.s32 $0xFFFFFFFF  }
0xa5: {  	s26 =	simm.s32 $execute0_lowered;
	[smem:$0x3FD2] =	sst s25  }
0xa6: {  	s5 =	sshll.u32 s26, $0x1;
	_ =	strace $0x8000004C;
	[dreg:$0x1] =	wrdreg $0xFFFFFFFF  }
0xa7: {  	s28 =	simm.s32 $_size_execute0_lowered;
	s3 =	sadd.s32 s3, s5;
	[dreg:$0x0] =	wrdreg $0x0  }
0xa8: {  	s5 =	sshll.u32 s28, $0x1;
	[dreg:$0x2] =	wrdreg s3  }
0xa9: {  	[dreg:$0x3] =	wrdreg s5  }
0xaa: {  	[dreg:$0x4] =	wrdreg $0xC0  }
0xab: {  	_ =	task [dreg:s7], $0x5FFFF  }
0xac: {  	[dreg:$0x1] =	wrdreg $0xFFFFFFFF  }
0xad: {  	[dreg:$0x0] =	wrdreg $0x60  }
0xae: {  	[dreg:$0x2] =	wrdreg s24  }
0xaf: {  	[dreg:$0x3] =	wrdreg s2  }
0xb0: {  	[dreg:$0x4] =	wrdreg $0x28000  }
0xb1: {  	[dreg:$0x5] =	wrdreg $0x9  }
0xb2: {  	_ =	task.clear_ibuf [dreg:s7], $0x6FFFF;
	_ =	strace $0x9000004C  }
0xb3: {  	s29 =	simm.s32 $0x9;
	_ =	strace $0x8000004E  }
0xb4: {  	_ =	swait.ge [sflag:s29], $0x1  }
0xb5: {  	[sflag:s29] =	ssyncadd.s32 $0xFFFFFFFF  }
0xb6: {  	_ =	strace $0x9000004E  }
0xb7: {  	_ =	sfence  }
0xb8: {  	s30 =	sld [smem:$0x0];
	_ =	sdelay $0x2  }
0xb9: {  	s31 =	sshll.u32 s1, $0xD;
	s1 =	sshrl.u32 s1, $0x2  }
0xba: {  	s3 =	sand.u32 $0x4000, s31;
	s1 =	sadd.s32 s1, s30  }
0xbb: {  	s0 =	sor.u32 s3, s0;
	s1 =	sshll.u32 s1, $0x11  }
0xbc: {  	s0 =	sor.u32 s1, s0  }
0xbd: {  	s0 =	sadd.s32 $0x8F2B, s0  }
0xbe: {  	[sflag:s0] =	ssyncadd.remote.s32 $0x1  }
0xbf: {  	_ =	sfence.sel $0xFFFF  }
0xc0: {  	[dreg:$0x0] =	wrdreg $0xFFFFFFFF;
	(pc) =	sbr.abs _section_cstart, $3  }
0xc1: {  	[dreg:$0x1] =	wrdreg $0xFFFFFFFF  }
0xc2: {  	_ =	task.clear_ibuf [dreg:s7], $0x2FFFF;
	_ =	strace $0x9FFFFFFF  }
0xc3: {  	(tm) =	ssettm $0x7FFFFFFF  }
tec
execute0_lowered:
.L_overlay_start_1:
0x0: {  	(tag) =	ssettag $0x1  }
0x1: {  	s0 =	rddreg [dreg:$0x0];
	s1 =	srdreg.scid  }
0x2: {  	s9 =	stileid.u32;
	s3 =	rddreg [dreg:$0x2];
	s4 =	simm.s32 $0x0  }
0x3: {  	s10 =	simm.s32 $0x3;
	s11 =	simm.s32 $0x400;
	s12 =	simm.s32 $0x80  }
0x4: {  	s13 =	simm.s32 $0x800;
	s25 =	simm.s32 $0x100;
	s14 =	simm.s32 $0xC00  }
0x5: {  	s26 =	simm.s32 $0x180;
	s15 =	simm.s32 $0x1000;
	s16 =	simm.s32 $0x1400  }
0x6: {  	s17 =	simm.s32 $0x200;
	s18 =	simm.s32 $0x1800;
	s28 =	simm.s32 $0x500  }
0x7: {  	s29 =	simm.s32 $0x580;
	s30 =	simm.s32 $0x600;
	s2 =	smul.u32 $0x18800, s9  }
0x8: {  	s31 =	simm.s32 $0x680;
	s1 =	sand.u32 $0x1, s1;
	s7 =	smul.u32 $0xC400, s9  }
0x9: {  	[smem:$0x7FF] =	sst s4;
	s5 =	sadd.s32 $0x373600, s0;
	s6 =	smul.u32 $0xC400, s1  }
0xa: {  	s22 =	sshll.u32 s9, $0x6;
	s9 =	simm.s32 $0x0;
	s8 =	smul.u32 $0xC4000, s1  }
0xb: {  	_ =	strace $0x8000004D;
	s1 =	ssub.s32 $0x2, s1;
	[dreg:$0x6] =	wrdreg s25  }
0xc: {  	[dreg:$0x7] =	wrdreg s26;
	s25 =	simm.s32 $0x1;
	s26 =	simm.s32 $0x480  }
0xd: {  	s20 =	sshrl.u32 s1, $0x1;
	s21 =	sadd.s32 s7, s3;
	s2 =	sadd.s32 s6, s2  }
0xe: {  	s19 =	sadd.s32 s7, s8;
	s1 =	ssub.s32 s1, s20;
	s7 =	sor.u32 $0x1C03, s22  }
0xf: {  	s8 =	sshrl.u32 s21, $0x3;
	s20 =	simm.s32 $0x1C00;
	s21 =	simm.s32 $0x300  }
0x10: {  	s2 =	sshrl.u32 s2, $0x3;
	s6 =	sshrl.u32 s19, $0x3;
	[dreg:$0x8] =	wrdreg s7  }
0x11: {  	s24 =	smax.u32 s1, $0x1;
	[dreg:$0xb] =	wrdreg s8;
	s2 =	sadd.s32 s2, s0  }
0x12: {  	s0 =	sadd.s32 s6, s0;
	[dreg:$0xa] =	wrdreg s24;
	s23 =	sadd.s32 $0x32600, s2  }
0x13: {  	s22 =	simm.s32 $0x2000;
	s0 =	sadd.s32 $0x1EB600, s0;
	[dreg:$0x4] =	wrdreg s23  }
0x14: {  	s19 =	simm.s32 $0x280;
	s2 =	sadd.s32 $0x1600, s2;
	[dreg:$0x9] =	wrdreg s0  }
0x15: {  	s1 =	simm.s32 $0x700;
	s24 =	simm.s32 $0x2400;
	[dreg:$0x5] =	wrdreg s2  }
0x16: {  	s23 =	simm.s32 $0x380;
	s0 =	simm.s32 $0x780;
	s2 =	simm.s32 $0x2  }
.LBB2_1:
0x17: {  	[dreg:$0xc] =	wrdreg s9  }
0x18: {  	s6 =	rddreg [dreg:$0x1]  }
0x19: {  	[spmem:s8], [sflag:s7] =	dma.local [hbm:s6], $0x1880  }
0x1a: {  	_ =	swait.ge [sflag:s10], $0x1880  }
0x1b: {  	[sflag:s10] =	ssyncset.done $0x0  }
0x1c: {  	[sflag:s10] =	ssyncadd.s32 $0xFFFFE780  }
0x1d: {  	[bflag:$0x0] =	sbarrier.arrive $0xFFFF  }
0x1e: {  	s9 =	rddreg [dreg:$0x5]  }
0x1f: {  	s6 =	sadd.s32 $0x0, s9  }
0x20: {  	[tilespmem:s11], [sflag:$0x3] =	stream.linear.gather [hbm4b:s6+s4], $0x400, $0x38;
	[tilespmem:$0x5900] =	vst v63  }
0x21: {  	_ =	swait.ge [sflag:s10], $0x400  }
0x22: {  	s7 =	rddreg [dreg:$0x4];
	[sflag:s10] =	ssyncset.done $0x0  }
0x23: {  	[sflag:s10] =	ssyncadd.s32 $0xFFFFFC00;
	s6 =	sadd.s32 $0x0, s7  }
0x24: {  	[tilespmem:s4], [sflag:$0x3] =	stream.linear.gather [hbm4b:s6+s4], $0x400, $0x38;
	[tilespmem:$0x5900] =	vst v63  }
0x25: {  	_ =	swait.ge [sflag:s10], $0x400  }
0x26: {  	[sflag:s10] =	ssyncset.done $0x0  }
0x27: {  	[sflag:s10] =	ssyncadd.s32 $0xFFFFFC00  }
0x28: {  	[tilespmem:s13], [sflag:$0x1] =	stream.indirect.gather [hbm4b:s5+s12], $0x2, s4, s12, $0xb8;
	[tilespmem:$0x5900] =	vst v63  }
0x29: {  	_ = 	snop  }
0x2a: {  	[tilespmem:s14], [sflag:$0x1] =	stream.indirect.gather [hbm4b:s5+s12], $0x2, s12, s12, $0xb8;
	[tilespmem:$0x5900] =	vst v63  }
0x2b: {  	s8 =	rddreg [dreg:$0x6]  }
0x2c: {  	[tilespmem:s15], [sflag:$0x1] =	stream.indirect.gather [hbm4b:s5+s12], $0x2, s8, s12, $0xb8;
	[tilespmem:$0x5900] =	vst v63  }
0x2d: {  	s9 =	rddreg [dreg:$0x7]  }
0x2e: {  	[tilespmem:s16], [sflag:$0x1] =	stream.indirect.gather [hbm4b:s5+s12], $0x2, s9, s12, $0xb8;
	[tilespmem:$0x5900] =	vst v63  }
0x2f: {  	_ = 	snop  }
0x30: {  	[tilespmem:s18], [sflag:$0x1] =	stream.indirect.gather [hbm4b:s5+s12], $0x2, s17, s12, $0xb8;
	[tilespmem:$0x5900] =	vst v63  }
0x31: {  	_ = 	snop  }
0x32: {  	[tilespmem:s20], [sflag:$0x1] =	stream.indirect.gather [hbm4b:s5+s12], $0x2, s19, s12, $0xb8;
	[tilespmem:$0x5900] =	vst v63  }
0x33: {  	_ = 	snop  }
0x34: {  	[tilespmem:s22], [sflag:$0x1] =	stream.indirect.gather [hbm4b:s5+s12], $0x2, s21, s12, $0xb8;
	[tilespmem:$0x5900] =	vst v63  }
0x35: {  	_ = 	snop  }
0x36: {  	[tilespmem:s24], [sflag:$0x1] =	stream.indirect.gather [hbm4b:s5+s12], $0x2, s23, s12, $0xb8;
	[tilespmem:$0x5900] =	vst v63  }
0x37: {  	_ =	swait.ge [sflag:s25], $0x100  }
0x38: {  	[sflag:s25] =	ssyncset.done $0x0  }
0x39: {  	[sflag:s25] =	ssyncadd.s32 $0xFFFFFF00  }
0x3a: {  	_ =	swait.ge [sflag:s25], $0x100  }
0x3b: {  	[sflag:s25] =	ssyncset.done $0x0  }
0x3c: {  	[sflag:s25] =	ssyncadd.s32 $0xFFFFFF00  }
0x3d: {  	_ =	swait.ge [sflag:s25], $0x100  }
0x3e: {  	[sflag:s25] =	ssyncset.done $0x0  }
0x3f: {  	[sflag:s25] =	ssyncadd.s32 $0xFFFFFF00  }
0x40: {  	_ =	swait.ge [sflag:s25], $0x100  }
0x41: {  	[sflag:s25] =	ssyncset.done $0x0  }
0x42: {  	[sflag:s25] =	ssyncadd.s32 $0xFFFFFF00  }
0x43: {  	_ =	swait.ge [sflag:s25], $0x100  }
0x44: {  	[sflag:s25] =	ssyncset.done $0x0  }
0x45: {  	[sflag:s25] =	ssyncadd.s32 $0xFFFFFF00  }
0x46: {  	_ =	swait.ge [sflag:s25], $0x100  }
0x47: {  	[sflag:s25] =	ssyncset.done $0x0  }
0x48: {  	[sflag:s25] =	ssyncadd.s32 $0xFFFFFF00  }
0x49: {  	_ =	swait.ge [sflag:s25], $0x100  }
0x4a: {  	[sflag:s25] =	ssyncset.done $0x0  }
0x4b: {  	[sflag:s25] =	ssyncadd.s32 $0xFFFFFF00  }
0x4c: {  	_ =	swait.ge [sflag:s25], $0x100  }
0x4d: {  	[sflag:s25] =	ssyncset.done $0x0  }
0x4e: {  	[sflag:s25] =	ssyncadd.s32 $0xFFFFFF00  }
0x4f: {  	[spmem:s3] =	stream.indirect.scatter.add.f32 [tilespmem:s13], [sflag:$0x2], $0x2, s11, s12, $0xb8;
	[tilespmem:$0x5900] =	vst v63  }
0x50: {  	_ = 	snop  }
0x51: {  	[spmem:s3] =	stream.indirect.scatter.add.f32 [tilespmem:s14], [sflag:$0x2], $0x2, s26, s12, $0xb8;
	[tilespmem:$0x5900] =	vst v63  }
0x52: {  	_ = 	snop  }
0x53: {  	[spmem:s3] =	stream.indirect.scatter.add.f32 [tilespmem:s15], [sflag:$0x2], $0x2, s28, s12, $0xb8;
	[tilespmem:$0x5900] =	vst v63  }
0x54: {  	_ = 	snop  }
0x55: {  	[spmem:s3] =	stream.indirect.scatter.add.f32 [tilespmem:s16], [sflag:$0x2], $0x2, s29, s12, $0xb8;
	[tilespmem:$0x5900] =	vst v63  }
0x56: {  	_ = 	snop  }
0x57: {  	[spmem:s3] =	stream.indirect.scatter.add.f32 [tilespmem:s18], [sflag:$0x2], $0x2, s30, s12, $0xb8;
	[tilespmem:$0x5900] =	vst v63  }
0x58: {  	_ = 	snop  }
0x59: {  	[spmem:s3] =	stream.indirect.scatter.add.f32 [tilespmem:s20], [sflag:$0x2], $0x2, s31, s12, $0xb8;
	[tilespmem:$0x5900] =	vst v63  }
0x5a: {  	_ = 	snop  }
0x5b: {  	[spmem:s3] =	stream.indirect.scatter.add.f32 [tilespmem:s22], [sflag:$0x2], $0x2, s1, s12, $0xb8;
	[tilespmem:$0x5900] =	vst v63  }
0x5c: {  	_ = 	snop  }
0x5d: {  	[spmem:s3] =	stream.indirect.scatter.add.f32 [tilespmem:s24], [sflag:$0x2], $0x2, s0, s12, $0xb8;
	[tilespmem:$0x5900] =	vst v63  }
0x5e: {  	_ =	swait.ge [sflag:s2], $0x100  }
0x5f: {  	[sflag:s2] =	ssyncset.done $0x0  }
0x60: {  	[sflag:s2] =	ssyncadd.s32 $0xFFFFFF00  }
0x61: {  	_ =	swait.ge [sflag:s2], $0x100  }
0x62: {  	[sflag:s2] =	ssyncset.done $0x0  }
0x63: {  	[sflag:s2] =	ssyncadd.s32 $0xFFFFFF00  }
0x64: {  	_ =	swait.ge [sflag:s2], $0x100  }
0x65: {  	[sflag:s2] =	ssyncset.done $0x0  }
0x66: {  	[sflag:s2] =	ssyncadd.s32 $0xFFFFFF00  }
0x67: {  	_ =	swait.ge [sflag:s2], $0x100  }
0x68: {  	[sflag:s2] =	ssyncset.done $0x0  }
0x69: {  	[sflag:s2] =	ssyncadd.s32 $0xFFFFFF00  }
0x6a: {  	_ =	swait.ge [sflag:s2], $0x100  }
0x6b: {  	[sflag:s2] =	ssyncset.done $0x0  }
0x6c: {  	[sflag:s2] =	ssyncadd.s32 $0xFFFFFF00  }
0x6d: {  	_ =	swait.ge [sflag:s2], $0x100  }
0x6e: {  	[sflag:s2] =	ssyncset.done $0x0  }
0x6f: {  	[sflag:s2] =	ssyncadd.s32 $0xFFFFFF00  }
0x70: {  	_ =	swait.ge [sflag:s2], $0x100  }
0x71: {  	[sflag:s2] =	ssyncset.done $0x0  }
0x72: {  	[sflag:s2] =	ssyncadd.s32 $0xFFFFFF00  }
0x73: {  	s6 =	simm.s32 $0x100;
	_ =	swait.ge [sflag:s2], $0x100  }
0x74: {  	s8 =	simm.s32 $0x80;
	s9 =	rddreg [dreg:$0x5];
	[sflag:s2] =	ssyncset.done $0x0  }
.LBB2_2:
0x75: {  	[sflag:s2] =	ssyncadd.s32 $0xFFFFFF00;
	s9 =	sadd.s32 s8, s9  }
0x76: {  	[tilespmem:s11], [sflag:$0x3] =	stream.linear.gather [hbm4b:s9+s4], $0x400, $0x38;
	[tilespmem:$0x5900] =	vst v63  }
0x77: {  	_ =	swait.ge [sflag:s10], $0x400  }
0x78: {  	s9 =	rddreg [dreg:$0x4];
	[sflag:s10] =	ssyncset.done $0x0  }
0x79: {  	[sflag:s10] =	ssyncadd.s32 $0xFFFFFC00;
	s9 =	sadd.s32 s8, s9  }
0x7a: {  	[tilespmem:s4], [sflag:$0x3] =	stream.linear.gather [hbm4b:s9+s4], $0x400, $0x38;
	[tilespmem:$0x5900] =	vst v63  }
0x7b: {  	_ =	swait.ge [sflag:s10], $0x400  }
0x7c: {  	[sflag:s10] =	ssyncset.done $0x0  }
0x7d: {  	[sflag:s10] =	ssyncadd.s32 $0xFFFFFC00  }
0x7e: {  	[tilespmem:s13], [sflag:$0x1] =	stream.indirect.gather [hbm4b:s5+s12], $0x2, s4, s12, $0xb8;
	[tilespmem:$0x5900] =	vst v63  }
0x7f: {  	s7 =	smov.u32 s6  }
0x80: {  	[tilespmem:s14], [sflag:$0x1] =	stream.indirect.gather [hbm4b:s5+s12], $0x2, s12, s12, $0xb8;
	[tilespmem:$0x5900] =	vst v63  }
0x81: {  	s8 =	smov.u32 s7;
	s7 =	rddreg [dreg:$0x6]  }
0x82: {  	[tilespmem:s15], [sflag:$0x1] =	stream.indirect.gather [hbm4b:s5+s12], $0x2, s7, s12, $0xb8;
	[tilespmem:$0x5900] =	vst v63  }
0x83: {  	s9 =	rddreg [dreg:$0x7]  }
0x84: {  	[tilespmem:s16], [sflag:$0x1] =	stream.indirect.gather [hbm4b:s5+s12], $0x2, s9, s12, $0xb8;
	[tilespmem:$0x5900] =	vst v63  }
0x85: {  	_ = 	snop  }
0x86: {  	[tilespmem:s18], [sflag:$0x1] =	stream.indirect.gather [hbm4b:s5+s12], $0x2, s17, s12, $0xb8;
	[tilespmem:$0x5900] =	vst v63  }
0x87: {  	_ = 	snop  }
0x88: {  	[tilespmem:s20], [sflag:$0x1] =	stream.indirect.gather [hbm4b:s5+s12], $0x2, s19, s12, $0xb8;
	[tilespmem:$0x5900] =	vst v63  }
0x89: {  	_ = 	snop  }
0x8a: {  	[tilespmem:s22], [sflag:$0x1] =	stream.indirect.gather [hbm4b:s5+s12], $0x2, s21, s12, $0xb8;
	[tilespmem:$0x5900] =	vst v63  }
0x8b: {  	_ = 	snop  }
0x8c: {  	[tilespmem:s24], [sflag:$0x1] =	stream.indirect.gather [hbm4b:s5+s12], $0x2, s23, s12, $0xb8;
	[tilespmem:$0x5900] =	vst v63  }
0x8d: {  	_ =	swait.ge [sflag:s25], $0x100  }
0x8e: {  	[sflag:s25] =	ssyncset.done $0x0  }
0x8f: {  	[sflag:s25] =	ssyncadd.s32 $0xFFFFFF00  }
0x90: {  	_ =	swait.ge [sflag:s25], $0x100  }
0x91: {  	[sflag:s25] =	ssyncset.done $0x0  }
0x92: {  	[sflag:s25] =	ssyncadd.s32 $0xFFFFFF00  }
0x93: {  	_ =	swait.ge [sflag:s25], $0x100  }
0x94: {  	[sflag:s25] =	ssyncset.done $0x0  }
0x95: {  	[sflag:s25] =	ssyncadd.s32 $0xFFFFFF00  }
0x96: {  	_ =	swait.ge [sflag:s25], $0x100  }
0x97: {  	[sflag:s25] =	ssyncset.done $0x0  }
0x98: {  	[sflag:s25] =	ssyncadd.s32 $0xFFFFFF00  }
0x99: {  	_ =	swait.ge [sflag:s25], $0x100  }
0x9a: {  	[sflag:s25] =	ssyncset.done $0x0  }
0x9b: {  	[sflag:s25] =	ssyncadd.s32 $0xFFFFFF00  }
0x9c: {  	_ =	swait.ge [sflag:s25], $0x100  }
0x9d: {  	[sflag:s25] =	ssyncset.done $0x0  }
0x9e: {  	[sflag:s25] =	ssyncadd.s32 $0xFFFFFF00  }
0x9f: {  	_ =	swait.ge [sflag:s25], $0x100  }
0xa0: {  	[sflag:s25] =	ssyncset.done $0x0  }
0xa1: {  	[sflag:s25] =	ssyncadd.s32 $0xFFFFFF00  }
0xa2: {  	_ =	swait.ge [sflag:s25], $0x100  }
0xa3: {  	[sflag:s25] =	ssyncset.done $0x0  }
0xa4: {  	[sflag:s25] =	ssyncadd.s32 $0xFFFFFF00  }
0xa5: {  	[spmem:s3] =	stream.indirect.scatter.add.f32 [tilespmem:s13], [sflag:$0x2], $0x2, s11, s12, $0xb8;
	[tilespmem:$0x5900] =	vst v63  }
0xa6: {  	_ = 	snop  }
0xa7: {  	[spmem:s3] =	stream.indirect.scatter.add.f32 [tilespmem:s14], [sflag:$0x2], $0x2, s26, s12, $0xb8;
	[tilespmem:$0x5900] =	vst v63  }
0xa8: {  	_ = 	snop  }
0xa9: {  	[spmem:s3] =	stream.indirect.scatter.add.f32 [tilespmem:s15], [sflag:$0x2], $0x2, s28, s12, $0xb8;
	[tilespmem:$0x5900] =	vst v63  }
0xaa: {  	_ = 	snop  }
0xab: {  	[spmem:s3] =	stream.indirect.scatter.add.f32 [tilespmem:s16], [sflag:$0x2], $0x2, s29, s12, $0xb8;
	[tilespmem:$0x5900] =	vst v63  }
0xac: {  	_ = 	snop  }
0xad: {  	[spmem:s3] =	stream.indirect.scatter.add.f32 [tilespmem:s18], [sflag:$0x2], $0x2, s30, s12, $0xb8;
	[tilespmem:$0x5900] =	vst v63  }
0xae: {  	_ = 	snop  }
0xaf: {  	[spmem:s3] =	stream.indirect.scatter.add.f32 [tilespmem:s20], [sflag:$0x2], $0x2, s31, s12, $0xb8;
	[tilespmem:$0x5900] =	vst v63  }
0xb0: {  	_ = 	snop  }
0xb1: {  	[spmem:s3] =	stream.indirect.scatter.add.f32 [tilespmem:s22], [sflag:$0x2], $0x2, s1, s12, $0xb8;
	[tilespmem:$0x5900] =	vst v63  }
0xb2: {  	_ = 	snop  }
0xb3: {  	[spmem:s3] =	stream.indirect.scatter.add.f32 [tilespmem:s24], [sflag:$0x2], $0x2, s0, s12, $0xb8;
	[tilespmem:$0x5900] =	vst v63  }
0xb4: {  	_ =	swait.ge [sflag:s2], $0x100  }
0xb5: {  	[sflag:s2] =	ssyncset.done $0x0  }
0xb6: {  	[sflag:s2] =	ssyncadd.s32 $0xFFFFFF00  }
0xb7: {  	_ =	swait.ge [sflag:s2], $0x100  }
0xb8: {  	[sflag:s2] =	ssyncset.done $0x0  }
0xb9: {  	[sflag:s2] =	ssyncadd.s32 $0xFFFFFF00  }
0xba: {  	_ =	swait.ge [sflag:s2], $0x100  }
0xbb: {  	[sflag:s2] =	ssyncset.done $0x0  }
0xbc: {  	[sflag:s2] =	ssyncadd.s32 $0xFFFFFF00  }
0xbd: {  	_ =	swait.ge [sflag:s2], $0x100  }
0xbe: {  	[sflag:s2] =	ssyncset.done $0x0  }
0xbf: {  	[sflag:s2] =	ssyncadd.s32 $0xFFFFFF00  }
0xc0: {  	_ =	swait.ge [sflag:s2], $0x100  }
0xc1: {  	[sflag:s2] =	ssyncset.done $0x0  }
0xc2: {  	[sflag:s2] =	ssyncadd.s32 $0xFFFFFF00  }
0xc3: {  	_ =	swait.ge [sflag:s2], $0x100  }
0xc4: {  	[sflag:s2] =	ssyncset.done $0x0  }
0xc5: {  	p0 =	sne.s32 s6, $0x1800;
	[sflag:s2] =	ssyncadd.s32 $0xFFFFFF00  }
.Ltmp0:
0xc6: {  	_ =	swait.ge [sflag:s2], $0x100;
	(pc) =	sbr.rel @p0 .LBB2_2-.Ltmp0, $4  }
0xc7: {  	[sflag:s2] =	ssyncset.done $0x0  }
0xc8: {  	[sflag:s2] =	ssyncadd.s32 $0xFFFFFF00  }
0xc9: {  	_ =	swait.ge [sflag:s2], $0x100  }
0xca: {  	s6 =	sadd.s32 $0x80, s6;
	s9 =	rddreg [dreg:$0x5];
	[sflag:s2] =	ssyncset.done $0x0  }
0xcb: {  	[sflag:s2] =	ssyncadd.s32 $0xFFFFFF00;
	s6 =	sadd.s32 s8, s9  }
0xcc: {  	[tilespmem:s11], [sflag:$0x3] =	stream.linear.gather [hbm4b:s6+s4], $0x400, $0x38;
	[tilespmem:$0x5900] =	vst v63  }
0xcd: {  	_ =	swait.ge [sflag:s10], $0x400  }
0xce: {  	s7 =	rddreg [dreg:$0x4];
	[sflag:s10] =	ssyncset.done $0x0  }
0xcf: {  	[sflag:s10] =	ssyncadd.s32 $0xFFFFFC00;
	s6 =	sadd.s32 s8, s7  }
0xd0: {  	[tilespmem:s4], [sflag:$0x3] =	stream.linear.gather [hbm4b:s6+s4], $0x400, $0x38;
	[tilespmem:$0x5900] =	vst v63  }
0xd1: {  	_ =	swait.ge [sflag:s10], $0x400  }
0xd2: {  	[sflag:s10] =	ssyncset.done $0x0  }
0xd3: {  	[sflag:s10] =	ssyncadd.s32 $0xFFFFFC00  }
0xd4: {  	[tilespmem:s13], [sflag:$0x1] =	stream.indirect.gather [hbm4b:s5+s12], $0x2, s4, s12, $0xb8;
	[tilespmem:$0x5900] =	vst v63  }
0xd5: {  	_ = 	snop  }
0xd6: {  	[tilespmem:s14], [sflag:$0x1] =	stream.indirect.gather [hbm4b:s5+s12], $0x2, s12, s12, $0xb8;
	[tilespmem:$0x5900] =	vst v63  }
0xd7: {  	s8 =	rddreg [dreg:$0x6]  }
0xd8: {  	[tilespmem:s15], [sflag:$0x1] =	stream.indirect.gather [hbm4b:s5+s12], $0x2, s8, s12, $0xb8;
	[tilespmem:$0x5900] =	vst v63  }
0xd9: {  	s7 =	rddreg [dreg:$0x7]  }
0xda: {  	[tilespmem:s16], [sflag:$0x1] =	stream.indirect.gather [hbm4b:s5+s12], $0x2, s7, s12, $0xb8;
	[tilespmem:$0x5900] =	vst v63  }
0xdb: {  	_ = 	snop  }
0xdc: {  	[tilespmem:s18], [sflag:$0x1] =	stream.indirect.gather [hbm4b:s5+s12], $0x2, s17, s12, $0xb8;
	[tilespmem:$0x5900] =	vst v63  }
0xdd: {  	_ = 	snop  }
0xde: {  	[tilespmem:s20], [sflag:$0x1] =	stream.indirect.gather [hbm4b:s5+s12], $0x2, s19, s12, $0xb8;
	[tilespmem:$0x5900] =	vst v63  }
0xdf: {  	_ = 	snop  }
0xe0: {  	[tilespmem:s22], [sflag:$0x1] =	stream.indirect.gather [hbm4b:s5+s12], $0x2, s21, s12, $0xb8;
	[tilespmem:$0x5900] =	vst v63  }
0xe1: {  	_ = 	snop  }
0xe2: {  	[tilespmem:s24], [sflag:$0x1] =	stream.indirect.gather [hbm4b:s5+s12], $0x2, s23, s12, $0xb8;
	[tilespmem:$0x5900] =	vst v63  }
0xe3: {  	_ =	swait.ge [sflag:s25], $0x100  }
0xe4: {  	[sflag:s25] =	ssyncset.done $0x0  }
0xe5: {  	[sflag:s25] =	ssyncadd.s32 $0xFFFFFF00  }
0xe6: {  	_ =	swait.ge [sflag:s25], $0x100  }
0xe7: {  	[sflag:s25] =	ssyncset.done $0x0  }
0xe8: {  	[sflag:s25] =	ssyncadd.s32 $0xFFFFFF00  }
0xe9: {  	_ =	swait.ge [sflag:s25], $0x100  }
0xea: {  	[sflag:s25] =	ssyncset.done $0x0  }
0xeb: {  	[sflag:s25] =	ssyncadd.s32 $0xFFFFFF00  }
0xec: {  	_ =	swait.ge [sflag:s25], $0x100  }
0xed: {  	[sflag:s25] =	ssyncset.done $0x0  }
0xee: {  	[sflag:s25] =	ssyncadd.s32 $0xFFFFFF00  }
0xef: {  	_ =	swait.ge [sflag:s25], $0x100  }
0xf0: {  	[sflag:s25] =	ssyncset.done $0x0  }
0xf1: {  	[sflag:s25] =	ssyncadd.s32 $0xFFFFFF00  }
0xf2: {  	_ =	swait.ge [sflag:s25], $0x100  }
0xf3: {  	[sflag:s25] =	ssyncset.done $0x0  }
0xf4: {  	[sflag:s25] =	ssyncadd.s32 $0xFFFFFF00  }
0xf5: {  	_ =	swait.ge [sflag:s25], $0x100  }
0xf6: {  	[sflag:s25] =	ssyncset.done $0x0  }
0xf7: {  	[sflag:s25] =	ssyncadd.s32 $0xFFFFFF00  }
0xf8: {  	_ =	swait.ge [sflag:s25], $0x100  }
0xf9: {  	[sflag:s25] =	ssyncset.done $0x0  }
0xfa: {  	[sflag:s25] =	ssyncadd.s32 $0xFFFFFF00  }
0xfb: {  	[spmem:s3] =	stream.indirect.scatter.add.f32 [tilespmem:s13], [sflag:$0x2], $0x2, s11, s12, $0xb8;
	[tilespmem:$0x5900] =	vst v63  }
0xfc: {  	_ = 	snop  }
0xfd: {  	[spmem:s3] =	stream.indirect.scatter.add.f32 [tilespmem:s14], [sflag:$0x2], $0x2, s26, s12, $0xb8;
	[tilespmem:$0x5900] =	vst v63  }
0xfe: {  	_ = 	snop  }
0xff: {  	[spmem:s3] =	stream.indirect.scatter.add.f32 [tilespmem:s15], [sflag:$0x2], $0x2, s28, s12, $0xb8;
	[tilespmem:$0x5900] =	vst v63  }
0x100: {  	_ = 	snop  }
0x101: {  	[spmem:s3] =	stream.indirect.scatter.add.f32 [tilespmem:s16], [sflag:$0x2], $0x2, s29, s12, $0xb8;
	[tilespmem:$0x5900] =	vst v63  }
0x102: {  	_ = 	snop  }
0x103: {  	[spmem:s3] =	stream.indirect.scatter.add.f32 [tilespmem:s18], [sflag:$0x2], $0x2, s30, s12, $0xb8;
	[tilespmem:$0x5900] =	vst v63  }
0x104: {  	_ = 	snop  }
0x105: {  	[spmem:s3] =	stream.indirect.scatter.add.f32 [tilespmem:s20], [sflag:$0x2], $0x2, s31, s12, $0xb8;
	[tilespmem:$0x5900] =	vst v63  }
0x106: {  	_ = 	snop  }
0x107: {  	[spmem:s3] =	stream.indirect.scatter.add.f32 [tilespmem:s22], [sflag:$0x2], $0x2, s1, s12, $0xb8;
	[tilespmem:$0x5900] =	vst v63  }
0x108: {  	_ = 	snop  }
0x109: {  	[spmem:s3] =	stream.indirect.scatter.add.f32 [tilespmem:s24], [sflag:$0x2], $0x2, s0, s12, $0xb8;
	[tilespmem:$0x5900] =	vst v63  }
0x10a: {  	_ =	swait.ge [sflag:s2], $0x100  }
0x10b: {  	[sflag:s2] =	ssyncset.done $0x0  }
0x10c: {  	[sflag:s2] =	ssyncadd.s32 $0xFFFFFF00  }
0x10d: {  	_ =	swait.ge [sflag:s2], $0x100  }
0x10e: {  	[sflag:s2] =	ssyncset.done $0x0  }
0x10f: {  	[sflag:s2] =	ssyncadd.s32 $0xFFFFFF00  }
0x110: {  	_ =	swait.ge [sflag:s2], $0x100  }
0x111: {  	[sflag:s2] =	ssyncset.done $0x0  }
0x112: {  	[sflag:s2] =	ssyncadd.s32 $0xFFFFFF00  }
0x113: {  	_ =	swait.ge [sflag:s2], $0x100  }
0x114: {  	[sflag:s2] =	ssyncset.done $0x0  }
0x115: {  	[sflag:s2] =	ssyncadd.s32 $0xFFFFFF00  }
0x116: {  	_ =	swait.ge [sflag:s2], $0x100  }
0x117: {  	[sflag:s2] =	ssyncset.done $0x0  }
0x118: {  	[sflag:s2] =	ssyncadd.s32 $0xFFFFFF00  }
0x119: {  	_ =	swait.ge [sflag:s2], $0x100  }
0x11a: {  	[sflag:s2] =	ssyncset.done $0x0  }
0x11b: {  	[sflag:s2] =	ssyncadd.s32 $0xFFFFFF00  }
0x11c: {  	_ =	swait.ge [sflag:s2], $0x100  }
0x11d: {  	[sflag:s2] =	ssyncset.done $0x0  }
0x11e: {  	[sflag:s2] =	ssyncadd.s32 $0xFFFFFF00  }
0x11f: {  	_ =	swait.ge [sflag:s2], $0x100  }
0x120: {  	[sflag:s2] =	ssyncset.done $0x0  }
0x121: {  	[sflag:s2] =	ssyncadd.s32 $0xFFFFFF00  }
0x122: {  	[bflag:$0x0] =	sbarrier.arrive $0xFFFF  }
0x123: {  	s7 =	rddreg [dreg:$0x8]  }
0x124: {  	s9 =	rddreg [dreg:$0x9]  }
0x125: {  	s8 =	rddreg [dreg:$0xb]  }
0x126: {  	[hbm:s9], [sflag:s7] =	dma.local [spmem:s8], $0x1880  }
0x127: {  	_ =	swait.ge [sflag:s10], $0x1880  }
0x128: {  	s6 =	rddreg [dreg:$0xc]  }
0x129: {  	s9 =	sadd.s32 $0x1, s6;
	s6 =	rddreg [dreg:$0xa]  }
0x12a: {  	p0 =	sne.s32 s9, s6  }
.Ltmp1:
0x12b: {  	_ = 	snop;
	(pc) =	sbr.rel @p0 .LBB2_1-.Ltmp1, $3  }
0x12c: {  	_ =	sdelay $0x1  }
0x12d: {  	[sflag:s10] =	ssyncset.done $0x0  }
0x12e: {  	[sflag:s10] =	ssyncadd.s32 $0xFFFFE780  }
0x12f: {  	_ =	sfence.sel $0x180000  }
0x130: {  	[bflag:$0x0] =	sbarrier.arrive $0xFFFF  }
0x131: {  	_ =	strace $0x9000004D  }
0x132: {  	s0 =	stileid.u32;
	[bflag:$0x2] =	sbarrier.arrive $0xFFFF  }
0x133: {  	p0 =	sne.s32 s0, $0x0;
	s0 =	rddreg [dreg:$0x3]  }
0x134: {  	s0 =	sadd.s32 @!p0 $0x100000, s0  }
0x135: {  	[sflag:s0] =	ssyncadd.tile.s32 @!p0 $0x1;
	_ =	shalt  }
.Lfunc_end2:
_tile_overlayer_lowered:
.L_overlay_start_2:
0x136: {  	(tag) =	ssettag $0x2  }
0x137: {  	s0 =	rddreg [dreg:$0x0];
	s2 =	stileid.u32  }
0x138: {  	s1 =	rddreg [dreg:$0x1];
	p0 =	sne.s32 s2, $0x0  }
0x139: {  	s3 =	rddreg [dreg:$0x2];
	[bflag:$0x3] =	sbarrier.arrive $0xFFFF;
	s2 =	simm.s32 @!p0 $0x1C03  }
0x13a: {  	[timem:s3], [sflag:s2] =	dma.local @!p0 [hbm:s0], s1  }
0x13b: {  	s0 =	simm.s32 @!p0 $0x3  }
0x13c: {  	_ =	swait.ge @!p0 [sflag:s0], s1  }
0x13d: {  	s1 =	ssub.s32 @!p0 $0x0, s1;
	[sflag:s0] =	ssyncset.done @!p0 $0x0  }
0x13e: {  	[sflag:s0] =	ssyncadd.s32 @!p0 s1  }
0x13f: {  	[bflag:$0x3] =	sbarrier.arrive $0xFFFF  }
0x140: {  	_ =	shalt  }

// kernel: kernel.8.cloned.1.call-start
scs
__scs_entry_jumppad:
0x0: {  	(pc) =	sbr.rel $0x88, $3  }
0x1: {  	(tag) =	ssettag $0x0;
	lr =	simm.s32 $0x1  }
0x2: {  	[smem:$0x3F9B] =	sst lr;
	_ =	strace $0xD0000000  }
0x3: {  	_ = 	snop  }
0x4: {  	_ = 	snop  }
0x5: {  	_ = 	snop  }
0x6: {  	_ = 	snop  }
0x7: {  	_ = 	snop  }
__scs_overlays_trampoline_lowered:
0x8: {  	[smem:$0x3FAA] =	sst s0  }
0x9: {  	[smem:$0x3FAB] =	sst s1  }
0xa: {  	[smem:$0x3FAC] =	sst s2  }
0xb: {  	[smem:$0x3FAD] =	sst s3  }
0xc: {  	[smem:$0x3FAE] =	sst s4  }
0xd: {  	[smem:$0x3FAF] =	sst s5  }
0xe: {  	[smem:$0x3FB0] =	sst s6  }
0xf: {  	[smem:$0x3FB1] =	sst s7  }
0x10: {  	[smem:$0x3FB2] =	sst s8  }
0x11: {  	[smem:$0x3FB3] =	sst s9;
	s0 =	simm.s32 @!p0 $0x0  }
0x12: {  	s1 =	sld [smem:$0x3F99];
	s0 =	simm.s32 @p0 $0x1  }
0x13: {  	[smem:$0x3FB4] =	sst s0;
	s0 =	simm.s32 @!p1 $0x0  }
0x14: {  	s2 =	sld [smem:$0x3F98];
	s0 =	simm.s32 @p1 $0x1  }
0x15: {  	[smem:$0x3FB5] =	sst s0;
	s0 =	simm.s32 @!p2 $0x0  }
0x16: {  	s3 =	sld [smem:$0x3FDB];
	s0 =	simm.s32 @p2 $0x1  }
0x17: {  	s4 =	simm.s32 $0x1BF5;
	[smem:$0x3FB7] =	sst s0  }
0x18: {  	s0 =	sld [smem:$0x3F9A];
	_ =	swait.ge [sflag:s4], $0x0  }
0x19: {  	s7 =	sld [smem:$0x3F9B]  }
0x1a: {  	s8 =	sadd.s32 $0xFFFFE003, lr  }
0x1b: {  	s9 =	sadd.s32 $0xFFFFFEF7, lr;
	s5 =	simm.s32 $0xFFFFFFFF;
	p2 =	slt.u32 s8, $0xFFFFF086  }
0x1c: {  	p1 =	slt.u32 s9, $0xF7A;
	s5 =	simm.s32 @!p2 $0x0  }
0x1d: {  	s5 =	simm.s32 @p1 $0x1;
	p0 =	seq.s32 s7, s2  }
0x1e: {  	s7 =	smul.u32 @!p0 $0xF7A, s2;
	p2 =	seq.s32 @!p0 s5, $0x0  }
0x1f: {  	s9 =	smul.u32 $0xF7A, s1;
	s8 =	simm.s32 @!p0 $0x1BF5;
	p2 =	por !p2, p0  }
0x20: {  	[sflag:s8] =	ssyncset.s32 @!p0 $0xFFFFF086;
	s6 =	sadd.s32 @!p0 s3, s7;
	s7 =	simm.s32 @!p0 $0x108  }
0x21: {  	s3 =	sadd.s32 s3, s9;
	s6 =	sadd.s32 @!p0 $0x88, s6;
	s7 =	simm.s32 @p2 $0x1082  }
0x22: {  	[simem:s7], [sflag:s8] =	dma.local @!p0 [hbm:s6], $0xF7A  }
0x23: {  	s9 =	sor.u32 $0xD0000000, s2;
	s6 =	simm.s32 $0x108;
	_ =	swait.ge @!p0 [sflag:s8], $0x0  }
0x24: {  	s3 =	sadd.s32 $0x88, s3;
	s6 =	simm.s32 @!p1 $0x1082;
	[sflag:s4] =	ssyncset.s32 $0xFFFFF086  }
0x25: {  	[simem:s6], [sflag:s4] =	dma.local [hbm:s3], $0xF7A  }
0x26: {  	[smem:$0x3F9B] =	sst s1;
	(tag) =	ssettag s2;
	_ =	strace s9  }
0x27: {  	s1 =	sld [smem:$0x3FAB]  }
0x28: {  	s2 =	sld [smem:$0x3FAC]  }
0x29: {  	s4 =	sld [smem:$0x3FAE]  }
0x2a: {  	p0 =	seq.s32 s5, $0x0;
	s5 =	sld [smem:$0x3FAF]  }
0x2b: {  	s6 =	sld [smem:$0x3FB0]  }
0x2c: {  	s7 =	sld [smem:$0x3FB1]  }
0x2d: {  	s3 =	simm.s32 $0x108;
	s8 =	sld [smem:$0x3FB2]  }
0x2e: {  	s3 =	simm.s32 @!p0 $0x1082;
	s9 =	sld [smem:$0x3FB3]  }
0x2f: {  	lr =	sadd.s32 s0, s3;
	s0 =	sld [smem:$0x3FAA]  }
0x30: {  	s3 =	sld [smem:$0x3FAD]  }
0x31: {  	[smem:$0x3FB6] =	sst s10  }
0x32: {  	s10 =	sld [smem:$0x3FB4];
	_ =	sdelay $0x3  }
0x33: {  	p0 =	seq.s32 s10, $0x1;
	s10 =	sld [smem:$0x3FB6];
	_ =	sdelay $0x3  }
0x34: {  	[smem:$0x3FB6] =	sst s10  }
0x35: {  	s10 =	sld [smem:$0x3FB5];
	_ =	sdelay $0x3  }
0x36: {  	p1 =	seq.s32 s10, $0x1;
	s10 =	sld [smem:$0x3FB6];
	_ =	sdelay $0x3  }
0x37: {  	[smem:$0x3FB6] =	sst s10  }
0x38: {  	s10 =	sld [smem:$0x3FB7]  }
0x39: {  	_ = 	snop;
	(pc) =	sbr.ind lr, $3  }
0x3a: {  	_ = 	snop  }
0x3b: {  	_ = 	snop  }
0x3c: {  	p2 =	seq.s32 s10, $0x1;
	s10 =	sld [smem:$0x3FB6]  }
0x3d: {  	_ =	shalt  }
0x3e: {  	_ =	shalt  }
0x3f: {  	_ =	shalt  }
0x40: {  	_ =	shalt  }
0x41: {  	_ =	shalt  }
0x42: {  	_ =	shalt  }
0x43: {  	_ =	shalt  }
0x44: {  	_ =	shalt  }
0x45: {  	_ =	shalt  }
0x46: {  	_ =	shalt  }
0x47: {  	_ =	shalt  }
0x48: {  	_ =	shalt  }
0x49: {  	_ =	shalt  }
0x4a: {  	_ =	shalt  }
0x4b: {  	_ =	shalt  }
0x4c: {  	_ =	shalt  }
0x4d: {  	_ =	shalt  }
0x4e: {  	_ =	shalt  }
0x4f: {  	_ =	shalt  }
0x50: {  	_ =	shalt  }
0x51: {  	_ =	shalt  }
0x52: {  	_ =	shalt  }
0x53: {  	_ =	shalt  }
0x54: {  	_ =	shalt  }
0x55: {  	_ =	shalt  }
0x56: {  	_ =	shalt  }
0x57: {  	_ =	shalt  }
0x58: {  	_ =	shalt  }
0x59: {  	_ =	shalt  }
0x5a: {  	_ =	shalt  }
0x5b: {  	_ =	shalt  }
0x5c: {  	_ =	shalt  }
0x5d: {  	_ =	shalt  }
0x5e: {  	_ =	shalt  }
0x5f: {  	_ =	shalt  }
0x60: {  	_ =	shalt  }
0x61: {  	_ =	shalt  }
0x62: {  	_ =	shalt  }
0x63: {  	_ =	shalt  }
0x64: {  	_ =	shalt  }
0x65: {  	_ =	shalt  }
0x66: {  	_ =	shalt  }
0x67: {  	_ =	shalt  }
0x68: {  	_ =	shalt  }
0x69: {  	_ =	shalt  }
0x6a: {  	_ =	shalt  }
0x6b: {  	_ =	shalt  }
0x6c: {  	_ =	shalt  }
0x6d: {  	_ =	shalt  }
0x6e: {  	_ =	shalt  }
0x6f: {  	_ =	shalt  }
0x70: {  	_ =	shalt  }
0x71: {  	_ =	shalt  }
0x72: {  	_ =	shalt  }
0x73: {  	_ =	shalt  }
0x74: {  	_ =	shalt  }
0x75: {  	_ =	shalt  }
0x76: {  	_ =	shalt  }
0x77: {  	_ =	shalt  }
0x78: {  	_ =	shalt  }
0x79: {  	_ =	shalt  }
0x7a: {  	_ =	shalt  }
0x7b: {  	_ =	shalt  }
0x7c: {  	_ =	shalt  }
0x7d: {  	_ =	shalt  }
0x7e: {  	_ =	shalt  }
0x7f: {  	_ =	shalt  }
0x80: {  	_ =	shalt  }
0x81: {  	_ =	shalt  }
0x82: {  	_ =	shalt  }
0x83: {  	_ =	shalt  }
0x84: {  	_ =	shalt  }
0x85: {  	_ =	shalt  }
0x86: {  	_ =	shalt  }
0x87: {  	_ =	shalt  }
.Lfunc_end0:
.L_simem_size_0:
called_computation_lowered:
.L_overlay_start_0:
0x88: {  	s2 =	sld [smem:$0x3FD9]  }
0x89: {  	s3 =	sld [smem:$0x3FFE];
	_ =	sdelay $0x1  }
0x8a: {  	s1 =	srdreg.scid  }
0x8b: {  	s0 =	sand.u32 $0x1, s1  }
0x8c: {  	s17 =	sshll.u32 s0, $0xA;
	s2 =	sadd.s32 s3, s2  }
0x8d: {  	s2 =	sadd.s32 s2, s17  }
0x8e: {  	[smem:$0x3FC2] =	sst s2  }
0x8f: {  	_ = 	snop  }
0x90: {  	s2 =	sld [smem:$0x3FD0];
	(tm) =	ssettm $0x1  }
0x91: {  	s18 =	sld [smem:$0x3FFB];
	_ =	sdelay $0x3  }
0x92: {  	_ =	strace s18  }
0x93: {  	s3 =	sld [smem:$0x3FFC];
	_ =	sdelay $0x3  }
0x94: {  	_ =	strace s3  }
0x95: {  	s3 =	sld [smem:$0x3FFD];
	_ =	sdelay $0x3  }
0x96: {  	_ =	strace s3  }
0x97: {  	_ =	strace $0x8FFFFFFF  }
0x98: {  	s19 =	sld [smem:$0x3FDB];
	_ =	sdelay $0x1  }
0x99: {  	s4 =	simm.s32 $_scs_section_size  }
0x9a: {  	s5 =	simm.s32 $_size__tile_overlayer_lowered;
	s6 =	simm.s32 $_tile_overlayer_lowered  }
0x9b: {  	s22 =	simm.s32 $0x1BFF;
	s21 =	sshll.u32 s6, $0x1;
	s3 =	sadd.s32 s4, s19  }
0x9c: {  	s7 =	simm.s32 $0x0;
	s20 =	sshll.u32 s5, $0x1;
	s5 =	sadd.s32 s21, s3  }
0x9d: {  	[timem:s7], [sflag:s22] =	dma.local [hbm:s5], s20  }
0x9e: {  	_ =	swait.ge [sflag:s22], s20  }
0x9f: {  	s4 =	ssub.s32 $0x0, s20;
	[sflag:s22] =	ssyncset.done $0x0  }
0xa0: {  	[sflag:s22] =	ssyncadd.s32 s4;
	_ =	sdelay $0x1  }
0xa1: {  	s23 =	simm.s32 $0x1B8B  }
0xa2: {  	_ =	swait.ge [sflag:s23], $0x1  }
0xa3: {  	[sflag:s23] =	ssyncset.done $0x0  }
0xa4: {  	s25 =	simm.s32 $0x1B8E;
	s24 =	sld [smem:$0x3FFE];
	[sflag:s23] =	ssyncadd.s32 $0xFFFFFFFF  }
0xa5: {  	s26 =	simm.s32 $execute0_lowered;
	[smem:$0x3FD2] =	sst s25  }
0xa6: {  	s5 =	sshll.u32 s26, $0x1;
	_ =	strace $0x80000046;
	[dreg:$0x1] =	wrdreg $0xFFFFFFFF  }
0xa7: {  	s28 =	simm.s32 $_size_execute0_lowered;
	s3 =	sadd.s32 s3, s5;
	[dreg:$0x0] =	wrdreg $0x0  }
0xa8: {  	s5 =	sshll.u32 s28, $0x1;
	[dreg:$0x2] =	wrdreg s3  }
0xa9: {  	[dreg:$0x3] =	wrdreg s5  }
0xaa: {  	[dreg:$0x4] =	wrdreg $0xC0  }
0xab: {  	_ =	task [dreg:s7], $0x5FFFF  }
0xac: {  	[dreg:$0x1] =	wrdreg $0xFFFFFFFF  }
0xad: {  	[dreg:$0x0] =	wrdreg $0x60  }
0xae: {  	[dreg:$0x2] =	wrdreg s24  }
0xaf: {  	[dreg:$0x3] =	wrdreg s2  }
0xb0: {  	[dreg:$0x4] =	wrdreg $0x24000  }
0xb1: {  	[dreg:$0x5] =	wrdreg $0x9  }
0xb2: {  	_ =	task.clear_ibuf [dreg:s7], $0x6FFFF;
	_ =	strace $0x90000046  }
0xb3: {  	s29 =	simm.s32 $0x9;
	_ =	strace $0x80000048  }
0xb4: {  	_ =	swait.ge [sflag:s29], $0x1  }
0xb5: {  	[sflag:s29] =	ssyncadd.s32 $0xFFFFFFFF  }
0xb6: {  	_ =	strace $0x90000048  }
0xb7: {  	_ =	sfence  }
0xb8: {  	s30 =	sld [smem:$0x0];
	_ =	sdelay $0x2  }
0xb9: {  	s31 =	sshll.u32 s1, $0xD;
	s1 =	sshrl.u32 s1, $0x2  }
0xba: {  	s3 =	sand.u32 $0x4000, s31;
	s1 =	sadd.s32 s1, s30  }
0xbb: {  	s0 =	sor.u32 s3, s0;
	s1 =	sshll.u32 s1, $0x11  }
0xbc: {  	s0 =	sor.u32 s1, s0  }
0xbd: {  	s0 =	sadd.s32 $0x8F2B, s0  }
0xbe: {  	[sflag:s0] =	ssyncadd.remote.s32 $0x1  }
0xbf: {  	_ =	sfence.sel $0xFFFF  }
0xc0: {  	[dreg:$0x0] =	wrdreg $0xFFFFFFFF;
	(pc) =	sbr.abs _section_cstart, $3  }
0xc1: {  	[dreg:$0x1] =	wrdreg $0xFFFFFFFF  }
0xc2: {  	_ =	task.clear_ibuf [dreg:s7], $0x2FFFF;
	_ =	strace $0x9FFFFFFF  }
0xc3: {  	(tm) =	ssettm $0x7FFFFFFF  }
tec
execute0_lowered:
.L_overlay_start_1:
0x0: {  	(tag) =	ssettag $0x1  }
0x1: {  	s1 =	rddreg [dreg:$0x0]  }
0x2: {  	s3 =	srdreg.scid;
	s0 =	stileid.u32  }
0x3: {  	s2 =	rddreg [dreg:$0x1];
	s4 =	simm.s32 $0x0;
	s12 =	simm.s32 $0x400  }
0x4: {  	s13 =	simm.s32 $0x800;
	s14 =	simm.s32 $0xC00;
	s15 =	simm.s32 $0x1000  }
0x5: {  	s16 =	simm.s32 $0x1400;
	s17 =	simm.s32 $0x1800;
	s18 =	simm.s32 $0x1C00  }
0x6: {  	s19 =	simm.s32 $0x2000;
	s20 =	simm.s32 $0x80;
	s21 =	simm.s32 $0x100  }
0x7: {  	s22 =	simm.s32 $0x180;
	s23 =	simm.s32 $0x200;
	s28 =	simm.s32 $0x1  }
0x8: {  	s6 =	sand.u32 $0x1, s3;
	s7 =	smul.u32 $0x18800, s0;
	s3 =	rddreg [dreg:$0x2]  }
0x9: {  	s29 =	simm.s32 $0x0;
	s9 =	smul.u32 $0xC400, s0;
	[smem:$0x7FF] =	sst s4  }
0xa: {  	s5 =	sadd.s32 $0x1400, s1;
	s31 =	sshll.u32 s0, $0x6;
	s8 =	smul.u32 $0xC400, s6  }
0xb: {  	s10 =	smul.u32 $0xC4000, s6;
	_ =	strace $0x80000047;
	s6 =	ssub.s32 $0x2, s6  }
0xc: {  	s30 =	sshrl.u32 s6, $0x1;
	s11 =	sadd.s32 s9, s3;
	s7 =	sadd.s32 s8, s7  }
0xd: {  	s24 =	sadd.s32 s9, s10;
	s8 =	ssub.s32 s6, s30;
	s6 =	sor.u32 $0x1C02, s31  }
0xe: {  	s10 =	sshrl.u32 s11, $0x3;
	s11 =	simm.s32 $0x2;
	s7 =	sshrl.u32 s7, $0x3  }
0xf: {  	s26 =	sshrl.u32 s24, $0x3;
	s8 =	smax.u32 s8, $0x1;
	s24 =	simm.s32 $0x280  }
0x10: {  	s25 =	sadd.s32 s7, s1;
	s1 =	sadd.s32 s26, s1;
	s26 =	simm.s32 $0x380  }
0x11: {  	s7 =	sadd.s32 $0x63600, s1;
	s9 =	sadd.s32 $0x1600, s25;
	s25 =	simm.s32 $0x300  }
.LBB2_1:
0x12: {  	[spmem:s10], [sflag:s6] =	dma.local [hbm:s2], $0x1880  }
0x13: {  	_ =	swait.ge [sflag:s11], $0x1880  }
0x14: {  	[sflag:s11] =	ssyncset.done $0x0  }
0x15: {  	[sflag:s11] =	ssyncadd.s32 $0xFFFFE780  }
0x16: {  	[tilespmem:s12], [sflag:$0x2] =	stream.linear.gather [hbm4b:s5+s4], $0x400, $0x38;
	[tilespmem:$0x3C80] =	vst v63  }
0x17: {  	_ =	swait.ge [sflag:s11], $0x400  }
0x18: {  	[sflag:s11] =	ssyncset.done $0x0  }
0x19: {  	[sflag:s11] =	ssyncadd.s32 $0xFFFFFC00  }
0x1a: {  	[tilespmem:s13], [sflag:$0x2] =	stream.linear.gather [hbm4b:s5+s4], $0x400, $0x38;
	[tilespmem:$0x3C80] =	vst v63  }
0x1b: {  	_ =	swait.ge [sflag:s11], $0x400  }
0x1c: {  	[sflag:s11] =	ssyncset.done $0x0  }
0x1d: {  	[sflag:s11] =	ssyncadd.s32 $0xFFFFFC00  }
0x1e: {  	[tilespmem:s14], [sflag:$0x2] =	stream.linear.gather [hbm4b:s5+s4], $0x400, $0x38;
	[tilespmem:$0x3C80] =	vst v63  }
0x1f: {  	_ =	swait.ge [sflag:s11], $0x400  }
0x20: {  	[sflag:s11] =	ssyncset.done $0x0  }
0x21: {  	[sflag:s11] =	ssyncadd.s32 $0xFFFFFC00  }
0x22: {  	[tilespmem:s15], [sflag:$0x2] =	stream.linear.gather [hbm4b:s5+s4], $0x400, $0x38;
	[tilespmem:$0x3C80] =	vst v63  }
0x23: {  	_ =	swait.ge [sflag:s11], $0x400  }
0x24: {  	[sflag:s11] =	ssyncset.done $0x0  }
0x25: {  	[sflag:s11] =	ssyncadd.s32 $0xFFFFFC00  }
0x26: {  	[tilespmem:s16], [sflag:$0x2] =	stream.linear.gather [hbm4b:s5+s4], $0x400, $0x38;
	[tilespmem:$0x3C80] =	vst v63  }
0x27: {  	_ =	swait.ge [sflag:s11], $0x400  }
0x28: {  	[sflag:s11] =	ssyncset.done $0x0  }
0x29: {  	[sflag:s11] =	ssyncadd.s32 $0xFFFFFC00  }
0x2a: {  	[tilespmem:s17], [sflag:$0x2] =	stream.linear.gather [hbm4b:s5+s4], $0x400, $0x38;
	[tilespmem:$0x3C80] =	vst v63  }
0x2b: {  	_ =	swait.ge [sflag:s11], $0x400  }
0x2c: {  	[sflag:s11] =	ssyncset.done $0x0  }
0x2d: {  	[sflag:s11] =	ssyncadd.s32 $0xFFFFFC00  }
0x2e: {  	[tilespmem:s18], [sflag:$0x2] =	stream.linear.gather [hbm4b:s5+s4], $0x400, $0x38;
	[tilespmem:$0x3C80] =	vst v63  }
0x2f: {  	_ =	swait.ge [sflag:s11], $0x400  }
0x30: {  	[sflag:s11] =	ssyncset.done $0x0  }
0x31: {  	[sflag:s11] =	ssyncadd.s32 $0xFFFFFC00  }
0x32: {  	[tilespmem:s19], [sflag:$0x2] =	stream.linear.gather [hbm4b:s5+s4], $0x400, $0x38;
	[tilespmem:$0x3C80] =	vst v63  }
0x33: {  	_ =	swait.ge [sflag:s11], $0x400  }
0x34: {  	[sflag:s11] =	ssyncset.done $0x0  }
0x35: {  	[sflag:s11] =	ssyncadd.s32 $0xFFFFFC00  }
0x36: {  	s1 =	sadd.s32 $0x0, s9;
	[bflag:$0x0] =	sbarrier.arrive $0xFFFF  }
0x37: {  	[tilespmem:s4], [sflag:$0x2] =	stream.linear.gather [hbm4b:s1+s4], $0x400, $0x38;
	[tilespmem:$0x3C80] =	vst v63  }
0x38: {  	_ =	swait.ge [sflag:s11], $0x400  }
0x39: {  	[sflag:s11] =	ssyncset.done $0x0  }
0x3a: {  	[sflag:s11] =	ssyncadd.s32 $0xFFFFFC00  }
0x3b: {  	[spmem:s3] =	stream.indirect.scatter.add.f32 [tilespmem:s12], [sflag:$0x1], $0x1, s4, s20, $0xb8;
	[tilespmem:$0x3C80] =	vst v63  }
0x3c: {  	_ = 	snop  }
0x3d: {  	[spmem:s3] =	stream.indirect.scatter.add.f32 [tilespmem:s13], [sflag:$0x1], $0x1, s20, s20, $0xb8;
	[tilespmem:$0x3C80] =	vst v63  }
0x3e: {  	_ = 	snop  }
0x3f: {  	[spmem:s3] =	stream.indirect.scatter.add.f32 [tilespmem:s14], [sflag:$0x1], $0x1, s21, s20, $0xb8;
	[tilespmem:$0x3C80] =	vst v63  }
0x40: {  	_ = 	snop  }
0x41: {  	[spmem:s3] =	stream.indirect.scatter.add.f32 [tilespmem:s15], [sflag:$0x1], $0x1, s22, s20, $0xb8;
	[tilespmem:$0x3C80] =	vst v63  }
0x42: {  	_ = 	snop  }
0x43: {  	[spmem:s3] =	stream.indirect.scatter.add.f32 [tilespmem:s16], [sflag:$0x1], $0x1, s23, s20, $0xb8;
	[tilespmem:$0x3C80] =	vst v63  }
0x44: {  	_ = 	snop  }
0x45: {  	[spmem:s3] =	stream.indirect.scatter.add.f32 [tilespmem:s17], [sflag:$0x1], $0x1, s24, s20, $0xb8;
	[tilespmem:$0x3C80] =	vst v63  }
0x46: {  	_ = 	snop  }
0x47: {  	[spmem:s3] =	stream.indirect.scatter.add.f32 [tilespmem:s18], [sflag:$0x1], $0x1, s25, s20, $0xb8;
	[tilespmem:$0x3C80] =	vst v63  }
0x48: {  	_ = 	snop  }
0x49: {  	[spmem:s3] =	stream.indirect.scatter.add.f32 [tilespmem:s19], [sflag:$0x1], $0x1, s26, s20, $0xb8;
	[tilespmem:$0x3C80] =	vst v63  }
0x4a: {  	_ =	swait.ge [sflag:s28], $0x80  }
0x4b: {  	[sflag:s28] =	ssyncset.done $0x0  }
0x4c: {  	[sflag:s28] =	ssyncadd.s32 $0xFFFFFF80  }
0x4d: {  	_ =	swait.ge [sflag:s28], $0x80  }
0x4e: {  	[sflag:s28] =	ssyncset.done $0x0  }
0x4f: {  	[sflag:s28] =	ssyncadd.s32 $0xFFFFFF80  }
0x50: {  	_ =	swait.ge [sflag:s28], $0x80  }
0x51: {  	[sflag:s28] =	ssyncset.done $0x0  }
0x52: {  	[sflag:s28] =	ssyncadd.s32 $0xFFFFFF80  }
0x53: {  	_ =	swait.ge [sflag:s28], $0x80  }
0x54: {  	[sflag:s28] =	ssyncset.done $0x0  }
0x55: {  	[sflag:s28] =	ssyncadd.s32 $0xFFFFFF80  }
0x56: {  	_ =	swait.ge [sflag:s28], $0x80  }
0x57: {  	[sflag:s28] =	ssyncset.done $0x0  }
0x58: {  	[sflag:s28] =	ssyncadd.s32 $0xFFFFFF80  }
0x59: {  	_ =	swait.ge [sflag:s28], $0x80  }
0x5a: {  	[sflag:s28] =	ssyncset.done $0x0  }
0x5b: {  	[sflag:s28] =	ssyncadd.s32 $0xFFFFFF80  }
0x5c: {  	_ =	swait.ge [sflag:s28], $0x80  }
0x5d: {  	[sflag:s28] =	ssyncset.done $0x0  }
0x5e: {  	[sflag:s28] =	ssyncadd.s32 $0xFFFFFF80  }
0x5f: {  	_ =	swait.ge [sflag:s28], $0x80  }
0x60: {  	s30 =	simm.s32 $0x80;
	s31 =	simm.s32 $0x100;
	[sflag:s28] =	ssyncset.done $0x0  }
.LBB2_2:
0x61: {  	s0 =	sadd.s32 s30, s9  }
0x62: {  	[sflag:s28] =	ssyncadd.s32 $0xFFFFFF80;
	s30 =	smov.u32 s31;
	s1 =	sadd.s32 $0x80, s31  }
0x63: {  	[tilespmem:s4], [sflag:$0x2] =	stream.linear.gather [hbm4b:s0+s4], $0x400, $0x38;
	[tilespmem:$0x3C80] =	vst v63  }
0x64: {  	p0 =	sne.s32 s31, $0x1800;
	_ =	swait.ge [sflag:s11], $0x400  }
0x65: {  	[sflag:s11] =	ssyncset.done $0x0  }
0x66: {  	[sflag:s11] =	ssyncadd.s32 $0xFFFFFC00  }
0x67: {  	[spmem:s3] =	stream.indirect.scatter.add.f32 [tilespmem:s12], [sflag:$0x1], $0x1, s4, s20, $0xb8;
	[tilespmem:$0x3C80] =	vst v63  }
0x68: {  	_ = 	snop  }
0x69: {  	[spmem:s3] =	stream.indirect.scatter.add.f32 [tilespmem:s13], [sflag:$0x1], $0x1, s20, s20, $0xb8;
	[tilespmem:$0x3C80] =	vst v63  }
0x6a: {  	_ = 	snop  }
0x6b: {  	[spmem:s3] =	stream.indirect.scatter.add.f32 [tilespmem:s14], [sflag:$0x1], $0x1, s21, s20, $0xb8;
	[tilespmem:$0x3C80] =	vst v63  }
0x6c: {  	_ = 	snop  }
0x6d: {  	[spmem:s3] =	stream.indirect.scatter.add.f32 [tilespmem:s15], [sflag:$0x1], $0x1, s22, s20, $0xb8;
	[tilespmem:$0x3C80] =	vst v63  }
0x6e: {  	_ = 	snop  }
0x6f: {  	[spmem:s3] =	stream.indirect.scatter.add.f32 [tilespmem:s16], [sflag:$0x1], $0x1, s23, s20, $0xb8;
	[tilespmem:$0x3C80] =	vst v63  }
0x70: {  	_ = 	snop  }
0x71: {  	[spmem:s3] =	stream.indirect.scatter.add.f32 [tilespmem:s17], [sflag:$0x1], $0x1, s24, s20, $0xb8;
	[tilespmem:$0x3C80] =	vst v63  }
0x72: {  	_ = 	snop  }
0x73: {  	[spmem:s3] =	stream.indirect.scatter.add.f32 [tilespmem:s18], [sflag:$0x1], $0x1, s25, s20, $0xb8;
	[tilespmem:$0x3C80] =	vst v63  }
0x74: {  	_ = 	snop  }
0x75: {  	[spmem:s3] =	stream.indirect.scatter.add.f32 [tilespmem:s19], [sflag:$0x1], $0x1, s26, s20, $0xb8;
	[tilespmem:$0x3C80] =	vst v63  }
0x76: {  	_ =	swait.ge [sflag:s28], $0x80  }
0x77: {  	[sflag:s28] =	ssyncset.done $0x0  }
0x78: {  	[sflag:s28] =	ssyncadd.s32 $0xFFFFFF80  }
0x79: {  	_ =	swait.ge [sflag:s28], $0x80  }
0x7a: {  	[sflag:s28] =	ssyncset.done $0x0  }
0x7b: {  	[sflag:s28] =	ssyncadd.s32 $0xFFFFFF80  }
0x7c: {  	_ =	swait.ge [sflag:s28], $0x80  }
0x7d: {  	[sflag:s28] =	ssyncset.done $0x0  }
0x7e: {  	[sflag:s28] =	ssyncadd.s32 $0xFFFFFF80  }
0x7f: {  	_ =	swait.ge [sflag:s28], $0x80  }
0x80: {  	[sflag:s28] =	ssyncset.done $0x0  }
0x81: {  	[sflag:s28] =	ssyncadd.s32 $0xFFFFFF80  }
0x82: {  	_ =	swait.ge [sflag:s28], $0x80  }
0x83: {  	[sflag:s28] =	ssyncset.done $0x0  }
0x84: {  	[sflag:s28] =	ssyncadd.s32 $0xFFFFFF80  }
0x85: {  	_ =	swait.ge [sflag:s28], $0x80  }
0x86: {  	[sflag:s28] =	ssyncset.done $0x0  }
0x87: {  	[sflag:s28] =	ssyncadd.s32 $0xFFFFFF80  }
.Ltmp0:
0x88: {  	_ =	swait.ge [sflag:s28], $0x80;
	(pc) =	sbr.rel @p0 .LBB2_2-.Ltmp0, $4  }
0x89: {  	[sflag:s28] =	ssyncset.done $0x0  }
0x8a: {  	[sflag:s28] =	ssyncadd.s32 $0xFFFFFF80  }
0x8b: {  	_ =	swait.ge [sflag:s28], $0x80  }
0x8c: {  	s31 =	smov.u32 s1;
	[sflag:s28] =	ssyncset.done $0x0  }
0x8d: {  	s0 =	sadd.s32 s30, s9;
	[sflag:s28] =	ssyncadd.s32 $0xFFFFFF80  }
0x8e: {  	[tilespmem:s4], [sflag:$0x2] =	stream.linear.gather [hbm4b:s0+s4], $0x400, $0x38;
	[tilespmem:$0x3C80] =	vst v63  }
0x8f: {  	_ =	swait.ge [sflag:s11], $0x400  }
0x90: {  	[sflag:s11] =	ssyncset.done $0x0  }
0x91: {  	[sflag:s11] =	ssyncadd.s32 $0xFFFFFC00  }
0x92: {  	[spmem:s3] =	stream.indirect.scatter.add.f32 [tilespmem:s12], [sflag:$0x1], $0x1, s4, s20, $0xb8;
	[tilespmem:$0x3C80] =	vst v63  }
0x93: {  	_ = 	snop  }
0x94: {  	[spmem:s3] =	stream.indirect.scatter.add.f32 [tilespmem:s13], [sflag:$0x1], $0x1, s20, s20, $0xb8;
	[tilespmem:$0x3C80] =	vst v63  }
0x95: {  	_ = 	snop  }
0x96: {  	[spmem:s3] =	stream.indirect.scatter.add.f32 [tilespmem:s14], [sflag:$0x1], $0x1, s21, s20, $0xb8;
	[tilespmem:$0x3C80] =	vst v63  }
0x97: {  	_ = 	snop  }
0x98: {  	[spmem:s3] =	stream.indirect.scatter.add.f32 [tilespmem:s15], [sflag:$0x1], $0x1, s22, s20, $0xb8;
	[tilespmem:$0x3C80] =	vst v63  }
0x99: {  	_ = 	snop  }
0x9a: {  	[spmem:s3] =	stream.indirect.scatter.add.f32 [tilespmem:s16], [sflag:$0x1], $0x1, s23, s20, $0xb8;
	[tilespmem:$0x3C80] =	vst v63  }
0x9b: {  	_ = 	snop  }
0x9c: {  	[spmem:s3] =	stream.indirect.scatter.add.f32 [tilespmem:s17], [sflag:$0x1], $0x1, s24, s20, $0xb8;
	[tilespmem:$0x3C80] =	vst v63  }
0x9d: {  	_ = 	snop  }
0x9e: {  	[spmem:s3] =	stream.indirect.scatter.add.f32 [tilespmem:s18], [sflag:$0x1], $0x1, s25, s20, $0xb8;
	[tilespmem:$0x3C80] =	vst v63  }
0x9f: {  	_ = 	snop  }
0xa0: {  	[spmem:s3] =	stream.indirect.scatter.add.f32 [tilespmem:s19], [sflag:$0x1], $0x1, s26, s20, $0xb8;
	[tilespmem:$0x3C80] =	vst v63  }
0xa1: {  	_ =	swait.ge [sflag:s28], $0x80  }
0xa2: {  	[sflag:s28] =	ssyncset.done $0x0  }
0xa3: {  	[sflag:s28] =	ssyncadd.s32 $0xFFFFFF80  }
0xa4: {  	_ =	swait.ge [sflag:s28], $0x80  }
0xa5: {  	[sflag:s28] =	ssyncset.done $0x0  }
0xa6: {  	[sflag:s28] =	ssyncadd.s32 $0xFFFFFF80  }
0xa7: {  	_ =	swait.ge [sflag:s28], $0x80  }
0xa8: {  	[sflag:s28] =	ssyncset.done $0x0  }
0xa9: {  	[sflag:s28] =	ssyncadd.s32 $0xFFFFFF80  }
0xaa: {  	_ =	swait.ge [sflag:s28], $0x80  }
0xab: {  	[sflag:s28] =	ssyncset.done $0x0  }
0xac: {  	[sflag:s28] =	ssyncadd.s32 $0xFFFFFF80  }
0xad: {  	_ =	swait.ge [sflag:s28], $0x80  }
0xae: {  	[sflag:s28] =	ssyncset.done $0x0  }
0xaf: {  	[sflag:s28] =	ssyncadd.s32 $0xFFFFFF80  }
0xb0: {  	_ =	swait.ge [sflag:s28], $0x80  }
0xb1: {  	[sflag:s28] =	ssyncset.done $0x0  }
0xb2: {  	[sflag:s28] =	ssyncadd.s32 $0xFFFFFF80  }
0xb3: {  	_ =	swait.ge [sflag:s28], $0x80  }
0xb4: {  	[sflag:s28] =	ssyncset.done $0x0  }
0xb5: {  	[sflag:s28] =	ssyncadd.s32 $0xFFFFFF80  }
0xb6: {  	_ =	swait.ge [sflag:s28], $0x80  }
0xb7: {  	s29 =	sadd.s32 $0x1, s29;
	[sflag:s28] =	ssyncset.done $0x0  }
0xb8: {  	p0 =	sne.s32 s29, s8;
	[sflag:s28] =	ssyncadd.s32 $0xFFFFFF80  }
.Ltmp1:
0xb9: {  	[bflag:$0x0] =	sbarrier.arrive $0xFFFF;
	(pc) =	sbr.rel @p0 .LBB2_1-.Ltmp1, $4  }
0xba: {  	[hbm:s7], [sflag:s6] =	dma.local [spmem:s10], $0x1880  }
0xbb: {  	_ =	swait.ge [sflag:s11], $0x1880  }
0xbc: {  	[sflag:s11] =	ssyncset.done $0x0  }
0xbd: {  	[sflag:s11] =	ssyncadd.s32 $0xFFFFE780  }
0xbe: {  	_ =	sfence.sel $0x180000  }
0xbf: {  	[bflag:$0x0] =	sbarrier.arrive $0xFFFF  }
0xc0: {  	_ =	strace $0x90000047  }
0xc1: {  	s0 =	stileid.u32;
	[bflag:$0x2] =	sbarrier.arrive $0xFFFF  }
0xc2: {  	p0 =	sne.s32 s0, $0x0;
	s0 =	rddreg [dreg:$0x3]  }
0xc3: {  	s0 =	sadd.s32 @!p0 $0x100000, s0  }
0xc4: {  	[sflag:s0] =	ssyncadd.tile.s32 @!p0 $0x1;
	_ =	shalt  }
.Lfunc_end2:
_tile_overlayer_lowered:
.L_overlay_start_2:
0xc5: {  	(tag) =	ssettag $0x2  }
0xc6: {  	s0 =	rddreg [dreg:$0x0];
	s2 =	stileid.u32  }
0xc7: {  	s1 =	rddreg [dreg:$0x1];
	p0 =	sne.s32 s2, $0x0  }
0xc8: {  	s3 =	rddreg [dreg:$0x2];
	[bflag:$0x3] =	sbarrier.arrive $0xFFFF;
	s2 =	simm.s32 @!p0 $0x1C02  }
0xc9: {  	[timem:s3], [sflag:s2] =	dma.local @!p0 [hbm:s0], s1  }
0xca: {  	s0 =	simm.s32 @!p0 $0x2  }
0xcb: {  	_ =	swait.ge @!p0 [sflag:s0], s1  }
0xcc: {  	s1 =	ssub.s32 @!p0 $0x0, s1;
	[sflag:s0] =	ssyncset.done @!p0 $0x0  }
0xcd: {  	[sflag:s0] =	ssyncadd.s32 @!p0 s1  }
0xce: {  	[bflag:$0x3] =	sbarrier.arrive $0xFFFF  }
0xcf: {  	_ =	shalt  }

</sc_bundles>
